<compile_context>
chip_gen: v7x
topology: tpu7x:2x2x1
jax: 0.10.2.dev20260603
libtpu: 0.0.44.dev20260713+nightly
codegen_flags: <defaults>
</compile_context>

<pallas_src>
import dataclasses
import functools

import jax
import jax.numpy as jnp
from jax import lax
from jax.experimental import pallas as pl
from jax.experimental.pallas import tpu as pltpu
from jax.experimental.pallas import tpu_sc as plsc

NC = 2
NS = 16
G = 64
DW = 16
CH = 400

_MESH = plsc.VectorSubcoreMesh(
    core_axis_name="core", subcore_axis_name="subcore",
    num_cores=NC, num_subcores=NS)


def _edge_window(e):
    for w in (256, 128, 64, 32, 16, 8):
        if e % w == 0:
            return w
    return 8


def _sc_degree(dst, n_pad):
    e = dst.shape[0]
    epw = e // (NC * NS)
    rng = n_pad // NS
    nred = rng // 16

    cp = pltpu.CompilerParams()
    if "needs_layout_passes" in pltpu.CompilerParams.__dataclass_fields__:
        cp = dataclasses.replace(cp, needs_layout_passes=False)

    @functools.partial(
        pl.kernel,
        out_type=jax.ShapeDtypeStruct((NC, n_pad), jnp.float32),
        mesh=_MESH,
        compiler_params=cp,
        scratch_types=[
            pltpu.VMEM((epw,), jnp.int32),
            pltpu.VMEM((8, n_pad), jnp.float32),
            pltpu.VMEM((rng,), jnp.float32),
            pltpu.VMEM((rng,), jnp.float32),
            pltpu.VMEM_SHARED((NS, n_pad), jnp.float32),
            pltpu.SemaphoreType.DMA,
        ])
    def deg_kernel(dst_hbm, out_hbm,
                   didx, hist8, acc_r, tmp_r, stage, sem):
        core = lax.axis_index("core")
        sub = lax.axis_index("subcore")
        wid = core * NS + sub
        ones16 = jnp.ones((16,), jnp.float32)
        zeros16 = jnp.zeros((16,), jnp.float32)
        lane = lax.iota(jnp.int32, 16)
        row = lane % 8
        lo = lane < 8
        hi = jnp.logical_not(lo)

        @pl.loop(0, 8)
        def _(b):
            @pl.loop(0, n_pad // 16)
            def _(c):
                hist8[b, pl.ds(c * 16, 16)] = zeros16

        pltpu.sync_copy(dst_hbm.at[pl.ds(wid * epw, epw)], didx)

        @pl.loop(0, epw // 16)
        def _(i):
            idxv = didx[pl.ds(i * 16, 16)]
            plsc.addupdate_scatter(hist8, [row, idxv], ones16, mask=lo)
            plsc.addupdate_scatter(hist8, [row, idxv], ones16, mask=hi)

        @pl.loop(1, 8)
        def _(b):
            @pl.loop(0, n_pad // 16)
            def _(c):
                s = pl.ds(c * 16, 16)
                hist8[0, s] = hist8[0, s] + hist8[b, s]

        pltpu.sync_copy(hist8.at[0], stage.at[sub])
        plsc.subcore_barrier()

        pltpu.sync_copy(stage.at[0].at[pl.ds(sub * rng, rng)], acc_r)

        @pl.loop(1, NS)
        def _(j):
            pltpu.sync_copy(stage.at[j].at[pl.ds(sub * rng, rng)], tmp_r)

            @pl.loop(0, nred)
            def _(c):
                s = pl.ds(c * 16, 16)
                acc_r[s] = acc_r[s] + tmp_r[s]

        pltpu.sync_copy(acc_r, out_hbm.at[core].at[pl.ds(sub * rng, rng)])

    return deg_kernel(dst)


def _sc_aggregate(g, src_p, dst_p, zero_rows):
    n, d = g.shape
    e = dst_p.shape[0]
    w = 160
    assert e % w == 0
    nwin = e // w
    nw_ = NC * NS
    wpass = -(-nwin // nw_)
    nch = n // CH
    npass = -(-nch // NS)

    @functools.partial(
        pl.kernel,
        out_type=jax.ShapeDtypeStruct((NC, n, d), jnp.float32),
        mesh=_MESH,
        scratch_types=[
            pltpu.VMEM((w,), jnp.int32),
            pltpu.VMEM((w,), jnp.int32),
            pltpu.VMEM((w,), jnp.int32),
            pltpu.VMEM((w,), jnp.int32),
            pltpu.VMEM((w, d), jnp.float32),
            pltpu.VMEM((w, d), jnp.float32),
            pltpu.VMEM_SHARED((n, d), jnp.float32),
            pltpu.SemaphoreType.DMA,
            pltpu.SemaphoreType.DMA,
            pltpu.SemaphoreType.DMA,
            pltpu.SemaphoreType.DMA,
            pltpu.SemaphoreType.DMA,
            pltpu.SemaphoreType.DMA,
            pltpu.SemaphoreType.DMA,
            pltpu.SemaphoreType.DMA,
        ])
    def agg_kernel(g_hbm, src_hbm, dst_hbm, zero_hbm, out_hbm,
                   src0, dst0, src1, dst1, rows0, rows1, acc,
                   ss0, sd0, sg0, sa0, ss1, sd1, sg1, sa1):
        core = lax.axis_index("core")
        sub = lax.axis_index("subcore")
        wid = core * NS + sub

        @pl.loop(0, npass)
        def _(c):
            chunk = c * NS + sub

            @pl.when(chunk < nch)
            def _():
                pltpu.sync_copy(zero_hbm, acc.at[pl.ds(chunk * CH, CH)])

        plsc.subcore_barrier()

        def exists(k):
            return k * nw_ + wid < nwin

        def off(k):
            return (k * nw_ + wid) * w

        def issue_idx(k, src_b, dst_b, ssem, dsem):
            @pl.when(exists(k))
            def _():
                pltpu.async_copy(src_hbm.at[pl.ds(off(k), w)], src_b, ssem)
                pltpu.async_copy(dst_hbm.at[pl.ds(off(k), w)], dst_b, dsem)

        def issue_gather(k, src_b, rows_b, ssem, gsem):
            @pl.when(exists(k))
            def _():
                pltpu.make_async_copy(src_hbm.at[pl.ds(off(k), w)], src_b,
                                      ssem).wait()
                pltpu.async_copy(g_hbm.at[src_b], rows_b, gsem)

        def start_scatter(k, src_b, dst_b, rows_b, dsem, gsem, asem):
            @pl.when(exists(k))
            def _():
                pltpu.make_async_copy(g_hbm.at[src_b], rows_b, gsem).wait()
                pltpu.make_async_copy(dst_hbm.at[pl.ds(off(k), w)], dst_b,
                                      dsem).wait()
                pltpu.async_copy(rows_b, acc.at[dst_b], asem, add=True)

        def wait_scatter(k, dst_b, rows_b, asem):
            @pl.when(exists(k))
            def _():
                pltpu.make_async_copy(rows_b, acc.at[dst_b], asem).wait()

        issue_idx(0, src0, dst0, ss0, sd0)
        issue_idx(1, src1, dst1, ss1, sd1)
        issue_gather(0, src0, rows0, ss0, sg0)

        @pl.loop(0, (wpass + 1) // 2)
        def _(t):
            k = 2 * t
            issue_gather(k + 1, src1, rows1, ss1, sg1)
            start_scatter(k, src0, dst0, rows0, sd0, sg0, sa0)
            wait_scatter(k, dst0, rows0, sa0)
            issue_idx(k + 2, src0, dst0, ss0, sd0)
            issue_gather(k + 2, src0, rows0, ss0, sg0)
            start_scatter(k + 1, src1, dst1, rows1, sd1, sg1, sa1)
            wait_scatter(k + 1, dst1, rows1, sa1)
            issue_idx(k + 3, src1, dst1, ss1, sd1)

        plsc.subcore_barrier()

        @pl.loop(0, npass)
        def _(c):
            chunk = c * NS + sub

            @pl.when(chunk < nch)
            def _():
                pltpu.sync_copy(acc.at[pl.ds(chunk * CH, CH)],
                                out_hbm.at[core].at[pl.ds(chunk * CH, CH)])

    return agg_kernel(g, src_p, dst_p, zero_rows)


def _tc_first(x, w1, dg, blk):
    n, d = x.shape
    h = w1.shape[1]
    nb = n // blk

    def body(x_ref, w_ref, d0_ref, d1_ref, g_ref, dinv_ref):
        deg = d0_ref[0] + d1_ref[0] + 1.0
        dinv = lax.rsqrt(jnp.maximum(deg, 1.0))
        hh = jnp.dot(x_ref[...], w_ref[...],
                     preferred_element_type=jnp.float32)
        g_ref[...] = hh * dinv
        dinv_ref[...] = jnp.broadcast_to(dinv, (blk, h))

    return pl.pallas_call(
        body,
        grid=(nb,),
        in_specs=[
            pl.BlockSpec((blk, d), lambda i: (i, 0)),
            pl.BlockSpec((d, h), lambda i: (0, 0)),
            pl.BlockSpec((1, blk, 1), lambda i: (0, i, 0)),
            pl.BlockSpec((1, blk, 1), lambda i: (1, i, 0)),
        ],
        out_specs=[
            pl.BlockSpec((blk, h), lambda i: (i, 0)),
            pl.BlockSpec((blk, h), lambda i: (i, 0)),
        ],
        out_shape=[
            jax.ShapeDtypeStruct((n, h), jnp.float32),
            jax.ShapeDtypeStruct((n, h), jnp.float32),
        ])(x, w1, dg, dg)


def _tc_layer(acc, g_prev, dinv, b, wk, blk):
    n, h = g_prev.shape

    def body(a0_ref, a1_ref, gp_ref, dinv_ref, b_ref, w_ref, g_ref):
        s = (a0_ref[0] + a1_ref[0] + gp_ref[...]) * dinv_ref[...] + b_ref[...]
        xk = jnp.maximum(s, 0.0)
        hh = jnp.dot(xk, w_ref[...], preferred_element_type=jnp.float32)
        g_ref[...] = hh * dinv_ref[...]

    return pl.pallas_call(
        body,
        grid=(n // blk,),
        in_specs=[
            pl.BlockSpec((1, blk, h), lambda i: (0, i, 0)),
            pl.BlockSpec((1, blk, h), lambda i: (1, i, 0)),
            pl.BlockSpec((blk, h), lambda i: (i, 0)),
            pl.BlockSpec((blk, h), lambda i: (i, 0)),
            pl.BlockSpec((1, h), lambda i: (0, 0)),
            pl.BlockSpec((h, h), lambda i: (0, 0)),
        ],
        out_specs=pl.BlockSpec((blk, h), lambda i: (i, 0)),
        out_shape=jax.ShapeDtypeStruct((n, h), jnp.float32),
    )(acc, acc, g_prev, dinv, b, wk)


def _tc_final(acc, g4, dinv, b4, batch3d, wl, bl, blk):
    n, h = g4.shape
    nb = n // blk

    def body(a0_ref, a1_ref, g_ref, dinv_ref, b_ref, batch_ref,
             wl_ref, bl_ref, out_ref, pooled_ref):
        i = pl.program_id(0)
        h4 = (a0_ref[0] + a1_ref[0] + g_ref[...]) * dinv_ref[...] + b_ref[...]
        ids = jnp.broadcast_to(batch_ref[0], (G, blk))
        onehot = (lax.broadcasted_iota(jnp.int32, (G, blk), 0)
                  == ids).astype(jnp.float32)
        part = jnp.dot(onehot, h4, preferred_element_type=jnp.float32, precision=lax.Precision.HIGHEST)

        @pl.when(i == 0)
        def _():
            pooled_ref[...] = part

        @pl.when(i > 0)
        def _():
            pooled_ref[...] += part

        @pl.when(i == nb - 1)
        def _():
            out_ref[...] = (jnp.dot(pooled_ref[...], wl_ref[...],
                                    preferred_element_type=jnp.float32)
                            + bl_ref[...])

    return pl.pallas_call(
        body,
        grid=(nb,),
        in_specs=[
            pl.BlockSpec((1, blk, h), lambda i: (0, i, 0)),
            pl.BlockSpec((1, blk, h), lambda i: (1, i, 0)),
            pl.BlockSpec((blk, h), lambda i: (i, 0)),
            pl.BlockSpec((blk, h), lambda i: (i, 0)),
            pl.BlockSpec((1, h), lambda i: (0, 0)),
            pl.BlockSpec((1, 1, blk), lambda i: (i, 0, 0)),
            pl.BlockSpec((h, 1), lambda i: (0, 0)),
            pl.BlockSpec((1, 1), lambda i: (0, 0)),
        ],
        out_specs=pl.BlockSpec((G, 1), lambda i: (0, 0)),
        out_shape=jax.ShapeDtypeStruct((G, 1), jnp.float32),
        scratch_shapes=[pltpu.VMEM((G, h), jnp.float32)],
    )(acc, acc, g4, dinv, b4, batch3d, wl, bl)


def kernel(x, edge_index, batch, W1, b1, W2, b2, W3, b3, W4, b4, Wl, bl):
    n, d = x.shape
    h = W1.shape[1]
    e = edge_index.shape[1]
    src = edge_index[0]
    dst = edge_index[1]

    blk = 1000 if n % 1000 == 0 else 8
    n_pad = NS * 16 * (-(-n // (NS * 16)))

    zero_rows = jnp.zeros((CH, d), jnp.float32)
    batch3d = batch.reshape(n // blk, 1, blk)
    b1r = b1.reshape(1, h)
    b2r = b2.reshape(1, h)
    b3r = b3.reshape(1, h)
    b4r = b4.reshape(1, h)
    blr = bl.reshape(1, 1)

    dg = _sc_degree(dst, n_pad)
    dg3 = dg.reshape(NC, n_pad, 1)[:, :n]
    g1, dinv = _tc_first(x, W1, dg3, blk)
    a1_ = _sc_aggregate(g1, src, dst, zero_rows)
    g2 = _tc_layer(a1_, g1, dinv, b1r, W2, blk)
    a2_ = _sc_aggregate(g2, src, dst, zero_rows)
    g3 = _tc_layer(a2_, g2, dinv, b2r, W3, blk)
    a3_ = _sc_aggregate(g3, src, dst, zero_rows)
    g4 = _tc_layer(a3_, g3, dinv, b3r, W4, blk)
    a4_ = _sc_aggregate(g4, src, dst, zero_rows)
    return _tc_final(a4_, g4, dinv, b4r, batch3d, Wl, blr, blk)

# --- scband reference (transcript-rebuilt; emitter-appended) ---
"""Pipeline reference for scband-gnn-1108101562725 (READ-ONLY COPY).

The authoritative reference and input builder live on the scoring server;
editing this copy changes nothing except your own understanding.
"""

import jax, jax.numpy as jnp
import numpy as np

N = 10000
E = 320000
D = 128
H = 128
G = 64


def _gcn(x, W, b, src, dst, norm, n):
    h = x @ W
    msg = h[src] * norm[:, None]
    return jax.ops.segment_sum(msg, dst, num_segments=n) + b


def _backbone(x, edge_index, batch, W1, b1, W2, b2, W3, b3, W4, b4, Wl, bl):
    n = x.shape[0]
    loop = jnp.arange(n, dtype=edge_index.dtype)
    src = jnp.concatenate([edge_index[0], loop])
    dst = jnp.concatenate([edge_index[1], loop])
    deg = jax.ops.segment_sum(jnp.ones_like(src, dtype=x.dtype), dst, num_segments=n)
    dinv = jax.lax.rsqrt(jnp.maximum(deg, 1.0))
    norm = dinv[src] * dinv[dst]
    h = jax.nn.relu(_gcn(x, W1, b1, src, dst, norm, n))
    h = jax.nn.relu(_gcn(h, W2, b2, src, dst, norm, n))
    h = jax.nn.relu(_gcn(h, W3, b3, src, dst, norm, n))
    h = _gcn(h, W4, b4, src, dst, norm, n)
    pooled = jax.ops.segment_sum(h, batch, num_segments=G)
    return pooled @ Wl + bl


def setup_inputs(seed: int = 0):
    key = jax.random.key(seed)
    ks = jax.random.split(key, 12)
    x = jax.random.normal(ks[0], (N, D), dtype=jnp.float32)
    edge_index = jax.random.randint(ks[1], (2, E), 0, N, dtype=jnp.int32)
    batch = jnp.sort(jax.random.randint(ks[2], (N,), 0, G, dtype=jnp.int32))
    s_in = 1.0 / np.sqrt(D)
    s_h = 1.0 / np.sqrt(H)
    W1 = jax.random.normal(ks[3], (D, H), dtype=jnp.float32) * s_in
    b1 = jnp.zeros((H,), dtype=jnp.float32)
    W2 = jax.random.normal(ks[4], (H, H), dtype=jnp.float32) * s_h
    b2 = jnp.zeros((H,), dtype=jnp.float32)
    W3 = jax.random.normal(ks[5], (H, H), dtype=jnp.float32) * s_h
    b3 = jnp.zeros((H,), dtype=jnp.float32)
    W4 = jax.random.normal(ks[6], (H, H), dtype=jnp.float32) * s_h
    b4 = jnp.zeros((H,), dtype=jnp.float32)
    Wl = jax.random.normal(ks[7], (H, 1), dtype=jnp.float32) * s_h
    bl = jnp.zeros((1,), dtype=jnp.float32)
    return {"x": x, "edge_index": edge_index, "batch": batch, "W1": W1, "b1": b1, "W2": W2, "b2": b2, "W3": W3, "b3": b3, "W4": W4, "b4": b4, "Wl": Wl, "bl": bl}


def reference(x, edge_index, batch, W1, b1, W2, b2, W3, b3, W4, b4, Wl, bl):
    return _backbone(x, edge_index, batch, W1, b1, W2, b2, W3, b3, W4, b4, Wl, bl)

if __name__ == "__main__":
    import jax
    _d = setup_inputs()
    print(jax.jit(kernel)(*tuple(_d.values())))

</pallas_src>

<mosaic_0001>
#map = affine_map<(d0, d1) -> (0, 0)>
#map1 = affine_map<(d0, d1) -> (0)>
#map2 = affine_map<(d0, d1) -> (0, 0, 0)>
module attributes {stable_mosaic.version = 14 : i64} {
  func.func @agg_kernel(%arg0: i32, %arg1: i32, %arg2: memref<10000x128xf32, #tpu.memory_space<hbm>>, %arg3: memref<320000xi32, #tpu.memory_space<hbm>>, %arg4: memref<320000xi32, #tpu.memory_space<hbm>>, %arg5: memref<400x128xf32, #tpu.memory_space<hbm>>, %arg6: memref<2x10000x128xf32, #tpu.memory_space<hbm>>, %arg7: memref<160xi32, #tpu.memory_space<vmem>>, %arg8: memref<160xi32, #tpu.memory_space<vmem>>, %arg9: memref<160xi32, #tpu.memory_space<vmem>>, %arg10: memref<160xi32, #tpu.memory_space<vmem>>, %arg11: memref<160x128xf32, #tpu.memory_space<vmem>>, %arg12: memref<160x128xf32, #tpu.memory_space<vmem>>, %arg13: memref<10000x128xf32, #tpu.memory_space<vmem_shared>>, %arg14: memref<!tpu.dma_semaphore, #tpu.memory_space<semaphore_mem>>, %arg15: memref<!tpu.dma_semaphore, #tpu.memory_space<semaphore_mem>>, %arg16: memref<!tpu.dma_semaphore, #tpu.memory_space<semaphore_mem>>, %arg17: memref<!tpu.dma_semaphore, #tpu.memory_space<semaphore_mem>>, %arg18: memref<!tpu.dma_semaphore, #tpu.memory_space<semaphore_mem>>, %arg19: memref<!tpu.dma_semaphore, #tpu.memory_space<semaphore_mem>>, %arg20: memref<!tpu.dma_semaphore, #tpu.memory_space<semaphore_mem>>, %arg21: memref<!tpu.dma_semaphore, #tpu.memory_space<semaphore_mem>>) attributes {dimension_semantics = [#tpu.dimension_semantics<core_parallel>, #tpu.dimension_semantics<subcore_parallel>], iteration_bounds = array<i64: 2, 16>, scalar_prefetch = 0 : i64, scratch_operands = 15 : i64, tpu.core_type = #tpu.core_type<sc_vector_subcore>, window_params = [{transform_indices = #map}, {transform_indices = #map1}, {transform_indices = #map1}, {transform_indices = #map}, {transform_indices = #map2}]} {
    %mul3A = arith.constant 16 : i32
    %mul3A_0 = arith.muli %arg0, %mul3A : i32
    %add3A = arith.addi %mul3A_0, %arg1 : i32
    %scan3A = arith.constant 0 : i32
    %scan3A_1 = arith.constant 2 : i32
    %scan3A_2 = arith.addi %scan3A, %scan3A_1 : i32
    %scan3A_3 = arith.constant 1 : i32
    scf.for %scan3A_34 = %scan3A to %scan3A_2 step %scan3A_3  : i32 {
      %mul3A_35 = arith.constant 1 : i32
      %mul3A_36 = arith.muli %scan3A_34, %mul3A_35 : i32
      %add3A_37 = arith.constant 0 : i32
      %add3A_38 = arith.addi %add3A_37, %mul3A_36 : i32
      %mul3A_39 = arith.constant 16 : i32
      %mul3A_40 = arith.muli %add3A_38, %mul3A_39 : i32
      %add3A_41 = arith.addi %mul3A_40, %arg1 : i32
      %lt3A_42 = arith.constant 25 : i32
      %lt3A_43 = arith.cmpi slt, %add3A_41, %lt3A_42 : i32
      %convert_element_type3A_44 = arith.extui %lt3A_43 : i1 to i32
      %cond3A_45 = arith.constant 0 : i32
      %cond3A_46 = arith.cmpi ne, %convert_element_type3A_44, %cond3A_45 : i32
      scf.if %cond3A_46 {
        %mul3A_47 = arith.constant 400 : i32
        %mul3A_48 = arith.muli %add3A_41, %mul3A_47 : i32
        "tpu.region"() ({
          %run_scoped3A = tpu.sem_alloc : memref<!tpu.dma_semaphore, #tpu.memory_space<semaphore_mem>>
          %dma_start3A = arith.constant 0 : i32
          %dma_start3A_49 = tpu.memref_slice %arg13[%mul3A_48, %dma_start3A] : memref<10000x128xf32, #tpu.memory_space<vmem_shared>> -> memref<400x128xf32, #tpu.memory_space<vmem_shared>>
          tpu.enqueue_dma source(%arg5 : memref<400x128xf32, #tpu.memory_space<hbm>>) target(%dma_start3A_49 : memref<400x128xf32, #tpu.memory_space<vmem_shared>>) target_semaphore(%run_scoped3A : memref<!tpu.dma_semaphore, #tpu.memory_space<semaphore_mem>>)
          %dma_wait3A = arith.constant 0 : i32
          %dma_wait3A_50 = tpu.memref_slice %arg13[%mul3A_48, %dma_wait3A] : memref<10000x128xf32, #tpu.memory_space<vmem_shared>> -> memref<400x128xf32, #tpu.memory_space<vmem_shared>>
          tpu.wait_dma2 semaphore(%run_scoped3A : memref<!tpu.dma_semaphore, #tpu.memory_space<semaphore_mem>>) src(%arg5 : memref<400x128xf32, #tpu.memory_space<hbm>>) dst(%dma_wait3A_50 : memref<400x128xf32, #tpu.memory_space<vmem_shared>>)
          tpu.yield
        }) : () -> ()
      } else {
      }
    }
    %scan3A_4 = arith.constant 2 : i32
    %barrier3A = arith.constant 0 : index
    tpu.barrier barrier_id(%barrier3A)
    %add3A_5 = arith.constant 0 : i32
    %add3A_6 = arith.addi %add3A_5, %add3A : i32
    %lt3A = arith.constant 2000 : i32
    %lt3A_7 = arith.cmpi slt, %add3A_6, %lt3A : i32
    %convert_element_type3A = arith.extui %lt3A_7 : i1 to i32
    %cond3A = arith.constant 0 : i32
    %cond3A_8 = arith.cmpi ne, %convert_element_type3A, %cond3A : i32
    scf.if %cond3A_8 {
      %add3A_34 = arith.constant 0 : i32
      %add3A_35 = arith.addi %add3A_34, %add3A : i32
      %mul3A_36 = arith.constant 160 : i32
      %mul3A_37 = arith.muli %add3A_35, %mul3A_36 : i32
      %dma_start3A = tpu.memref_slice %arg3[%mul3A_37] : memref<320000xi32, #tpu.memory_space<hbm>> -> memref<160xi32, #tpu.memory_space<hbm>>
      %dma_start3A_38 = tpu.memref_slice %arg3[%mul3A_37] : memref<320000xi32, #tpu.memory_space<hbm>> -> memref<160xi32, #tpu.memory_space<hbm>>
      tpu.enqueue_dma source(%dma_start3A_38 : memref<160xi32, #tpu.memory_space<hbm>>) target(%arg7 : memref<160xi32, #tpu.memory_space<vmem>>) target_semaphore(%arg14 : memref<!tpu.dma_semaphore, #tpu.memory_space<semaphore_mem>>)
      %add3A_39 = arith.constant 0 : i32
      %add3A_40 = arith.addi %add3A_39, %add3A : i32
      %mul3A_41 = arith.constant 160 : i32
      %mul3A_42 = arith.muli %add3A_40, %mul3A_41 : i32
      %dma_start3A_43 = tpu.memref_slice %arg4[%mul3A_42] : memref<320000xi32, #tpu.memory_space<hbm>> -> memref<160xi32, #tpu.memory_space<hbm>>
      %dma_start3A_44 = tpu.memref_slice %arg4[%mul3A_42] : memref<320000xi32, #tpu.memory_space<hbm>> -> memref<160xi32, #tpu.memory_space<hbm>>
      tpu.enqueue_dma source(%dma_start3A_44 : memref<160xi32, #tpu.memory_space<hbm>>) target(%arg8 : memref<160xi32, #tpu.memory_space<vmem>>) target_semaphore(%arg15 : memref<!tpu.dma_semaphore, #tpu.memory_space<semaphore_mem>>)
    } else {
    }
    %add3A_9 = arith.constant 32 : i32
    %add3A_10 = arith.addi %add3A_9, %add3A : i32
    %lt3A_11 = arith.constant 2000 : i32
    %lt3A_12 = arith.cmpi slt, %add3A_10, %lt3A_11 : i32
    %convert_element_type3A_13 = arith.extui %lt3A_12 : i1 to i32
    %cond3A_14 = arith.constant 0 : i32
    %cond3A_15 = arith.cmpi ne, %convert_element_type3A_13, %cond3A_14 : i32
    scf.if %cond3A_15 {
      %add3A_34 = arith.constant 32 : i32
      %add3A_35 = arith.addi %add3A_34, %add3A : i32
      %mul3A_36 = arith.constant 160 : i32
      %mul3A_37 = arith.muli %add3A_35, %mul3A_36 : i32
      %dma_start3A = tpu.memref_slice %arg3[%mul3A_37] : memref<320000xi32, #tpu.memory_space<hbm>> -> memref<160xi32, #tpu.memory_space<hbm>>
      %dma_start3A_38 = tpu.memref_slice %arg3[%mul3A_37] : memref<320000xi32, #tpu.memory_space<hbm>> -> memref<160xi32, #tpu.memory_space<hbm>>
      tpu.enqueue_dma source(%dma_start3A_38 : memref<160xi32, #tpu.memory_space<hbm>>) target(%arg9 : memref<160xi32, #tpu.memory_space<vmem>>) target_semaphore(%arg18 : memref<!tpu.dma_semaphore, #tpu.memory_space<semaphore_mem>>)
      %add3A_39 = arith.constant 32 : i32
      %add3A_40 = arith.addi %add3A_39, %add3A : i32
      %mul3A_41 = arith.constant 160 : i32
      %mul3A_42 = arith.muli %add3A_40, %mul3A_41 : i32
      %dma_start3A_43 = tpu.memref_slice %arg4[%mul3A_42] : memref<320000xi32, #tpu.memory_space<hbm>> -> memref<160xi32, #tpu.memory_space<hbm>>
      %dma_start3A_44 = tpu.memref_slice %arg4[%mul3A_42] : memref<320000xi32, #tpu.memory_space<hbm>> -> memref<160xi32, #tpu.memory_space<hbm>>
      tpu.enqueue_dma source(%dma_start3A_44 : memref<160xi32, #tpu.memory_space<hbm>>) target(%arg10 : memref<160xi32, #tpu.memory_space<vmem>>) target_semaphore(%arg19 : memref<!tpu.dma_semaphore, #tpu.memory_space<semaphore_mem>>)
    } else {
    }
    %add3A_16 = arith.constant 0 : i32
    %add3A_17 = arith.addi %add3A_16, %add3A : i32
    %lt3A_18 = arith.constant 2000 : i32
    %lt3A_19 = arith.cmpi slt, %add3A_17, %lt3A_18 : i32
    %convert_element_type3A_20 = arith.extui %lt3A_19 : i1 to i32
    %cond3A_21 = arith.constant 0 : i32
    %cond3A_22 = arith.cmpi ne, %convert_element_type3A_20, %cond3A_21 : i32
    scf.if %cond3A_22 {
      %add3A_34 = arith.constant 0 : i32
      %add3A_35 = arith.addi %add3A_34, %add3A : i32
      %mul3A_36 = arith.constant 160 : i32
      %mul3A_37 = arith.muli %add3A_35, %mul3A_36 : i32
      %dma_wait3A = tpu.memref_slice %arg3[%mul3A_37] : memref<320000xi32, #tpu.memory_space<hbm>> -> memref<160xi32, #tpu.memory_space<hbm>>
      %dma_wait3A_38 = tpu.memref_slice %arg3[%mul3A_37] : memref<320000xi32, #tpu.memory_space<hbm>> -> memref<160xi32, #tpu.memory_space<hbm>>
      tpu.wait_dma2 semaphore(%arg14 : memref<!tpu.dma_semaphore, #tpu.memory_space<semaphore_mem>>) src(%dma_wait3A_38 : memref<160xi32, #tpu.memory_space<hbm>>) dst(%arg7 : memref<160xi32, #tpu.memory_space<vmem>>)
      %dma_start3A = arith.constant 0 : i32
      %dma_start3A_39 = arith.constant 0 : i32
      %dma_start3A_40 = tpu.memref_slice %arg2[%dma_start3A, %dma_start3A_39] : memref<10000x128xf32, #tpu.memory_space<hbm>> -> memref<10000x128xf32, #tpu.memory_space<hbm>>
      tpu.enqueue_indirect_dma source(%dma_start3A_40 : memref<10000x128xf32, #tpu.memory_space<hbm>>) target(%arg11 : memref<160x128xf32, #tpu.memory_space<vmem>>) offsets(%arg7 : memref<160xi32, #tpu.memory_space<vmem>>) semaphore(%arg16 : memref<!tpu.dma_semaphore, #tpu.memory_space<semaphore_mem>>)
    } else {
    }
    %scan3A_23 = arith.constant 0 : i32
    %scan3A_24 = arith.constant 32 : i32
    %scan3A_25 = arith.addi %scan3A_23, %scan3A_24 : i32
    %scan3A_26 = arith.constant 1 : i32
    scf.for %scan3A_34 = %scan3A_23 to %scan3A_25 step %scan3A_26  : i32 {
      %mul3A_35 = arith.constant 1 : i32
      %mul3A_36 = arith.muli %scan3A_34, %mul3A_35 : i32
      %add3A_37 = arith.constant 0 : i32
      %add3A_38 = arith.addi %add3A_37, %mul3A_36 : i32
      %mul3A_39 = arith.constant 2 : i32
      %mul3A_40 = arith.muli %mul3A_39, %add3A_38 : i32
      %add3A_41 = arith.constant 1 : i32
      %add3A_42 = arith.addi %mul3A_40, %add3A_41 : i32
      %mul3A_43 = arith.constant 32 : i32
      %mul3A_44 = arith.muli %add3A_42, %mul3A_43 : i32
      %add3A_45 = arith.addi %mul3A_44, %add3A : i32
      %lt3A_46 = arith.constant 2000 : i32
      %lt3A_47 = arith.cmpi slt, %add3A_45, %lt3A_46 : i32
      %convert_element_type3A_48 = arith.extui %lt3A_47 : i1 to i32
      %cond3A_49 = arith.constant 0 : i32
      %cond3A_50 = arith.cmpi ne, %convert_element_type3A_48, %cond3A_49 : i32
      scf.if %cond3A_50 {
        %mul3A_117 = arith.constant 32 : i32
        %mul3A_118 = arith.muli %add3A_42, %mul3A_117 : i32
        %add3A_119 = arith.addi %mul3A_118, %add3A : i32
        %mul3A_120 = arith.constant 160 : i32
        %mul3A_121 = arith.muli %add3A_119, %mul3A_120 : i32
        %dma_wait3A = tpu.memref_slice %arg3[%mul3A_121] : memref<320000xi32, #tpu.memory_space<hbm>> -> memref<160xi32, #tpu.memory_space<hbm>>
        %dma_wait3A_122 = tpu.memref_slice %arg3[%mul3A_121] : memref<320000xi32, #tpu.memory_space<hbm>> -> memref<160xi32, #tpu.memory_space<hbm>>
        tpu.wait_dma2 semaphore(%arg18 : memref<!tpu.dma_semaphore, #tpu.memory_space<semaphore_mem>>) src(%dma_wait3A_122 : memref<160xi32, #tpu.memory_space<hbm>>) dst(%arg9 : memref<160xi32, #tpu.memory_space<vmem>>)
        %dma_start3A = arith.constant 0 : i32
        %dma_start3A_123 = arith.constant 0 : i32
        %dma_start3A_124 = tpu.memref_slice %arg2[%dma_start3A, %dma_start3A_123] : memref<10000x128xf32, #tpu.memory_space<hbm>> -> memref<10000x128xf32, #tpu.memory_space<hbm>>
        tpu.enqueue_indirect_dma source(%dma_start3A_124 : memref<10000x128xf32, #tpu.memory_space<hbm>>) target(%arg12 : memref<160x128xf32, #tpu.memory_space<vmem>>) offsets(%arg9 : memref<160xi32, #tpu.memory_space<vmem>>) semaphore(%arg20 : memref<!tpu.dma_semaphore, #tpu.memory_space<semaphore_mem>>)
      } else {
      }
      %mul3A_51 = arith.constant 32 : i32
      %mul3A_52 = arith.muli %mul3A_40, %mul3A_51 : i32
      %add3A_53 = arith.addi %mul3A_52, %add3A : i32
      %lt3A_54 = arith.constant 2000 : i32
      %lt3A_55 = arith.cmpi slt, %add3A_53, %lt3A_54 : i32
      %convert_element_type3A_56 = arith.extui %lt3A_55 : i1 to i32
      %cond3A_57 = arith.constant 0 : i32
      %cond3A_58 = arith.cmpi ne, %convert_element_type3A_56, %cond3A_57 : i32
      scf.if %cond3A_58 {
        %dma_wait3A = arith.constant 0 : i32
        %dma_wait3A_117 = arith.constant 0 : i32
        %dma_wait3A_118 = tpu.memref_slice %arg2[%dma_wait3A, %dma_wait3A_117] : memref<10000x128xf32, #tpu.memory_space<hbm>> -> memref<10000x128xf32, #tpu.memory_space<hbm>>
        tpu.wait_indirect_dma semaphore(%arg16 : memref<!tpu.dma_semaphore, #tpu.memory_space<semaphore_mem>>) src(%dma_wait3A_118 : memref<10000x128xf32, #tpu.memory_space<hbm>>) dst(%arg11 : memref<160x128xf32, #tpu.memory_space<vmem>>)
        %mul3A_119 = arith.constant 32 : i32
        %mul3A_120 = arith.muli %mul3A_40, %mul3A_119 : i32
        %add3A_121 = arith.addi %mul3A_120, %add3A : i32
        %mul3A_122 = arith.constant 160 : i32
        %mul3A_123 = arith.muli %add3A_121, %mul3A_122 : i32
        %dma_wait3A_124 = tpu.memref_slice %arg4[%mul3A_123] : memref<320000xi32, #tpu.memory_space<hbm>> -> memref<160xi32, #tpu.memory_space<hbm>>
        %dma_wait3A_125 = tpu.memref_slice %arg4[%mul3A_123] : memref<320000xi32, #tpu.memory_space<hbm>> -> memref<160xi32, #tpu.memory_space<hbm>>
        tpu.wait_dma2 semaphore(%arg15 : memref<!tpu.dma_semaphore, #tpu.memory_space<semaphore_mem>>) src(%dma_wait3A_125 : memref<160xi32, #tpu.memory_space<hbm>>) dst(%arg8 : memref<160xi32, #tpu.memory_space<vmem>>)
        %dma_start3A = arith.constant 0 : i32
        %dma_start3A_126 = arith.constant 0 : i32
        %dma_start3A_127 = tpu.memref_slice %arg13[%dma_start3A, %dma_start3A_126] : memref<10000x128xf32, #tpu.memory_space<vmem_shared>> -> memref<10000x128xf32, #tpu.memory_space<vmem_shared>>
        tpu.enqueue_indirect_dma source(%arg11 : memref<160x128xf32, #tpu.memory_space<vmem>>) target(%dma_start3A_127 : memref<10000x128xf32, #tpu.memory_space<vmem_shared>>) offsets(%arg8 : memref<160xi32, #tpu.memory_space<vmem>>) semaphore(%arg17 : memref<!tpu.dma_semaphore, #tpu.memory_space<semaphore_mem>>) {add = true}
      } else {
      }
      %mul3A_59 = arith.constant 32 : i32
      %mul3A_60 = arith.muli %mul3A_40, %mul3A_59 : i32
      %add3A_61 = arith.addi %mul3A_60, %add3A : i32
      %lt3A_62 = arith.constant 2000 : i32
      %lt3A_63 = arith.cmpi slt, %add3A_61, %lt3A_62 : i32
      %convert_element_type3A_64 = arith.extui %lt3A_63 : i1 to i32
      %cond3A_65 = arith.constant 0 : i32
      %cond3A_66 = arith.cmpi ne, %convert_element_type3A_64, %cond3A_65 : i32
      scf.if %cond3A_66 {
        %dma_wait3A = arith.constant 0 : i32
        %dma_wait3A_117 = arith.constant 0 : i32
        %dma_wait3A_118 = tpu.memref_slice %arg13[%dma_wait3A, %dma_wait3A_117] : memref<10000x128xf32, #tpu.memory_space<vmem_shared>> -> memref<10000x128xf32, #tpu.memory_space<vmem_shared>>
        tpu.wait_indirect_dma semaphore(%arg17 : memref<!tpu.dma_semaphore, #tpu.memory_space<semaphore_mem>>) src(%arg11 : memref<160x128xf32, #tpu.memory_space<vmem>>) dst(%dma_wait3A_118 : memref<10000x128xf32, #tpu.memory_space<vmem_shared>>)
      } else {
      }
      %add3A_67 = arith.constant 2 : i32
      %add3A_68 = arith.addi %mul3A_40, %add3A_67 : i32
      %mul3A_69 = arith.constant 32 : i32
      %mul3A_70 = arith.muli %add3A_68, %mul3A_69 : i32
      %add3A_71 = arith.addi %mul3A_70, %add3A : i32
      %lt3A_72 = arith.constant 2000 : i32
      %lt3A_73 = arith.cmpi slt, %add3A_71, %lt3A_72 : i32
      %convert_element_type3A_74 = arith.extui %lt3A_73 : i1 to i32
      %cond3A_75 = arith.constant 0 : i32
      %cond3A_76 = arith.cmpi ne, %convert_element_type3A_74, %cond3A_75 : i32
      scf.if %cond3A_76 {
        %mul3A_117 = arith.constant 32 : i32
        %mul3A_118 = arith.muli %add3A_68, %mul3A_117 : i32
        %add3A_119 = arith.addi %mul3A_118, %add3A : i32
        %mul3A_120 = arith.constant 160 : i32
        %mul3A_121 = arith.muli %add3A_119, %mul3A_120 : i32
        %dma_start3A = tpu.memref_slice %arg3[%mul3A_121] : memref<320000xi32, #tpu.memory_space<hbm>> -> memref<160xi32, #tpu.memory_space<hbm>>
        %dma_start3A_122 = tpu.memref_slice %arg3[%mul3A_121] : memref<320000xi32, #tpu.memory_space<hbm>> -> memref<160xi32, #tpu.memory_space<hbm>>
        tpu.enqueue_dma source(%dma_start3A_122 : memref<160xi32, #tpu.memory_space<hbm>>) target(%arg7 : memref<160xi32, #tpu.memory_space<vmem>>) target_semaphore(%arg14 : memref<!tpu.dma_semaphore, #tpu.memory_space<semaphore_mem>>)
        %mul3A_123 = arith.constant 32 : i32
        %mul3A_124 = arith.muli %add3A_68, %mul3A_123 : i32
        %add3A_125 = arith.addi %mul3A_124, %add3A : i32
        %mul3A_126 = arith.constant 160 : i32
        %mul3A_127 = arith.muli %add3A_125, %mul3A_126 : i32
        %dma_start3A_128 = tpu.memref_slice %arg4[%mul3A_127] : memref<320000xi32, #tpu.memory_space<hbm>> -> memref<160xi32, #tpu.memory_space<hbm>>
        %dma_start3A_129 = tpu.memref_slice %arg4[%mul3A_127] : memref<320000xi32, #tpu.memory_space<hbm>> -> memref<160xi32, #tpu.memory_space<hbm>>
        tpu.enqueue_dma source(%dma_start3A_129 : memref<160xi32, #tpu.memory_space<hbm>>) target(%arg8 : memref<160xi32, #tpu.memory_space<vmem>>) target_semaphore(%arg15 : memref<!tpu.dma_semaphore, #tpu.memory_space<semaphore_mem>>)
      } else {
      }
      %add3A_77 = arith.constant 2 : i32
      %add3A_78 = arith.addi %mul3A_40, %add3A_77 : i32
      %mul3A_79 = arith.constant 32 : i32
      %mul3A_80 = arith.muli %add3A_78, %mul3A_79 : i32
      %add3A_81 = arith.addi %mul3A_80, %add3A : i32
      %lt3A_82 = arith.constant 2000 : i32
      %lt3A_83 = arith.cmpi slt, %add3A_81, %lt3A_82 : i32
      %convert_element_type3A_84 = arith.extui %lt3A_83 : i1 to i32
      %cond3A_85 = arith.constant 0 : i32
      %cond3A_86 = arith.cmpi ne, %convert_element_type3A_84, %cond3A_85 : i32
      scf.if %cond3A_86 {
        %mul3A_117 = arith.constant 32 : i32
        %mul3A_118 = arith.muli %add3A_78, %mul3A_117 : i32
        %add3A_119 = arith.addi %mul3A_118, %add3A : i32
        %mul3A_120 = arith.constant 160 : i32
        %mul3A_121 = arith.muli %add3A_119, %mul3A_120 : i32
        %dma_wait3A = tpu.memref_slice %arg3[%mul3A_121] : memref<320000xi32, #tpu.memory_space<hbm>> -> memref<160xi32, #tpu.memory_space<hbm>>
        %dma_wait3A_122 = tpu.memref_slice %arg3[%mul3A_121] : memref<320000xi32, #tpu.memory_space<hbm>> -> memref<160xi32, #tpu.memory_space<hbm>>
        tpu.wait_dma2 semaphore(%arg14 : memref<!tpu.dma_semaphore, #tpu.memory_space<semaphore_mem>>) src(%dma_wait3A_122 : memref<160xi32, #tpu.memory_space<hbm>>) dst(%arg7 : memref<160xi32, #tpu.memory_space<vmem>>)
        %dma_start3A = arith.constant 0 : i32
        %dma_start3A_123 = arith.constant 0 : i32
        %dma_start3A_124 = tpu.memref_slice %arg2[%dma_start3A, %dma_start3A_123] : memref<10000x128xf32, #tpu.memory_space<hbm>> -> memref<10000x128xf32, #tpu.memory_space<hbm>>
        tpu.enqueue_indirect_dma source(%dma_start3A_124 : memref<10000x128xf32, #tpu.memory_space<hbm>>) target(%arg11 : memref<160x128xf32, #tpu.memory_space<vmem>>) offsets(%arg7 : memref<160xi32, #tpu.memory_space<vmem>>) semaphore(%arg16 : memref<!tpu.dma_semaphore, #tpu.memory_space<semaphore_mem>>)
      } else {
      }
      %add3A_87 = arith.constant 1 : i32
      %add3A_88 = arith.addi %mul3A_40, %add3A_87 : i32
      %mul3A_89 = arith.constant 32 : i32
      %mul3A_90 = arith.muli %add3A_88, %mul3A_89 : i32
      %add3A_91 = arith.addi %mul3A_90, %add3A : i32
      %lt3A_92 = arith.constant 2000 : i32
      %lt3A_93 = arith.cmpi slt, %add3A_91, %lt3A_92 : i32
      %convert_element_type3A_94 = arith.extui %lt3A_93 : i1 to i32
      %cond3A_95 = arith.constant 0 : i32
      %cond3A_96 = arith.cmpi ne, %convert_element_type3A_94, %cond3A_95 : i32
      scf.if %cond3A_96 {
        %dma_wait3A = arith.constant 0 : i32
        %dma_wait3A_117 = arith.constant 0 : i32
        %dma_wait3A_118 = tpu.memref_slice %arg2[%dma_wait3A, %dma_wait3A_117] : memref<10000x128xf32, #tpu.memory_space<hbm>> -> memref<10000x128xf32, #tpu.memory_space<hbm>>
        tpu.wait_indirect_dma semaphore(%arg20 : memref<!tpu.dma_semaphore, #tpu.memory_space<semaphore_mem>>) src(%dma_wait3A_118 : memref<10000x128xf32, #tpu.memory_space<hbm>>) dst(%arg12 : memref<160x128xf32, #tpu.memory_space<vmem>>)
        %mul3A_119 = arith.constant 32 : i32
        %mul3A_120 = arith.muli %add3A_88, %mul3A_119 : i32
        %add3A_121 = arith.addi %mul3A_120, %add3A : i32
        %mul3A_122 = arith.constant 160 : i32
        %mul3A_123 = arith.muli %add3A_121, %mul3A_122 : i32
        %dma_wait3A_124 = tpu.memref_slice %arg4[%mul3A_123] : memref<320000xi32, #tpu.memory_space<hbm>> -> memref<160xi32, #tpu.memory_space<hbm>>
        %dma_wait3A_125 = tpu.memref_slice %arg4[%mul3A_123] : memref<320000xi32, #tpu.memory_space<hbm>> -> memref<160xi32, #tpu.memory_space<hbm>>
        tpu.wait_dma2 semaphore(%arg19 : memref<!tpu.dma_semaphore, #tpu.memory_space<semaphore_mem>>) src(%dma_wait3A_125 : memref<160xi32, #tpu.memory_space<hbm>>) dst(%arg10 : memref<160xi32, #tpu.memory_space<vmem>>)
        %dma_start3A = arith.constant 0 : i32
        %dma_start3A_126 = arith.constant 0 : i32
        %dma_start3A_127 = tpu.memref_slice %arg13[%dma_start3A, %dma_start3A_126] : memref<10000x128xf32, #tpu.memory_space<vmem_shared>> -> memref<10000x128xf32, #tpu.memory_space<vmem_shared>>
        tpu.enqueue_indirect_dma source(%arg12 : memref<160x128xf32, #tpu.memory_space<vmem>>) target(%dma_start3A_127 : memref<10000x128xf32, #tpu.memory_space<vmem_shared>>) offsets(%arg10 : memref<160xi32, #tpu.memory_space<vmem>>) semaphore(%arg21 : memref<!tpu.dma_semaphore, #tpu.memory_space<semaphore_mem>>) {add = true}
      } else {
      }
      %add3A_97 = arith.constant 1 : i32
      %add3A_98 = arith.addi %mul3A_40, %add3A_97 : i32
      %mul3A_99 = arith.constant 32 : i32
      %mul3A_100 = arith.muli %add3A_98, %mul3A_99 : i32
      %add3A_101 = arith.addi %mul3A_100, %add3A : i32
      %lt3A_102 = arith.constant 2000 : i32
      %lt3A_103 = arith.cmpi slt, %add3A_101, %lt3A_102 : i32
      %convert_element_type3A_104 = arith.extui %lt3A_103 : i1 to i32
      %cond3A_105 = arith.constant 0 : i32
      %cond3A_106 = arith.cmpi ne, %convert_element_type3A_104, %cond3A_105 : i32
      scf.if %cond3A_106 {
        %dma_wait3A = arith.constant 0 : i32
        %dma_wait3A_117 = arith.constant 0 : i32
        %dma_wait3A_118 = tpu.memref_slice %arg13[%dma_wait3A, %dma_wait3A_117] : memref<10000x128xf32, #tpu.memory_space<vmem_shared>> -> memref<10000x128xf32, #tpu.memory_space<vmem_shared>>
        tpu.wait_indirect_dma semaphore(%arg21 : memref<!tpu.dma_semaphore, #tpu.memory_space<semaphore_mem>>) src(%arg12 : memref<160x128xf32, #tpu.memory_space<vmem>>) dst(%dma_wait3A_118 : memref<10000x128xf32, #tpu.memory_space<vmem_shared>>)
      } else {
      }
      %add3A_107 = arith.constant 3 : i32
      %add3A_108 = arith.addi %mul3A_40, %add3A_107 : i32
      %mul3A_109 = arith.constant 32 : i32
      %mul3A_110 = arith.muli %add3A_108, %mul3A_109 : i32
      %add3A_111 = arith.addi %mul3A_110, %add3A : i32
      %lt3A_112 = arith.constant 2000 : i32
      %lt3A_113 = arith.cmpi slt, %add3A_111, %lt3A_112 : i32
      %convert_element_type3A_114 = arith.extui %lt3A_113 : i1 to i32
      %cond3A_115 = arith.constant 0 : i32
      %cond3A_116 = arith.cmpi ne, %convert_element_type3A_114, %cond3A_115 : i32
      scf.if %cond3A_116 {
        %mul3A_117 = arith.constant 32 : i32
        %mul3A_118 = arith.muli %add3A_108, %mul3A_117 : i32
        %add3A_119 = arith.addi %mul3A_118, %add3A : i32
        %mul3A_120 = arith.constant 160 : i32
        %mul3A_121 = arith.muli %add3A_119, %mul3A_120 : i32
        %dma_start3A = tpu.memref_slice %arg3[%mul3A_121] : memref<320000xi32, #tpu.memory_space<hbm>> -> memref<160xi32, #tpu.memory_space<hbm>>
        %dma_start3A_122 = tpu.memref_slice %arg3[%mul3A_121] : memref<320000xi32, #tpu.memory_space<hbm>> -> memref<160xi32, #tpu.memory_space<hbm>>
        tpu.enqueue_dma source(%dma_start3A_122 : memref<160xi32, #tpu.memory_space<hbm>>) target(%arg9 : memref<160xi32, #tpu.memory_space<vmem>>) target_semaphore(%arg18 : memref<!tpu.dma_semaphore, #tpu.memory_space<semaphore_mem>>)
        %mul3A_123 = arith.constant 32 : i32
        %mul3A_124 = arith.muli %add3A_108, %mul3A_123 : i32
        %add3A_125 = arith.addi %mul3A_124, %add3A : i32
        %mul3A_126 = arith.constant 160 : i32
        %mul3A_127 = arith.muli %add3A_125, %mul3A_126 : i32
        %dma_start3A_128 = tpu.memref_slice %arg4[%mul3A_127] : memref<320000xi32, #tpu.memory_space<hbm>> -> memref<160xi32, #tpu.memory_space<hbm>>
        %dma_start3A_129 = tpu.memref_slice %arg4[%mul3A_127] : memref<320000xi32, #tpu.memory_space<hbm>> -> memref<160xi32, #tpu.memory_space<hbm>>
        tpu.enqueue_dma source(%dma_start3A_129 : memref<160xi32, #tpu.memory_space<hbm>>) target(%arg10 : memref<160xi32, #tpu.memory_space<vmem>>) target_semaphore(%arg19 : memref<!tpu.dma_semaphore, #tpu.memory_space<semaphore_mem>>)
      } else {
      }
    }
    %scan3A_27 = arith.constant 32 : i32
    %barrier3A_28 = arith.constant 0 : index
    tpu.barrier barrier_id(%barrier3A_28)
    %scan3A_29 = arith.constant 0 : i32
    %scan3A_30 = arith.constant 2 : i32
    %scan3A_31 = arith.addi %scan3A_29, %scan3A_30 : i32
    %scan3A_32 = arith.constant 1 : i32
    scf.for %scan3A_34 = %scan3A_29 to %scan3A_31 step %scan3A_32  : i32 {
      %mul3A_35 = arith.constant 1 : i32
      %mul3A_36 = arith.muli %scan3A_34, %mul3A_35 : i32
      %add3A_37 = arith.constant 0 : i32
      %add3A_38 = arith.addi %add3A_37, %mul3A_36 : i32
      %mul3A_39 = arith.constant 16 : i32
      %mul3A_40 = arith.muli %add3A_38, %mul3A_39 : i32
      %add3A_41 = arith.addi %mul3A_40, %arg1 : i32
      %lt3A_42 = arith.constant 25 : i32
      %lt3A_43 = arith.cmpi slt, %add3A_41, %lt3A_42 : i32
      %convert_element_type3A_44 = arith.extui %lt3A_43 : i1 to i32
      %cond3A_45 = arith.constant 0 : i32
      %cond3A_46 = arith.cmpi ne, %convert_element_type3A_44, %cond3A_45 : i32
      scf.if %cond3A_46 {
        %mul3A_47 = arith.constant 400 : i32
        %mul3A_48 = arith.muli %add3A_41, %mul3A_47 : i32
        %mul3A_49 = arith.constant 400 : i32
        %mul3A_50 = arith.muli %add3A_41, %mul3A_49 : i32
        "tpu.region"() ({
          %run_scoped3A = tpu.sem_alloc : memref<!tpu.dma_semaphore, #tpu.memory_space<semaphore_mem>>
          %dma_start3A = arith.constant 0 : i32
          %dma_start3A_51 = arith.constant 0 : i32
          %dma_start3A_52 = tpu.memref_slice %arg6[%arg0, %dma_start3A, %dma_start3A_51] : memref<2x10000x128xf32, #tpu.memory_space<hbm>> -> memref<1x10000x128xf32, #tpu.memory_space<hbm>>
          %dma_start3A_53 = tpu.memref_squeeze %dma_start3A_52 : memref<1x10000x128xf32, #tpu.memory_space<hbm>> -> memref<10000x128xf32, #tpu.memory_space<hbm>>
          %dma_start3A_54 = arith.constant 0 : i32
          %dma_start3A_55 = tpu.memref_slice %dma_start3A_53[%mul3A_50, %dma_start3A_54] : memref<10000x128xf32, #tpu.memory_space<hbm>> -> memref<400x128xf32, #tpu.memory_space<hbm>>
          %dma_start3A_56 = arith.constant 0 : i32
          %dma_start3A_57 = tpu.memref_slice %arg13[%mul3A_48, %dma_start3A_56] : memref<10000x128xf32, #tpu.memory_space<vmem_shared>> -> memref<400x128xf32, #tpu.memory_space<vmem_shared>>
          tpu.enqueue_dma source(%dma_start3A_57 : memref<400x128xf32, #tpu.memory_space<vmem_shared>>) target(%dma_start3A_55 : memref<400x128xf32, #tpu.memory_space<hbm>>) target_semaphore(%run_scoped3A : memref<!tpu.dma_semaphore, #tpu.memory_space<semaphore_mem>>)
          %dma_wait3A = arith.constant 0 : i32
          %dma_wait3A_58 = arith.constant 0 : i32
          %dma_wait3A_59 = tpu.memref_slice %arg6[%arg0, %dma_wait3A, %dma_wait3A_58] : memref<2x10000x128xf32, #tpu.memory_space<hbm>> -> memref<1x10000x128xf32, #tpu.memory_space<hbm>>
          %dma_wait3A_60 = tpu.memref_squeeze %dma_wait3A_59 : memref<1x10000x128xf32, #tpu.memory_space<hbm>> -> memref<10000x128xf32, #tpu.memory_space<hbm>>
          %dma_wait3A_61 = arith.constant 0 : i32
          %dma_wait3A_62 = tpu.memref_slice %dma_wait3A_60[%mul3A_50, %dma_wait3A_61] : memref<10000x128xf32, #tpu.memory_space<hbm>> -> memref<400x128xf32, #tpu.memory_space<hbm>>
          %dma_wait3A_63 = arith.constant 0 : i32
          %dma_wait3A_64 = tpu.memref_slice %arg13[%mul3A_48, %dma_wait3A_63] : memref<10000x128xf32, #tpu.memory_space<vmem_shared>> -> memref<400x128xf32, #tpu.memory_space<vmem_shared>>
          tpu.wait_dma2 semaphore(%run_scoped3A : memref<!tpu.dma_semaphore, #tpu.memory_space<semaphore_mem>>) src(%dma_wait3A_64 : memref<400x128xf32, #tpu.memory_space<vmem_shared>>) dst(%dma_wait3A_62 : memref<400x128xf32, #tpu.memory_space<hbm>>)
          tpu.yield
        }) : () -> ()
      } else {
      }
    }
    %scan3A_33 = arith.constant 2 : i32
    return
  }
}

#map = affine_map<(d0, d1) -> (0)>
#map1 = affine_map<(d0, d1) -> (0, 0)>
module attributes {stable_mosaic.version = 14 : i64} {
  func.func @deg_kernel(%arg0: i32, %arg1: i32, %arg2: memref<320000xi32, #tpu.memory_space<hbm>>, %arg3: memref<2x10240xf32, #tpu.memory_space<hbm>>, %arg4: memref<10000xi32, #tpu.memory_space<vmem>>, %arg5: memref<8x10240xf32, #tpu.memory_space<vmem>>, %arg6: memref<640xf32, #tpu.memory_space<vmem>>, %arg7: memref<640xf32, #tpu.memory_space<vmem>>, %arg8: memref<16x10240xf32, #tpu.memory_space<vmem_shared>>, %arg9: memref<!tpu.dma_semaphore, #tpu.memory_space<semaphore_mem>>) attributes {dimension_semantics = [#tpu.dimension_semantics<core_parallel>, #tpu.dimension_semantics<subcore_parallel>], iteration_bounds = array<i64: 2, 16>, scalar_prefetch = 0 : i64, scratch_operands = 6 : i64, tpu.core_type = #tpu.core_type<sc_vector_subcore>, window_params = [{transform_indices = #map}, {transform_indices = #map1}]} {
    %mul3A = arith.constant 16 : i32
    %mul3A_0 = arith.muli %arg0, %mul3A : i32
    %add3A = arith.addi %mul3A_0, %arg1 : i32
    %broadcast_in_dim3A = arith.constant 1.000000e+00 : f32
    %broadcast_in_dim3A_1 = vector.broadcast %broadcast_in_dim3A : f32 to vector<16xf32>
    %broadcast_in_dim3A_2 = arith.constant 0.000000e+00 : f32
    %broadcast_in_dim3A_3 = vector.broadcast %broadcast_in_dim3A_2 : f32 to vector<16xf32>
    %iota3A = tpu.iota {dimensions = array<i32: 0>} : vector<16xi32>
    %jit3A = arith.constant 8 : i32
    %eq3A = arith.constant 0 : i32
    %eq3A_4 = arith.cmpi eq, %jit3A, %eq3A : i32
    %jit3A_5 = arith.constant 1 : i32
    %select_n3A = arith.select %eq3A_4, %jit3A_5, %jit3A : i32
    %rem3A = vector.broadcast %select_n3A : i32 to vector<16xi32>
    %rem3A_6 = arith.remsi %iota3A, %rem3A : vector<16xi32>
    %ne3A = arith.constant 0 : i32
    %ne3A_7 = vector.broadcast %ne3A : i32 to vector<16xi32>
    %ne3A_8 = arith.cmpi ne, %rem3A_6, %ne3A_7 : vector<16xi32>
    %lt3A = arith.constant 0 : i32
    %lt3A_9 = vector.broadcast %lt3A : i32 to vector<16xi32>
    %lt3A_10 = arith.cmpi slt, %rem3A_6, %lt3A_9 : vector<16xi32>
    %lt3A_11 = arith.constant 0 : i32
    %lt3A_12 = arith.cmpi slt, %select_n3A, %lt3A_11 : i32
    %ne3A_13 = vector.broadcast %lt3A_12 : i1 to vector<16xi1>
    %ne3A_14 = vector.broadcast %ne3A_13 : vector<16xi1> to vector<16xi1>
    %ne3A_15 = arith.xori %lt3A_10, %ne3A_14 : vector<16xi1>
    %and3A = arith.andi %ne3A_15, %ne3A_8 : vector<16xi1>
    %add3A_16 = vector.broadcast %select_n3A : i32 to vector<16xi32>
    %add3A_17 = arith.addi %rem3A_6, %add3A_16 : vector<16xi32>
    %select_n3A_18 = arith.select %and3A, %add3A_17, %rem3A_6 : vector<16xi1>, vector<16xi32>
    %lt3A_19 = arith.constant 8 : i32
    %lt3A_20 = vector.broadcast %lt3A_19 : i32 to vector<16xi32>
    %lt3A_21 = arith.cmpi slt, %iota3A, %lt3A_20 : vector<16xi32>
    %not3A = arith.constant dense<true> : vector<16xi1>
    %not3A_22 = arith.xori %lt3A_21, %not3A : vector<16xi1>
    %scan3A = arith.constant 0 : i32
    %scan3A_23 = arith.constant 8 : i32
    %scan3A_24 = arith.addi %scan3A, %scan3A_23 : i32
    %scan3A_25 = arith.constant 1 : i32
    scf.for %scan3A_49 = %scan3A to %scan3A_24 step %scan3A_25  : i32 {
      %mul3A_50 = arith.constant 1 : i32
      %mul3A_51 = arith.muli %scan3A_49, %mul3A_50 : i32
      %add3A_52 = arith.constant 0 : i32
      %add3A_53 = arith.addi %add3A_52, %mul3A_51 : i32
      %scan3A_54 = arith.constant 0 : i32
      %scan3A_55 = arith.constant 640 : i32
      %scan3A_56 = arith.addi %scan3A_54, %scan3A_55 : i32
      %scan3A_57 = arith.constant 1 : i32
      scf.for %scan3A_59 = %scan3A_54 to %scan3A_56 step %scan3A_57  : i32 {
        %mul3A_60 = arith.constant 1 : i32
        %mul3A_61 = arith.muli %scan3A_59, %mul3A_60 : i32
        %add3A_62 = arith.constant 0 : i32
        %add3A_63 = arith.addi %add3A_62, %mul3A_61 : i32
        %mul3A_64 = arith.constant 16 : i32
        %mul3A_65 = arith.muli %add3A_63, %mul3A_64 : i32
        %swap3A = arith.index_cast %add3A_53 : i32 to index
        %swap3A_66 = arith.index_cast %mul3A_65 : i32 to index
        %swap3A_67 = tpu.vector_load %arg5[%swap3A, %swap3A_66] {strides = array<i32>} : memref<8x10240xf32, #tpu.memory_space<vmem>>, vector<16xf32>,
        tpu.vector_store %arg5[%swap3A, %swap3A_66], %broadcast_in_dim3A_3 {strides = array<i32>} : memref<8x10240xf32, #tpu.memory_space<vmem>>, vector<16xf32>,
      }
      %scan3A_58 = arith.constant 640 : i32
    }
    %scan3A_26 = arith.constant 8 : i32
    %mul3A_27 = arith.constant 10000 : i32
    %mul3A_28 = arith.muli %add3A, %mul3A_27 : i32
    "tpu.region"() ({
      %run_scoped3A_49 = tpu.sem_alloc : memref<!tpu.dma_semaphore, #tpu.memory_space<semaphore_mem>>
      %dma_start3A = tpu.memref_slice %arg2[%mul3A_28] : memref<320000xi32, #tpu.memory_space<hbm>> -> memref<10000xi32, #tpu.memory_space<hbm>>
      %dma_start3A_50 = tpu.memref_slice %arg2[%mul3A_28] : memref<320000xi32, #tpu.memory_space<hbm>> -> memref<10000xi32, #tpu.memory_space<hbm>>
      tpu.enqueue_dma source(%dma_start3A_50 : memref<10000xi32, #tpu.memory_space<hbm>>) target(%arg4 : memref<10000xi32, #tpu.memory_space<vmem>>) target_semaphore(%run_scoped3A_49 : memref<!tpu.dma_semaphore, #tpu.memory_space<semaphore_mem>>)
      %dma_wait3A = tpu.memref_slice %arg2[%mul3A_28] : memref<320000xi32, #tpu.memory_space<hbm>> -> memref<10000xi32, #tpu.memory_space<hbm>>
      %dma_wait3A_51 = tpu.memref_slice %arg2[%mul3A_28] : memref<320000xi32, #tpu.memory_space<hbm>> -> memref<10000xi32, #tpu.memory_space<hbm>>
      tpu.wait_dma2 semaphore(%run_scoped3A_49 : memref<!tpu.dma_semaphore, #tpu.memory_space<semaphore_mem>>) src(%dma_wait3A_51 : memref<10000xi32, #tpu.memory_space<hbm>>) dst(%arg4 : memref<10000xi32, #tpu.memory_space<vmem>>)
      tpu.yield
    }) : () -> ()
    %scan3A_29 = arith.constant 0 : i32
    %scan3A_30 = arith.constant 625 : i32
    %scan3A_31 = arith.addi %scan3A_29, %scan3A_30 : i32
    %scan3A_32 = arith.constant 1 : i32
    scf.for %scan3A_49 = %scan3A_29 to %scan3A_31 step %scan3A_32  : i32 {
      %mul3A_50 = arith.constant 1 : i32
      %mul3A_51 = arith.muli %scan3A_49, %mul3A_50 : i32
      %add3A_52 = arith.constant 0 : i32
      %add3A_53 = arith.addi %add3A_52, %mul3A_51 : i32
      %mul3A_54 = arith.constant 16 : i32
      %mul3A_55 = arith.muli %add3A_53, %mul3A_54 : i32
      %get3A = arith.index_cast %mul3A_55 : i32 to index
      %get3A_56 = tpu.vector_load %arg4[%get3A] {strides = array<i32>} : memref<10000xi32, #tpu.memory_space<vmem>>, vector<16xi32>,
      tpu.vector_store_idx %arg5[%select_n3A_18, %get3A_56], %broadcast_in_dim3A_1 masked %lt3A_21 {add = true} : memref<8x10240xf32, #tpu.memory_space<vmem>>[vector<16xi32>, vector<16xi32>], vector<16xf32>, vector<16xi1>
      tpu.vector_store_idx %arg5[%select_n3A_18, %get3A_56], %broadcast_in_dim3A_1 masked %not3A_22 {add = true} : memref<8x10240xf32, #tpu.memory_space<vmem>>[vector<16xi32>, vector<16xi32>], vector<16xf32>, vector<16xi1>
    }
    %scan3A_33 = arith.constant 625 : i32
    %scan3A_34 = arith.constant 0 : i32
    %scan3A_35 = arith.constant 7 : i32
    %scan3A_36 = arith.addi %scan3A_34, %scan3A_35 : i32
    %scan3A_37 = arith.constant 1 : i32
    scf.for %scan3A_49 = %scan3A_34 to %scan3A_36 step %scan3A_37  : i32 {
      %mul3A_50 = arith.constant 1 : i32
      %mul3A_51 = arith.muli %scan3A_49, %mul3A_50 : i32
      %add3A_52 = arith.constant 1 : i32
      %add3A_53 = arith.addi %add3A_52, %mul3A_51 : i32
      %scan3A_54 = arith.constant 0 : i32
      %scan3A_55 = arith.constant 640 : i32
      %scan3A_56 = arith.addi %scan3A_54, %scan3A_55 : i32
      %scan3A_57 = arith.constant 1 : i32
      scf.for %scan3A_59 = %scan3A_54 to %scan3A_56 step %scan3A_57  : i32 {
        %mul3A_60 = arith.constant 1 : i32
        %mul3A_61 = arith.muli %scan3A_59, %mul3A_60 : i32
        %add3A_62 = arith.constant 0 : i32
        %add3A_63 = arith.addi %add3A_62, %mul3A_61 : i32
        %mul3A_64 = arith.constant 16 : i32
        %mul3A_65 = arith.muli %add3A_63, %mul3A_64 : i32
        %get3A = arith.constant 0 : i32
        %get3A_66 = arith.index_cast %get3A : i32 to index
        %get3A_67 = arith.index_cast %mul3A_65 : i32 to index
        %get3A_68 = tpu.vector_load %arg5[%get3A_66, %get3A_67] {strides = array<i32>} : memref<8x10240xf32, #tpu.memory_space<vmem>>, vector<16xf32>,
        %get3A_69 = arith.index_cast %add3A_53 : i32 to index
        %get3A_70 = arith.index_cast %mul3A_65 : i32 to index
        %get3A_71 = tpu.vector_load %arg5[%get3A_69, %get3A_70] {strides = array<i32>} : memref<8x10240xf32, #tpu.memory_space<vmem>>, vector<16xf32>,
        %add3A_72 = arith.addf %get3A_68, %get3A_71 : vector<16xf32>
        %swap3A = arith.constant 0 : i32
        %swap3A_73 = arith.index_cast %swap3A : i32 to index
        %swap3A_74 = arith.index_cast %mul3A_65 : i32 to index
        %swap3A_75 = tpu.vector_load %arg5[%swap3A_73, %swap3A_74] {strides = array<i32>} : memref<8x10240xf32, #tpu.memory_space<vmem>>, vector<16xf32>,
        tpu.vector_store %arg5[%swap3A_73, %swap3A_74], %add3A_72 {strides = array<i32>} : memref<8x10240xf32, #tpu.memory_space<vmem>>, vector<16xf32>,
      }
      %scan3A_58 = arith.constant 640 : i32
    }
    %scan3A_38 = arith.constant 7 : i32
    %run_scoped3A = arith.constant 0 : i32
    "tpu.region"() ({
      %run_scoped3A_49 = tpu.sem_alloc : memref<!tpu.dma_semaphore, #tpu.memory_space<semaphore_mem>>
      %dma_start3A = arith.constant 0 : i32
      %dma_start3A_50 = tpu.memref_slice %arg5[%run_scoped3A, %dma_start3A] : memref<8x10240xf32, #tpu.memory_space<vmem>> -> memref<1x10240xf32, #tpu.memory_space<vmem>>
      %dma_start3A_51 = tpu.memref_squeeze %dma_start3A_50 : memref<1x10240xf32, #tpu.memory_space<vmem>> -> memref<10240xf32, #tpu.memory_space<vmem>>
      %dma_start3A_52 = arith.constant 0 : i32
      %dma_start3A_53 = tpu.memref_slice %arg8[%arg1, %dma_start3A_52] : memref<16x10240xf32, #tpu.memory_space<vmem_shared>> -> memref<1x10240xf32, #tpu.memory_space<vmem_shared>>
      %dma_start3A_54 = tpu.memref_squeeze %dma_start3A_53 : memref<1x10240xf32, #tpu.memory_space<vmem_shared>> -> memref<10240xf32, #tpu.memory_space<vmem_shared>>
      %dma_start3A_55 = arith.constant 0 : i32
      %dma_start3A_56 = tpu.memref_slice %arg8[%arg1, %dma_start3A_55] : memref<16x10240xf32, #tpu.memory_space<vmem_shared>> -> memref<1x10240xf32, #tpu.memory_space<vmem_shared>>
      %dma_start3A_57 = tpu.memref_squeeze %dma_start3A_56 : memref<1x10240xf32, #tpu.memory_space<vmem_shared>> -> memref<10240xf32, #tpu.memory_space<vmem_shared>>
      %dma_start3A_58 = arith.constant 0 : i32
      %dma_start3A_59 = tpu.memref_slice %arg5[%run_scoped3A, %dma_start3A_58] : memref<8x10240xf32, #tpu.memory_space<vmem>> -> memref<1x10240xf32, #tpu.memory_space<vmem>>
      %dma_start3A_60 = tpu.memref_squeeze %dma_start3A_59 : memref<1x10240xf32, #tpu.memory_space<vmem>> -> memref<10240xf32, #tpu.memory_space<vmem>>
      tpu.enqueue_dma source(%dma_start3A_60 : memref<10240xf32, #tpu.memory_space<vmem>>) target(%dma_start3A_57 : memref<10240xf32, #tpu.memory_space<vmem_shared>>) target_semaphore(%run_scoped3A_49 : memref<!tpu.dma_semaphore, #tpu.memory_space<semaphore_mem>>)
      %dma_wait3A = arith.constant 0 : i32
      %dma_wait3A_61 = tpu.memref_slice %arg5[%run_scoped3A, %dma_wait3A] : memref<8x10240xf32, #tpu.memory_space<vmem>> -> memref<1x10240xf32, #tpu.memory_space<vmem>>
      %dma_wait3A_62 = tpu.memref_squeeze %dma_wait3A_61 : memref<1x10240xf32, #tpu.memory_space<vmem>> -> memref<10240xf32, #tpu.memory_space<vmem>>
      %dma_wait3A_63 = arith.constant 0 : i32
      %dma_wait3A_64 = tpu.memref_slice %arg8[%arg1, %dma_wait3A_63] : memref<16x10240xf32, #tpu.memory_space<vmem_shared>> -> memref<1x10240xf32, #tpu.memory_space<vmem_shared>>
      %dma_wait3A_65 = tpu.memref_squeeze %dma_wait3A_64 : memref<1x10240xf32, #tpu.memory_space<vmem_shared>> -> memref<10240xf32, #tpu.memory_space<vmem_shared>>
      %dma_wait3A_66 = arith.constant 0 : i32
      %dma_wait3A_67 = tpu.memref_slice %arg8[%arg1, %dma_wait3A_66] : memref<16x10240xf32, #tpu.memory_space<vmem_shared>> -> memref<1x10240xf32, #tpu.memory_space<vmem_shared>>
      %dma_wait3A_68 = tpu.memref_squeeze %dma_wait3A_67 : memref<1x10240xf32, #tpu.memory_space<vmem_shared>> -> memref<10240xf32, #tpu.memory_space<vmem_shared>>
      %dma_wait3A_69 = arith.constant 0 : i32
      %dma_wait3A_70 = tpu.memref_slice %arg5[%run_scoped3A, %dma_wait3A_69] : memref<8x10240xf32, #tpu.memory_space<vmem>> -> memref<1x10240xf32, #tpu.memory_space<vmem>>
      %dma_wait3A_71 = tpu.memref_squeeze %dma_wait3A_70 : memref<1x10240xf32, #tpu.memory_space<vmem>> -> memref<10240xf32, #tpu.memory_space<vmem>>
      tpu.wait_dma2 semaphore(%run_scoped3A_49 : memref<!tpu.dma_semaphore, #tpu.memory_space<semaphore_mem>>) src(%dma_wait3A_71 : memref<10240xf32, #tpu.memory_space<vmem>>) dst(%dma_wait3A_68 : memref<10240xf32, #tpu.memory_space<vmem_shared>>)
      tpu.yield
    }) : () -> ()
    %barrier3A = arith.constant 0 : index
    tpu.barrier barrier_id(%barrier3A)
    %mul3A_39 = arith.constant 640 : i32
    %mul3A_40 = arith.muli %arg1, %mul3A_39 : i32
    %run_scoped3A_41 = arith.constant 0 : i32
    "tpu.region"() ({
      %run_scoped3A_49 = tpu.sem_alloc : memref<!tpu.dma_semaphore, #tpu.memory_space<semaphore_mem>>
      %dma_start3A = arith.constant 0 : i32
      %dma_start3A_50 = tpu.memref_slice %arg8[%run_scoped3A_41, %dma_start3A] : memref<16x10240xf32, #tpu.memory_space<vmem_shared>> -> memref<1x10240xf32, #tpu.memory_space<vmem_shared>>
      %dma_start3A_51 = tpu.memref_squeeze %dma_start3A_50 : memref<1x10240xf32, #tpu.memory_space<vmem_shared>> -> memref<10240xf32, #tpu.memory_space<vmem_shared>>
      %dma_start3A_52 = tpu.memref_slice %dma_start3A_51[%mul3A_40] : memref<10240xf32, #tpu.memory_space<vmem_shared>> -> memref<640xf32, #tpu.memory_space<vmem_shared>>
      %dma_start3A_53 = arith.constant 0 : i32
      %dma_start3A_54 = tpu.memref_slice %arg8[%run_scoped3A_41, %dma_start3A_53] : memref<16x10240xf32, #tpu.memory_space<vmem_shared>> -> memref<1x10240xf32, #tpu.memory_space<vmem_shared>>
      %dma_start3A_55 = tpu.memref_squeeze %dma_start3A_54 : memref<1x10240xf32, #tpu.memory_space<vmem_shared>> -> memref<10240xf32, #tpu.memory_space<vmem_shared>>
      %dma_start3A_56 = tpu.memref_slice %dma_start3A_55[%mul3A_40] : memref<10240xf32, #tpu.memory_space<vmem_shared>> -> memref<640xf32, #tpu.memory_space<vmem_shared>>
      tpu.enqueue_dma source(%dma_start3A_56 : memref<640xf32, #tpu.memory_space<vmem_shared>>) target(%arg6 : memref<640xf32, #tpu.memory_space<vmem>>) target_semaphore(%run_scoped3A_49 : memref<!tpu.dma_semaphore, #tpu.memory_space<semaphore_mem>>)
      %dma_wait3A = arith.constant 0 : i32
      %dma_wait3A_57 = tpu.memref_slice %arg8[%run_scoped3A_41, %dma_wait3A] : memref<16x10240xf32, #tpu.memory_space<vmem_shared>> -> memref<1x10240xf32, #tpu.memory_space<vmem_shared>>
      %dma_wait3A_58 = tpu.memref_squeeze %dma_wait3A_57 : memref<1x10240xf32, #tpu.memory_space<vmem_shared>> -> memref<10240xf32, #tpu.memory_space<vmem_shared>>
      %dma_wait3A_59 = tpu.memref_slice %dma_wait3A_58[%mul3A_40] : memref<10240xf32, #tpu.memory_space<vmem_shared>> -> memref<640xf32, #tpu.memory_space<vmem_shared>>
      %dma_wait3A_60 = arith.constant 0 : i32
      %dma_wait3A_61 = tpu.memref_slice %arg8[%run_scoped3A_41, %dma_wait3A_60] : memref<16x10240xf32, #tpu.memory_space<vmem_shared>> -> memref<1x10240xf32, #tpu.memory_space<vmem_shared>>
      %dma_wait3A_62 = tpu.memref_squeeze %dma_wait3A_61 : memref<1x10240xf32, #tpu.memory_space<vmem_shared>> -> memref<10240xf32, #tpu.memory_space<vmem_shared>>
      %dma_wait3A_63 = tpu.memref_slice %dma_wait3A_62[%mul3A_40] : memref<10240xf32, #tpu.memory_space<vmem_shared>> -> memref<640xf32, #tpu.memory_space<vmem_shared>>
      tpu.wait_dma2 semaphore(%run_scoped3A_49 : memref<!tpu.dma_semaphore, #tpu.memory_space<semaphore_mem>>) src(%dma_wait3A_63 : memref<640xf32, #tpu.memory_space<vmem_shared>>) dst(%arg6 : memref<640xf32, #tpu.memory_space<vmem>>)
      tpu.yield
    }) : () -> ()
    %scan3A_42 = arith.constant 0 : i32
    %scan3A_43 = arith.constant 15 : i32
    %scan3A_44 = arith.addi %scan3A_42, %scan3A_43 : i32
    %scan3A_45 = arith.constant 1 : i32
    scf.for %scan3A_49 = %scan3A_42 to %scan3A_44 step %scan3A_45  : i32 {
      %mul3A_50 = arith.constant 1 : i32
      %mul3A_51 = arith.muli %scan3A_49, %mul3A_50 : i32
      %add3A_52 = arith.constant 1 : i32
      %add3A_53 = arith.addi %add3A_52, %mul3A_51 : i32
      %mul3A_54 = arith.constant 640 : i32
      %mul3A_55 = arith.muli %arg1, %mul3A_54 : i32
      "tpu.region"() ({
        %run_scoped3A_61 = tpu.sem_alloc : memref<!tpu.dma_semaphore, #tpu.memory_space<semaphore_mem>>
        %dma_start3A = arith.constant 0 : i32
        %dma_start3A_62 = tpu.memref_slice %arg8[%add3A_53, %dma_start3A] : memref<16x10240xf32, #tpu.memory_space<vmem_shared>> -> memref<1x10240xf32, #tpu.memory_space<vmem_shared>>
        %dma_start3A_63 = tpu.memref_squeeze %dma_start3A_62 : memref<1x10240xf32, #tpu.memory_space<vmem_shared>> -> memref<10240xf32, #tpu.memory_space<vmem_shared>>
        %dma_start3A_64 = tpu.memref_slice %dma_start3A_63[%mul3A_55] : memref<10240xf32, #tpu.memory_space<vmem_shared>> -> memref<640xf32, #tpu.memory_space<vmem_shared>>
        %dma_start3A_65 = arith.constant 0 : i32
        %dma_start3A_66 = tpu.memref_slice %arg8[%add3A_53, %dma_start3A_65] : memref<16x10240xf32, #tpu.memory_space<vmem_shared>> -> memref<1x10240xf32, #tpu.memory_space<vmem_shared>>
        %dma_start3A_67 = tpu.memref_squeeze %dma_start3A_66 : memref<1x10240xf32, #tpu.memory_space<vmem_shared>> -> memref<10240xf32, #tpu.memory_space<vmem_shared>>
        %dma_start3A_68 = tpu.memref_slice %dma_start3A_67[%mul3A_55] : memref<10240xf32, #tpu.memory_space<vmem_shared>> -> memref<640xf32, #tpu.memory_space<vmem_shared>>
        tpu.enqueue_dma source(%dma_start3A_68 : memref<640xf32, #tpu.memory_space<vmem_shared>>) target(%arg7 : memref<640xf32, #tpu.memory_space<vmem>>) target_semaphore(%run_scoped3A_61 : memref<!tpu.dma_semaphore, #tpu.memory_space<semaphore_mem>>)
        %dma_wait3A = arith.constant 0 : i32
        %dma_wait3A_69 = tpu.memref_slice %arg8[%add3A_53, %dma_wait3A] : memref<16x10240xf32, #tpu.memory_space<vmem_shared>> -> memref<1x10240xf32, #tpu.memory_space<vmem_shared>>
        %dma_wait3A_70 = tpu.memref_squeeze %dma_wait3A_69 : memref<1x10240xf32, #tpu.memory_space<vmem_shared>> -> memref<10240xf32, #tpu.memory_space<vmem_shared>>
        %dma_wait3A_71 = tpu.memref_slice %dma_wait3A_70[%mul3A_55] : memref<10240xf32, #tpu.memory_space<vmem_shared>> -> memref<640xf32, #tpu.memory_space<vmem_shared>>
        %dma_wait3A_72 = arith.constant 0 : i32
        %dma_wait3A_73 = tpu.memref_slice %arg8[%add3A_53, %dma_wait3A_72] : memref<16x10240xf32, #tpu.memory_space<vmem_shared>> -> memref<1x10240xf32, #tpu.memory_space<vmem_shared>>
        %dma_wait3A_74 = tpu.memref_squeeze %dma_wait3A_73 : memref<1x10240xf32, #tpu.memory_space<vmem_shared>> -> memref<10240xf32, #tpu.memory_space<vmem_shared>>
        %dma_wait3A_75 = tpu.memref_slice %dma_wait3A_74[%mul3A_55] : memref<10240xf32, #tpu.memory_space<vmem_shared>> -> memref<640xf32, #tpu.memory_space<vmem_shared>>
        tpu.wait_dma2 semaphore(%run_scoped3A_61 : memref<!tpu.dma_semaphore, #tpu.memory_space<semaphore_mem>>) src(%dma_wait3A_75 : memref<640xf32, #tpu.memory_space<vmem_shared>>) dst(%arg7 : memref<640xf32, #tpu.memory_space<vmem>>)
        tpu.yield
      }) : () -> ()
      %scan3A_56 = arith.constant 0 : i32
      %scan3A_57 = arith.constant 40 : i32
      %scan3A_58 = arith.addi %scan3A_56, %scan3A_57 : i32
      %scan3A_59 = arith.constant 1 : i32
      scf.for %scan3A_61 = %scan3A_56 to %scan3A_58 step %scan3A_59  : i32 {
        %mul3A_62 = arith.constant 1 : i32
        %mul3A_63 = arith.muli %scan3A_61, %mul3A_62 : i32
        %add3A_64 = arith.constant 0 : i32
        %add3A_65 = arith.addi %add3A_64, %mul3A_63 : i32
        %mul3A_66 = arith.constant 16 : i32
        %mul3A_67 = arith.muli %add3A_65, %mul3A_66 : i32
        %get3A = arith.index_cast %mul3A_67 : i32 to index
        %get3A_68 = tpu.vector_load %arg6[%get3A] {strides = array<i32>} : memref<640xf32, #tpu.memory_space<vmem>>, vector<16xf32>,
        %get3A_69 = arith.index_cast %mul3A_67 : i32 to index
        %get3A_70 = tpu.vector_load %arg7[%get3A_69] {strides = array<i32>} : memref<640xf32, #tpu.memory_space<vmem>>, vector<16xf32>,
        %add3A_71 = arith.addf %get3A_68, %get3A_70 : vector<16xf32>
        %swap3A = arith.index_cast %mul3A_67 : i32 to index
        %swap3A_72 = tpu.vector_load %arg6[%swap3A] {strides = array<i32>} : memref<640xf32, #tpu.memory_space<vmem>>, vector<16xf32>,
        tpu.vector_store %arg6[%swap3A], %add3A_71 {strides = array<i32>} : memref<640xf32, #tpu.memory_space<vmem>>, vector<16xf32>,
      }
      %scan3A_60 = arith.constant 40 : i32
    }
    %scan3A_46 = arith.constant 15 : i32
    %mul3A_47 = arith.constant 640 : i32
    %mul3A_48 = arith.muli %arg1, %mul3A_47 : i32
    "tpu.region"() ({
      %run_scoped3A_49 = tpu.sem_alloc : memref<!tpu.dma_semaphore, #tpu.memory_space<semaphore_mem>>
      %dma_start3A = arith.constant 0 : i32
      %dma_start3A_50 = tpu.memref_slice %arg3[%arg0, %dma_start3A] : memref<2x10240xf32, #tpu.memory_space<hbm>> -> memref<1x10240xf32, #tpu.memory_space<hbm>>
      %dma_start3A_51 = tpu.memref_squeeze %dma_start3A_50 : memref<1x10240xf32, #tpu.memory_space<hbm>> -> memref<10240xf32, #tpu.memory_space<hbm>>
      %dma_start3A_52 = tpu.memref_slice %dma_start3A_51[%mul3A_48] : memref<10240xf32, #tpu.memory_space<hbm>> -> memref<640xf32, #tpu.memory_space<hbm>>
      %dma_start3A_53 = arith.constant 0 : i32
      %dma_start3A_54 = tpu.memref_slice %arg3[%arg0, %dma_start3A_53] : memref<2x10240xf32, #tpu.memory_space<hbm>> -> memref<1x10240xf32, #tpu.memory_space<hbm>>
      %dma_start3A_55 = tpu.memref_squeeze %dma_start3A_54 : memref<1x10240xf32, #tpu.memory_space<hbm>> -> memref<10240xf32, #tpu.memory_space<hbm>>
      %dma_start3A_56 = tpu.memref_slice %dma_start3A_55[%mul3A_48] : memref<10240xf32, #tpu.memory_space<hbm>> -> memref<640xf32, #tpu.memory_space<hbm>>
      tpu.enqueue_dma source(%arg6 : memref<640xf32, #tpu.memory_space<vmem>>) target(%dma_start3A_56 : memref<640xf32, #tpu.memory_space<hbm>>) target_semaphore(%run_scoped3A_49 : memref<!tpu.dma_semaphore, #tpu.memory_space<semaphore_mem>>)
      %dma_wait3A = arith.constant 0 : i32
      %dma_wait3A_57 = tpu.memref_slice %arg3[%arg0, %dma_wait3A] : memref<2x10240xf32, #tpu.memory_space<hbm>> -> memref<1x10240xf32, #tpu.memory_space<hbm>>
      %dma_wait3A_58 = tpu.memref_squeeze %dma_wait3A_57 : memref<1x10240xf32, #tpu.memory_space<hbm>> -> memref<10240xf32, #tpu.memory_space<hbm>>
      %dma_wait3A_59 = tpu.memref_slice %dma_wait3A_58[%mul3A_48] : memref<10240xf32, #tpu.memory_space<hbm>> -> memref<640xf32, #tpu.memory_space<hbm>>
      %dma_wait3A_60 = arith.constant 0 : i32
      %dma_wait3A_61 = tpu.memref_slice %arg3[%arg0, %dma_wait3A_60] : memref<2x10240xf32, #tpu.memory_space<hbm>> -> memref<1x10240xf32, #tpu.memory_space<hbm>>
      %dma_wait3A_62 = tpu.memref_squeeze %dma_wait3A_61 : memref<1x10240xf32, #tpu.memory_space<hbm>> -> memref<10240xf32, #tpu.memory_space<hbm>>
      %dma_wait3A_63 = tpu.memref_slice %dma_wait3A_62[%mul3A_48] : memref<10240xf32, #tpu.memory_space<hbm>> -> memref<640xf32, #tpu.memory_space<hbm>>
      tpu.wait_dma2 semaphore(%run_scoped3A_49 : memref<!tpu.dma_semaphore, #tpu.memory_space<semaphore_mem>>) src(%arg6 : memref<640xf32, #tpu.memory_space<vmem>>) dst(%dma_wait3A_63 : memref<640xf32, #tpu.memory_space<hbm>>)
      tpu.yield
    }) : () -> ()
    return
  }
}

#map = affine_map<(d0, d1) -> (0, 0)>
#map1 = affine_map<(d0, d1) -> (0)>
#map2 = affine_map<(d0, d1) -> (0, 0, 0)>
module attributes {stable_mosaic.version = 14 : i64} {
  func.func @agg_kernel(%arg0: i32, %arg1: i32, %arg2: memref<10000x128xf32, #tpu.memory_space<hbm>>, %arg3: memref<320000xi32, #tpu.memory_space<hbm>>, %arg4: memref<320000xi32, #tpu.memory_space<hbm>>, %arg5: memref<400x128xf32, #tpu.memory_space<hbm>>, %arg6: memref<2x10000x128xf32, #tpu.memory_space<hbm>>, %arg7: memref<160xi32, #tpu.memory_space<vmem>>, %arg8: memref<160xi32, #tpu.memory_space<vmem>>, %arg9: memref<160xi32, #tpu.memory_space<vmem>>, %arg10: memref<160xi32, #tpu.memory_space<vmem>>, %arg11: memref<160x128xf32, #tpu.memory_space<vmem>>, %arg12: memref<160x128xf32, #tpu.memory_space<vmem>>, %arg13: memref<10000x128xf32, #tpu.memory_space<vmem_shared>>, %arg14: memref<!tpu.dma_semaphore, #tpu.memory_space<semaphore_mem>>, %arg15: memref<!tpu.dma_semaphore, #tpu.memory_space<semaphore_mem>>, %arg16: memref<!tpu.dma_semaphore, #tpu.memory_space<semaphore_mem>>, %arg17: memref<!tpu.dma_semaphore, #tpu.memory_space<semaphore_mem>>, %arg18: memref<!tpu.dma_semaphore, #tpu.memory_space<semaphore_mem>>, %arg19: memref<!tpu.dma_semaphore, #tpu.memory_space<semaphore_mem>>, %arg20: memref<!tpu.dma_semaphore, #tpu.memory_space<semaphore_mem>>, %arg21: memref<!tpu.dma_semaphore, #tpu.memory_space<semaphore_mem>>) attributes {dimension_semantics = [#tpu.dimension_semantics<core_parallel>, #tpu.dimension_semantics<subcore_parallel>], iteration_bounds = array<i64: 2, 16>, scalar_prefetch = 0 : i64, scratch_operands = 15 : i64, tpu.core_type = #tpu.core_type<sc_vector_subcore>, window_params = [{transform_indices = #map}, {transform_indices = #map1}, {transform_indices = #map1}, {transform_indices = #map}, {transform_indices = #map2}]} {
    %mul3A = arith.constant 16 : i32
    %mul3A_0 = arith.muli %arg0, %mul3A : i32
    %add3A = arith.addi %mul3A_0, %arg1 : i32
    %scan3A = arith.constant 0 : i32
    %scan3A_1 = arith.constant 2 : i32
    %scan3A_2 = arith.addi %scan3A, %scan3A_1 : i32
    %scan3A_3 = arith.constant 1 : i32
    scf.for %scan3A_34 = %scan3A to %scan3A_2 step %scan3A_3  : i32 {
      %mul3A_35 = arith.constant 1 : i32
      %mul3A_36 = arith.muli %scan3A_34, %mul3A_35 : i32
      %add3A_37 = arith.constant 0 : i32
      %add3A_38 = arith.addi %add3A_37, %mul3A_36 : i32
      %mul3A_39 = arith.constant 16 : i32
      %mul3A_40 = arith.muli %add3A_38, %mul3A_39 : i32
      %add3A_41 = arith.addi %mul3A_40, %arg1 : i32
      %lt3A_42 = arith.constant 25 : i32
      %lt3A_43 = arith.cmpi slt, %add3A_41, %lt3A_42 : i32
      %convert_element_type3A_44 = arith.extui %lt3A_43 : i1 to i32
      %cond3A_45 = arith.constant 0 : i32
      %cond3A_46 = arith.cmpi ne, %convert_element_type3A_44, %cond3A_45 : i32
      scf.if %cond3A_46 {
        %mul3A_47 = arith.constant 400 : i32
        %mul3A_48 = arith.muli %add3A_41, %mul3A_47 : i32
        "tpu.region"() ({
          %run_scoped3A = tpu.sem_alloc : memref<!tpu.dma_semaphore, #tpu.memory_space<semaphore_mem>>
          %dma_start3A = arith.constant 0 : i32
          %dma_start3A_49 = tpu.memref_slice %arg13[%mul3A_48, %dma_start3A] : memref<10000x128xf32, #tpu.memory_space<vmem_shared>> -> memref<400x128xf32, #tpu.memory_space<vmem_shared>>
          tpu.enqueue_dma source(%arg5 : memref<400x128xf32, #tpu.memory_space<hbm>>) target(%dma_start3A_49 : memref<400x128xf32, #tpu.memory_space<vmem_shared>>) target_semaphore(%run_scoped3A : memref<!tpu.dma_semaphore, #tpu.memory_space<semaphore_mem>>)
          %dma_wait3A = arith.constant 0 : i32
          %dma_wait3A_50 = tpu.memref_slice %arg13[%mul3A_48, %dma_wait3A] : memref<10000x128xf32, #tpu.memory_space<vmem_shared>> -> memref<400x128xf32, #tpu.memory_space<vmem_shared>>
          tpu.wait_dma2 semaphore(%run_scoped3A : memref<!tpu.dma_semaphore, #tpu.memory_space<semaphore_mem>>) src(%arg5 : memref<400x128xf32, #tpu.memory_space<hbm>>) dst(%dma_wait3A_50 : memref<400x128xf32, #tpu.memory_space<vmem_shared>>)
          tpu.yield
        }) : () -> ()
      } else {
      }
    }
    %scan3A_4 = arith.constant 2 : i32
    %barrier3A = arith.constant 0 : index
    tpu.barrier barrier_id(%barrier3A)
    %add3A_5 = arith.constant 0 : i32
    %add3A_6 = arith.addi %add3A_5, %add3A : i32
    %lt3A = arith.constant 2000 : i32
    %lt3A_7 = arith.cmpi slt, %add3A_6, %lt3A : i32
    %convert_element_type3A = arith.extui %lt3A_7 : i1 to i32
    %cond3A = arith.constant 0 : i32
    %cond3A_8 = arith.cmpi ne, %convert_element_type3A, %cond3A : i32
    scf.if %cond3A_8 {
      %add3A_34 = arith.constant 0 : i32
      %add3A_35 = arith.addi %add3A_34, %add3A : i32
      %mul3A_36 = arith.constant 160 : i32
      %mul3A_37 = arith.muli %add3A_35, %mul3A_36 : i32
      %dma_start3A = tpu.memref_slice %arg3[%mul3A_37] : memref<320000xi32, #tpu.memory_space<hbm>> -> memref<160xi32, #tpu.memory_space<hbm>>
      %dma_start3A_38 = tpu.memref_slice %arg3[%mul3A_37] : memref<320000xi32, #tpu.memory_space<hbm>> -> memref<160xi32, #tpu.memory_space<hbm>>
      tpu.enqueue_dma source(%dma_start3A_38 : memref<160xi32, #tpu.memory_space<hbm>>) target(%arg7 : memref<160xi32, #tpu.memory_space<vmem>>) target_semaphore(%arg14 : memref<!tpu.dma_semaphore, #tpu.memory_space<semaphore_mem>>)
      %add3A_39 = arith.constant 0 : i32
      %add3A_40 = arith.addi %add3A_39, %add3A : i32
      %mul3A_41 = arith.constant 160 : i32
      %mul3A_42 = arith.muli %add3A_40, %mul3A_41 : i32
      %dma_start3A_43 = tpu.memref_slice %arg4[%mul3A_42] : memref<320000xi32, #tpu.memory_space<hbm>> -> memref<160xi32, #tpu.memory_space<hbm>>
      %dma_start3A_44 = tpu.memref_slice %arg4[%mul3A_42] : memref<320000xi32, #tpu.memory_space<hbm>> -> memref<160xi32, #tpu.memory_space<hbm>>
      tpu.enqueue_dma source(%dma_start3A_44 : memref<160xi32, #tpu.memory_space<hbm>>) target(%arg8 : memref<160xi32, #tpu.memory_space<vmem>>) target_semaphore(%arg15 : memref<!tpu.dma_semaphore, #tpu.memory_space<semaphore_mem>>)
    } else {
    }
    %add3A_9 = arith.constant 32 : i32
    %add3A_10 = arith.addi %add3A_9, %add3A : i32
    %lt3A_11 = arith.constant 2000 : i32
    %lt3A_12 = arith.cmpi slt, %add3A_10, %lt3A_11 : i32
    %convert_element_type3A_13 = arith.extui %lt3A_12 : i1 to i32
    %cond3A_14 = arith.constant 0 : i32
    %cond3A_15 = arith.cmpi ne, %convert_element_type3A_13, %cond3A_14 : i32
    scf.if %cond3A_15 {
      %add3A_34 = arith.constant 32 : i32
      %add3A_35 = arith.addi %add3A_34, %add3A : i32
      %mul3A_36 = arith.constant 160 : i32
      %mul3A_37 = arith.muli %add3A_35, %mul3A_36 : i32
      %dma_start3A = tpu.memref_slice %arg3[%mul3A_37] : memref<320000xi32, #tpu.memory_space<hbm>> -> memref<160xi32, #tpu.memory_space<hbm>>
      %dma_start3A_38 = tpu.memref_slice %arg3[%mul3A_37] : memref<320000xi32, #tpu.memory_space<hbm>> -> memref<160xi32, #tpu.memory_space<hbm>>
      tpu.enqueue_dma source(%dma_start3A_38 : memref<160xi32, #tpu.memory_space<hbm>>) target(%arg9 : memref<160xi32, #tpu.memory_space<vmem>>) target_semaphore(%arg18 : memref<!tpu.dma_semaphore, #tpu.memory_space<semaphore_mem>>)
      %add3A_39 = arith.constant 32 : i32
      %add3A_40 = arith.addi %add3A_39, %add3A : i32
      %mul3A_41 = arith.constant 160 : i32
      %mul3A_42 = arith.muli %add3A_40, %mul3A_41 : i32
      %dma_start3A_43 = tpu.memref_slice %arg4[%mul3A_42] : memref<320000xi32, #tpu.memory_space<hbm>> -> memref<160xi32, #tpu.memory_space<hbm>>
      %dma_start3A_44 = tpu.memref_slice %arg4[%mul3A_42] : memref<320000xi32, #tpu.memory_space<hbm>> -> memref<160xi32, #tpu.memory_space<hbm>>
      tpu.enqueue_dma source(%dma_start3A_44 : memref<160xi32, #tpu.memory_space<hbm>>) target(%arg10 : memref<160xi32, #tpu.memory_space<vmem>>) target_semaphore(%arg19 : memref<!tpu.dma_semaphore, #tpu.memory_space<semaphore_mem>>)
    } else {
    }
    %add3A_16 = arith.constant 0 : i32
    %add3A_17 = arith.addi %add3A_16, %add3A : i32
    %lt3A_18 = arith.constant 2000 : i32
    %lt3A_19 = arith.cmpi slt, %add3A_17, %lt3A_18 : i32
    %convert_element_type3A_20 = arith.extui %lt3A_19 : i1 to i32
    %cond3A_21 = arith.constant 0 : i32
    %cond3A_22 = arith.cmpi ne, %convert_element_type3A_20, %cond3A_21 : i32
    scf.if %cond3A_22 {
      %add3A_34 = arith.constant 0 : i32
      %add3A_35 = arith.addi %add3A_34, %add3A : i32
      %mul3A_36 = arith.constant 160 : i32
      %mul3A_37 = arith.muli %add3A_35, %mul3A_36 : i32
      %dma_wait3A = tpu.memref_slice %arg3[%mul3A_37] : memref<320000xi32, #tpu.memory_space<hbm>> -> memref<160xi32, #tpu.memory_space<hbm>>
      %dma_wait3A_38 = tpu.memref_slice %arg3[%mul3A_37] : memref<320000xi32, #tpu.memory_space<hbm>> -> memref<160xi32, #tpu.memory_space<hbm>>
      tpu.wait_dma2 semaphore(%arg14 : memref<!tpu.dma_semaphore, #tpu.memory_space<semaphore_mem>>) src(%dma_wait3A_38 : memref<160xi32, #tpu.memory_space<hbm>>) dst(%arg7 : memref<160xi32, #tpu.memory_space<vmem>>)
      %dma_start3A = arith.constant 0 : i32
      %dma_start3A_39 = arith.constant 0 : i32
      %dma_start3A_40 = tpu.memref_slice %arg2[%dma_start3A, %dma_start3A_39] : memref<10000x128xf32, #tpu.memory_space<hbm>> -> memref<10000x128xf32, #tpu.memory_space<hbm>>
      tpu.enqueue_indirect_dma source(%dma_start3A_40 : memref<10000x128xf32, #tpu.memory_space<hbm>>) target(%arg11 : memref<160x128xf32, #tpu.memory_space<vmem>>) offsets(%arg7 : memref<160xi32, #tpu.memory_space<vmem>>) semaphore(%arg16 : memref<!tpu.dma_semaphore, #tpu.memory_space<semaphore_mem>>)
    } else {
    }
    %scan3A_23 = arith.constant 0 : i32
    %scan3A_24 = arith.constant 32 : i32
    %scan3A_25 = arith.addi %scan3A_23, %scan3A_24 : i32
    %scan3A_26 = arith.constant 1 : i32
    scf.for %scan3A_34 = %scan3A_23 to %scan3A_25 step %scan3A_26  : i32 {
      %mul3A_35 = arith.constant 1 : i32
      %mul3A_36 = arith.muli %scan3A_34, %mul3A_35 : i32
      %add3A_37 = arith.constant 0 : i32
      %add3A_38 = arith.addi %add3A_37, %mul3A_36 : i32
      %mul3A_39 = arith.constant 2 : i32
      %mul3A_40 = arith.muli %mul3A_39, %add3A_38 : i32
      %add3A_41 = arith.constant 1 : i32
      %add3A_42 = arith.addi %mul3A_40, %add3A_41 : i32
      %mul3A_43 = arith.constant 32 : i32
      %mul3A_44 = arith.muli %add3A_42, %mul3A_43 : i32
      %add3A_45 = arith.addi %mul3A_44, %add3A : i32
      %lt3A_46 = arith.constant 2000 : i32
      %lt3A_47 = arith.cmpi slt, %add3A_45, %lt3A_46 : i32
      %convert_element_type3A_48 = arith.extui %lt3A_47 : i1 to i32
      %cond3A_49 = arith.constant 0 : i32
      %cond3A_50 = arith.cmpi ne, %convert_element_type3A_48, %cond3A_49 : i32
      scf.if %cond3A_50 {
        %mul3A_117 = arith.constant 32 : i32
        %mul3A_118 = arith.muli %add3A_42, %mul3A_117 : i32
        %add3A_119 = arith.addi %mul3A_118, %add3A : i32
        %mul3A_120 = arith.constant 160 : i32
        %mul3A_121 = arith.muli %add3A_119, %mul3A_120 : i32
        %dma_wait3A = tpu.memref_slice %arg3[%mul3A_121] : memref<320000xi32, #tpu.memory_space<hbm>> -> memref<160xi32, #tpu.memory_space<hbm>>
        %dma_wait3A_122 = tpu.memref_slice %arg3[%mul3A_121] : memref<320000xi32, #tpu.memory_space<hbm>> -> memref<160xi32, #tpu.memory_space<hbm>>
        tpu.wait_dma2 semaphore(%arg18 : memref<!tpu.dma_semaphore, #tpu.memory_space<semaphore_mem>>) src(%dma_wait3A_122 : memref<160xi32, #tpu.memory_space<hbm>>) dst(%arg9 : memref<160xi32, #tpu.memory_space<vmem>>)
        %dma_start3A = arith.constant 0 : i32
        %dma_start3A_123 = arith.constant 0 : i32
        %dma_start3A_124 = tpu.memref_slice %arg2[%dma_start3A, %dma_start3A_123] : memref<10000x128xf32, #tpu.memory_space<hbm>> -> memref<10000x128xf32, #tpu.memory_space<hbm>>
        tpu.enqueue_indirect_dma source(%dma_start3A_124 : memref<10000x128xf32, #tpu.memory_space<hbm>>) target(%arg12 : memref<160x128xf32, #tpu.memory_space<vmem>>) offsets(%arg9 : memref<160xi32, #tpu.memory_space<vmem>>) semaphore(%arg20 : memref<!tpu.dma_semaphore, #tpu.memory_space<semaphore_mem>>)
      } else {
      }
      %mul3A_51 = arith.constant 32 : i32
      %mul3A_52 = arith.muli %mul3A_40, %mul3A_51 : i32
      %add3A_53 = arith.addi %mul3A_52, %add3A : i32
      %lt3A_54 = arith.constant 2000 : i32
      %lt3A_55 = arith.cmpi slt, %add3A_53, %lt3A_54 : i32
      %convert_element_type3A_56 = arith.extui %lt3A_55 : i1 to i32
      %cond3A_57 = arith.constant 0 : i32
      %cond3A_58 = arith.cmpi ne, %convert_element_type3A_56, %cond3A_57 : i32
      scf.if %cond3A_58 {
        %dma_wait3A = arith.constant 0 : i32
        %dma_wait3A_117 = arith.constant 0 : i32
        %dma_wait3A_118 = tpu.memref_slice %arg2[%dma_wait3A, %dma_wait3A_117] : memref<10000x128xf32, #tpu.memory_space<hbm>> -> memref<10000x128xf32, #tpu.memory_space<hbm>>
        tpu.wait_indirect_dma semaphore(%arg16 : memref<!tpu.dma_semaphore, #tpu.memory_space<semaphore_mem>>) src(%dma_wait3A_118 : memref<10000x128xf32, #tpu.memory_space<hbm>>) dst(%arg11 : memref<160x128xf32, #tpu.memory_space<vmem>>)
        %mul3A_119 = arith.constant 32 : i32
        %mul3A_120 = arith.muli %mul3A_40, %mul3A_119 : i32
        %add3A_121 = arith.addi %mul3A_120, %add3A : i32
        %mul3A_122 = arith.constant 160 : i32
        %mul3A_123 = arith.muli %add3A_121, %mul3A_122 : i32
        %dma_wait3A_124 = tpu.memref_slice %arg4[%mul3A_123] : memref<320000xi32, #tpu.memory_space<hbm>> -> memref<160xi32, #tpu.memory_space<hbm>>
        %dma_wait3A_125 = tpu.memref_slice %arg4[%mul3A_123] : memref<320000xi32, #tpu.memory_space<hbm>> -> memref<160xi32, #tpu.memory_space<hbm>>
        tpu.wait_dma2 semaphore(%arg15 : memref<!tpu.dma_semaphore, #tpu.memory_space<semaphore_mem>>) src(%dma_wait3A_125 : memref<160xi32, #tpu.memory_space<hbm>>) dst(%arg8 : memref<160xi32, #tpu.memory_space<vmem>>)
        %dma_start3A = arith.constant 0 : i32
        %dma_start3A_126 = arith.constant 0 : i32
        %dma_start3A_127 = tpu.memref_slice %arg13[%dma_start3A, %dma_start3A_126] : memref<10000x128xf32, #tpu.memory_space<vmem_shared>> -> memref<10000x128xf32, #tpu.memory_space<vmem_shared>>
        tpu.enqueue_indirect_dma source(%arg11 : memref<160x128xf32, #tpu.memory_space<vmem>>) target(%dma_start3A_127 : memref<10000x128xf32, #tpu.memory_space<vmem_shared>>) offsets(%arg8 : memref<160xi32, #tpu.memory_space<vmem>>) semaphore(%arg17 : memref<!tpu.dma_semaphore, #tpu.memory_space<semaphore_mem>>) {add = true}
      } else {
      }
      %mul3A_59 = arith.constant 32 : i32
      %mul3A_60 = arith.muli %mul3A_40, %mul3A_59 : i32
      %add3A_61 = arith.addi %mul3A_60, %add3A : i32
      %lt3A_62 = arith.constant 2000 : i32
      %lt3A_63 = arith.cmpi slt, %add3A_61, %lt3A_62 : i32
      %convert_element_type3A_64 = arith.extui %lt3A_63 : i1 to i32
      %cond3A_65 = arith.constant 0 : i32
      %cond3A_66 = arith.cmpi ne, %convert_element_type3A_64, %cond3A_65 : i32
      scf.if %cond3A_66 {
        %dma_wait3A = arith.constant 0 : i32
        %dma_wait3A_117 = arith.constant 0 : i32
        %dma_wait3A_118 = tpu.memref_slice %arg13[%dma_wait3A, %dma_wait3A_117] : memref<10000x128xf32, #tpu.memory_space<vmem_shared>> -> memref<10000x128xf32, #tpu.memory_space<vmem_shared>>
        tpu.wait_indirect_dma semaphore(%arg17 : memref<!tpu.dma_semaphore, #tpu.memory_space<semaphore_mem>>) src(%arg11 : memref<160x128xf32, #tpu.memory_space<vmem>>) dst(%dma_wait3A_118 : memref<10000x128xf32, #tpu.memory_space<vmem_shared>>)
      } else {
      }
      %add3A_67 = arith.constant 2 : i32
      %add3A_68 = arith.addi %mul3A_40, %add3A_67 : i32
      %mul3A_69 = arith.constant 32 : i32
      %mul3A_70 = arith.muli %add3A_68, %mul3A_69 : i32
      %add3A_71 = arith.addi %mul3A_70, %add3A : i32
      %lt3A_72 = arith.constant 2000 : i32
      %lt3A_73 = arith.cmpi slt, %add3A_71, %lt3A_72 : i32
      %convert_element_type3A_74 = arith.extui %lt3A_73 : i1 to i32
      %cond3A_75 = arith.constant 0 : i32
      %cond3A_76 = arith.cmpi ne, %convert_element_type3A_74, %cond3A_75 : i32
      scf.if %cond3A_76 {
        %mul3A_117 = arith.constant 32 : i32
        %mul3A_118 = arith.muli %add3A_68, %mul3A_117 : i32
        %add3A_119 = arith.addi %mul3A_118, %add3A : i32
        %mul3A_120 = arith.constant 160 : i32
        %mul3A_121 = arith.muli %add3A_119, %mul3A_120 : i32
        %dma_start3A = tpu.memref_slice %arg3[%mul3A_121] : memref<320000xi32, #tpu.memory_space<hbm>> -> memref<160xi32, #tpu.memory_space<hbm>>
        %dma_start3A_122 = tpu.memref_slice %arg3[%mul3A_121] : memref<320000xi32, #tpu.memory_space<hbm>> -> memref<160xi32, #tpu.memory_space<hbm>>
        tpu.enqueue_dma source(%dma_start3A_122 : memref<160xi32, #tpu.memory_space<hbm>>) target(%arg7 : memref<160xi32, #tpu.memory_space<vmem>>) target_semaphore(%arg14 : memref<!tpu.dma_semaphore, #tpu.memory_space<semaphore_mem>>)
        %mul3A_123 = arith.constant 32 : i32
        %mul3A_124 = arith.muli %add3A_68, %mul3A_123 : i32
        %add3A_125 = arith.addi %mul3A_124, %add3A : i32
        %mul3A_126 = arith.constant 160 : i32
        %mul3A_127 = arith.muli %add3A_125, %mul3A_126 : i32
        %dma_start3A_128 = tpu.memref_slice %arg4[%mul3A_127] : memref<320000xi32, #tpu.memory_space<hbm>> -> memref<160xi32, #tpu.memory_space<hbm>>
        %dma_start3A_129 = tpu.memref_slice %arg4[%mul3A_127] : memref<320000xi32, #tpu.memory_space<hbm>> -> memref<160xi32, #tpu.memory_space<hbm>>
        tpu.enqueue_dma source(%dma_start3A_129 : memref<160xi32, #tpu.memory_space<hbm>>) target(%arg8 : memref<160xi32, #tpu.memory_space<vmem>>) target_semaphore(%arg15 : memref<!tpu.dma_semaphore, #tpu.memory_space<semaphore_mem>>)
      } else {
      }
      %add3A_77 = arith.constant 2 : i32
      %add3A_78 = arith.addi %mul3A_40, %add3A_77 : i32
      %mul3A_79 = arith.constant 32 : i32
      %mul3A_80 = arith.muli %add3A_78, %mul3A_79 : i32
      %add3A_81 = arith.addi %mul3A_80, %add3A : i32
      %lt3A_82 = arith.constant 2000 : i32
      %lt3A_83 = arith.cmpi slt, %add3A_81, %lt3A_82 : i32
      %convert_element_type3A_84 = arith.extui %lt3A_83 : i1 to i32
      %cond3A_85 = arith.constant 0 : i32
      %cond3A_86 = arith.cmpi ne, %convert_element_type3A_84, %cond3A_85 : i32
      scf.if %cond3A_86 {
        %mul3A_117 = arith.constant 32 : i32
        %mul3A_118 = arith.muli %add3A_78, %mul3A_117 : i32
        %add3A_119 = arith.addi %mul3A_118, %add3A : i32
        %mul3A_120 = arith.constant 160 : i32
        %mul3A_121 = arith.muli %add3A_119, %mul3A_120 : i32
        %dma_wait3A = tpu.memref_slice %arg3[%mul3A_121] : memref<320000xi32, #tpu.memory_space<hbm>> -> memref<160xi32, #tpu.memory_space<hbm>>
        %dma_wait3A_122 = tpu.memref_slice %arg3[%mul3A_121] : memref<320000xi32, #tpu.memory_space<hbm>> -> memref<160xi32, #tpu.memory_space<hbm>>
        tpu.wait_dma2 semaphore(%arg14 : memref<!tpu.dma_semaphore, #tpu.memory_space<semaphore_mem>>) src(%dma_wait3A_122 : memref<160xi32, #tpu.memory_space<hbm>>) dst(%arg7 : memref<160xi32, #tpu.memory_space<vmem>>)
        %dma_start3A = arith.constant 0 : i32
        %dma_start3A_123 = arith.constant 0 : i32
        %dma_start3A_124 = tpu.memref_slice %arg2[%dma_start3A, %dma_start3A_123] : memref<10000x128xf32, #tpu.memory_space<hbm>> -> memref<10000x128xf32, #tpu.memory_space<hbm>>
        tpu.enqueue_indirect_dma source(%dma_start3A_124 : memref<10000x128xf32, #tpu.memory_space<hbm>>) target(%arg11 : memref<160x128xf32, #tpu.memory_space<vmem>>) offsets(%arg7 : memref<160xi32, #tpu.memory_space<vmem>>) semaphore(%arg16 : memref<!tpu.dma_semaphore, #tpu.memory_space<semaphore_mem>>)
      } else {
      }
      %add3A_87 = arith.constant 1 : i32
      %add3A_88 = arith.addi %mul3A_40, %add3A_87 : i32
      %mul3A_89 = arith.constant 32 : i32
      %mul3A_90 = arith.muli %add3A_88, %mul3A_89 : i32
      %add3A_91 = arith.addi %mul3A_90, %add3A : i32
      %lt3A_92 = arith.constant 2000 : i32
      %lt3A_93 = arith.cmpi slt, %add3A_91, %lt3A_92 : i32
      %convert_element_type3A_94 = arith.extui %lt3A_93 : i1 to i32
      %cond3A_95 = arith.constant 0 : i32
      %cond3A_96 = arith.cmpi ne, %convert_element_type3A_94, %cond3A_95 : i32
      scf.if %cond3A_96 {
        %dma_wait3A = arith.constant 0 : i32
        %dma_wait3A_117 = arith.constant 0 : i32
        %dma_wait3A_118 = tpu.memref_slice %arg2[%dma_wait3A, %dma_wait3A_117] : memref<10000x128xf32, #tpu.memory_space<hbm>> -> memref<10000x128xf32, #tpu.memory_space<hbm>>
        tpu.wait_indirect_dma semaphore(%arg20 : memref<!tpu.dma_semaphore, #tpu.memory_space<semaphore_mem>>) src(%dma_wait3A_118 : memref<10000x128xf32, #tpu.memory_space<hbm>>) dst(%arg12 : memref<160x128xf32, #tpu.memory_space<vmem>>)
        %mul3A_119 = arith.constant 32 : i32
        %mul3A_120 = arith.muli %add3A_88, %mul3A_119 : i32
        %add3A_121 = arith.addi %mul3A_120, %add3A : i32
        %mul3A_122 = arith.constant 160 : i32
        %mul3A_123 = arith.muli %add3A_121, %mul3A_122 : i32
        %dma_wait3A_124 = tpu.memref_slice %arg4[%mul3A_123] : memref<320000xi32, #tpu.memory_space<hbm>> -> memref<160xi32, #tpu.memory_space<hbm>>
        %dma_wait3A_125 = tpu.memref_slice %arg4[%mul3A_123] : memref<320000xi32, #tpu.memory_space<hbm>> -> memref<160xi32, #tpu.memory_space<hbm>>
        tpu.wait_dma2 semaphore(%arg19 : memref<!tpu.dma_semaphore, #tpu.memory_space<semaphore_mem>>) src(%dma_wait3A_125 : memref<160xi32, #tpu.memory_space<hbm>>) dst(%arg10 : memref<160xi32, #tpu.memory_space<vmem>>)
        %dma_start3A = arith.constant 0 : i32
        %dma_start3A_126 = arith.constant 0 : i32
        %dma_start3A_127 = tpu.memref_slice %arg13[%dma_start3A, %dma_start3A_126] : memref<10000x128xf32, #tpu.memory_space<vmem_shared>> -> memref<10000x128xf32, #tpu.memory_space<vmem_shared>>
        tpu.enqueue_indirect_dma source(%arg12 : memref<160x128xf32, #tpu.memory_space<vmem>>) target(%dma_start3A_127 : memref<10000x128xf32, #tpu.memory_space<vmem_shared>>) offsets(%arg10 : memref<160xi32, #tpu.memory_space<vmem>>) semaphore(%arg21 : memref<!tpu.dma_semaphore, #tpu.memory_space<semaphore_mem>>) {add = true}
      } else {
      }
      %add3A_97 = arith.constant 1 : i32
      %add3A_98 = arith.addi %mul3A_40, %add3A_97 : i32
      %mul3A_99 = arith.constant 32 : i32
      %mul3A_100 = arith.muli %add3A_98, %mul3A_99 : i32
      %add3A_101 = arith.addi %mul3A_100, %add3A : i32
      %lt3A_102 = arith.constant 2000 : i32
      %lt3A_103 = arith.cmpi slt, %add3A_101, %lt3A_102 : i32
      %convert_element_type3A_104 = arith.extui %lt3A_103 : i1 to i32
      %cond3A_105 = arith.constant 0 : i32
      %cond3A_106 = arith.cmpi ne, %convert_element_type3A_104, %cond3A_105 : i32
      scf.if %cond3A_106 {
        %dma_wait3A = arith.constant 0 : i32
        %dma_wait3A_117 = arith.constant 0 : i32
        %dma_wait3A_118 = tpu.memref_slice %arg13[%dma_wait3A, %dma_wait3A_117] : memref<10000x128xf32, #tpu.memory_space<vmem_shared>> -> memref<10000x128xf32, #tpu.memory_space<vmem_shared>>
        tpu.wait_indirect_dma semaphore(%arg21 : memref<!tpu.dma_semaphore, #tpu.memory_space<semaphore_mem>>) src(%arg12 : memref<160x128xf32, #tpu.memory_space<vmem>>) dst(%dma_wait3A_118 : memref<10000x128xf32, #tpu.memory_space<vmem_shared>>)
      } else {
      }
      %add3A_107 = arith.constant 3 : i32
      %add3A_108 = arith.addi %mul3A_40, %add3A_107 : i32
      %mul3A_109 = arith.constant 32 : i32
      %mul3A_110 = arith.muli %add3A_108, %mul3A_109 : i32
      %add3A_111 = arith.addi %mul3A_110, %add3A : i32
      %lt3A_112 = arith.constant 2000 : i32
      %lt3A_113 = arith.cmpi slt, %add3A_111, %lt3A_112 : i32
      %convert_element_type3A_114 = arith.extui %lt3A_113 : i1 to i32
      %cond3A_115 = arith.constant 0 : i32
      %cond3A_116 = arith.cmpi ne, %convert_element_type3A_114, %cond3A_115 : i32
      scf.if %cond3A_116 {
        %mul3A_117 = arith.constant 32 : i32
        %mul3A_118 = arith.muli %add3A_108, %mul3A_117 : i32
        %add3A_119 = arith.addi %mul3A_118, %add3A : i32
        %mul3A_120 = arith.constant 160 : i32
        %mul3A_121 = arith.muli %add3A_119, %mul3A_120 : i32
        %dma_start3A = tpu.memref_slice %arg3[%mul3A_121] : memref<320000xi32, #tpu.memory_space<hbm>> -> memref<160xi32, #tpu.memory_space<hbm>>
        %dma_start3A_122 = tpu.memref_slice %arg3[%mul3A_121] : memref<320000xi32, #tpu.memory_space<hbm>> -> memref<160xi32, #tpu.memory_space<hbm>>
        tpu.enqueue_dma source(%dma_start3A_122 : memref<160xi32, #tpu.memory_space<hbm>>) target(%arg9 : memref<160xi32, #tpu.memory_space<vmem>>) target_semaphore(%arg18 : memref<!tpu.dma_semaphore, #tpu.memory_space<semaphore_mem>>)
        %mul3A_123 = arith.constant 32 : i32
        %mul3A_124 = arith.muli %add3A_108, %mul3A_123 : i32
        %add3A_125 = arith.addi %mul3A_124, %add3A : i32
        %mul3A_126 = arith.constant 160 : i32
        %mul3A_127 = arith.muli %add3A_125, %mul3A_126 : i32
        %dma_start3A_128 = tpu.memref_slice %arg4[%mul3A_127] : memref<320000xi32, #tpu.memory_space<hbm>> -> memref<160xi32, #tpu.memory_space<hbm>>
        %dma_start3A_129 = tpu.memref_slice %arg4[%mul3A_127] : memref<320000xi32, #tpu.memory_space<hbm>> -> memref<160xi32, #tpu.memory_space<hbm>>
        tpu.enqueue_dma source(%dma_start3A_129 : memref<160xi32, #tpu.memory_space<hbm>>) target(%arg10 : memref<160xi32, #tpu.memory_space<vmem>>) target_semaphore(%arg19 : memref<!tpu.dma_semaphore, #tpu.memory_space<semaphore_mem>>)
      } else {
      }
    }
    %scan3A_27 = arith.constant 32 : i32
    %barrier3A_28 = arith.constant 0 : index
    tpu.barrier barrier_id(%barrier3A_28)
    %scan3A_29 = arith.constant 0 : i32
    %scan3A_30 = arith.constant 2 : i32
    %scan3A_31 = arith.addi %scan3A_29, %scan3A_30 : i32
    %scan3A_32 = arith.constant 1 : i32
    scf.for %scan3A_34 = %scan3A_29 to %scan3A_31 step %scan3A_32  : i32 {
      %mul3A_35 = arith.constant 1 : i32
      %mul3A_36 = arith.muli %scan3A_34, %mul3A_35 : i32
      %add3A_37 = arith.constant 0 : i32
      %add3A_38 = arith.addi %add3A_37, %mul3A_36 : i32
      %mul3A_39 = arith.constant 16 : i32
      %mul3A_40 = arith.muli %add3A_38, %mul3A_39 : i32
      %add3A_41 = arith.addi %mul3A_40, %arg1 : i32
      %lt3A_42 = arith.constant 25 : i32
      %lt3A_43 = arith.cmpi slt, %add3A_41, %lt3A_42 : i32
      %convert_element_type3A_44 = arith.extui %lt3A_43 : i1 to i32
      %cond3A_45 = arith.constant 0 : i32
      %cond3A_46 = arith.cmpi ne, %convert_element_type3A_44, %cond3A_45 : i32
      scf.if %cond3A_46 {
        %mul3A_47 = arith.constant 400 : i32
        %mul3A_48 = arith.muli %add3A_41, %mul3A_47 : i32
        %mul3A_49 = arith.constant 400 : i32
        %mul3A_50 = arith.muli %add3A_41, %mul3A_49 : i32
        "tpu.region"() ({
          %run_scoped3A = tpu.sem_alloc : memref<!tpu.dma_semaphore, #tpu.memory_space<semaphore_mem>>
          %dma_start3A = arith.constant 0 : i32
          %dma_start3A_51 = arith.constant 0 : i32
          %dma_start3A_52 = tpu.memref_slice %arg6[%arg0, %dma_start3A, %dma_start3A_51] : memref<2x10000x128xf32, #tpu.memory_space<hbm>> -> memref<1x10000x128xf32, #tpu.memory_space<hbm>>
          %dma_start3A_53 = tpu.memref_squeeze %dma_start3A_52 : memref<1x10000x128xf32, #tpu.memory_space<hbm>> -> memref<10000x128xf32, #tpu.memory_space<hbm>>
          %dma_start3A_54 = arith.constant 0 : i32
          %dma_start3A_55 = tpu.memref_slice %dma_start3A_53[%mul3A_50, %dma_start3A_54] : memref<10000x128xf32, #tpu.memory_space<hbm>> -> memref<400x128xf32, #tpu.memory_space<hbm>>
          %dma_start3A_56 = arith.constant 0 : i32
          %dma_start3A_57 = tpu.memref_slice %arg13[%mul3A_48, %dma_start3A_56] : memref<10000x128xf32, #tpu.memory_space<vmem_shared>> -> memref<400x128xf32, #tpu.memory_space<vmem_shared>>
          tpu.enqueue_dma source(%dma_start3A_57 : memref<400x128xf32, #tpu.memory_space<vmem_shared>>) target(%dma_start3A_55 : memref<400x128xf32, #tpu.memory_space<hbm>>) target_semaphore(%run_scoped3A : memref<!tpu.dma_semaphore, #tpu.memory_space<semaphore_mem>>)
          %dma_wait3A = arith.constant 0 : i32
          %dma_wait3A_58 = arith.constant 0 : i32
          %dma_wait3A_59 = tpu.memref_slice %arg6[%arg0, %dma_wait3A, %dma_wait3A_58] : memref<2x10000x128xf32, #tpu.memory_space<hbm>> -> memref<1x10000x128xf32, #tpu.memory_space<hbm>>
          %dma_wait3A_60 = tpu.memref_squeeze %dma_wait3A_59 : memref<1x10000x128xf32, #tpu.memory_space<hbm>> -> memref<10000x128xf32, #tpu.memory_space<hbm>>
          %dma_wait3A_61 = arith.constant 0 : i32
          %dma_wait3A_62 = tpu.memref_slice %dma_wait3A_60[%mul3A_50, %dma_wait3A_61] : memref<10000x128xf32, #tpu.memory_space<hbm>> -> memref<400x128xf32, #tpu.memory_space<hbm>>
          %dma_wait3A_63 = arith.constant 0 : i32
          %dma_wait3A_64 = tpu.memref_slice %arg13[%mul3A_48, %dma_wait3A_63] : memref<10000x128xf32, #tpu.memory_space<vmem_shared>> -> memref<400x128xf32, #tpu.memory_space<vmem_shared>>
          tpu.wait_dma2 semaphore(%run_scoped3A : memref<!tpu.dma_semaphore, #tpu.memory_space<semaphore_mem>>) src(%dma_wait3A_64 : memref<400x128xf32, #tpu.memory_space<vmem_shared>>) dst(%dma_wait3A_62 : memref<400x128xf32, #tpu.memory_space<hbm>>)
          tpu.yield
        }) : () -> ()
      } else {
      }
    }
    %scan3A_33 = arith.constant 2 : i32
    return
  }
}

#map = affine_map<(d0, d1) -> (0, 0)>
#map1 = affine_map<(d0, d1) -> (0)>
#map2 = affine_map<(d0, d1) -> (0, 0, 0)>
module attributes {stable_mosaic.version = 14 : i64} {
  func.func @agg_kernel(%arg0: i32, %arg1: i32, %arg2: memref<10000x128xf32, #tpu.memory_space<hbm>>, %arg3: memref<320000xi32, #tpu.memory_space<hbm>>, %arg4: memref<320000xi32, #tpu.memory_space<hbm>>, %arg5: memref<400x128xf32, #tpu.memory_space<hbm>>, %arg6: memref<2x10000x128xf32, #tpu.memory_space<hbm>>, %arg7: memref<160xi32, #tpu.memory_space<vmem>>, %arg8: memref<160xi32, #tpu.memory_space<vmem>>, %arg9: memref<160xi32, #tpu.memory_space<vmem>>, %arg10: memref<160xi32, #tpu.memory_space<vmem>>, %arg11: memref<160x128xf32, #tpu.memory_space<vmem>>, %arg12: memref<160x128xf32, #tpu.memory_space<vmem>>, %arg13: memref<10000x128xf32, #tpu.memory_space<vmem_shared>>, %arg14: memref<!tpu.dma_semaphore, #tpu.memory_space<semaphore_mem>>, %arg15: memref<!tpu.dma_semaphore, #tpu.memory_space<semaphore_mem>>, %arg16: memref<!tpu.dma_semaphore, #tpu.memory_space<semaphore_mem>>, %arg17: memref<!tpu.dma_semaphore, #tpu.memory_space<semaphore_mem>>, %arg18: memref<!tpu.dma_semaphore, #tpu.memory_space<semaphore_mem>>, %arg19: memref<!tpu.dma_semaphore, #tpu.memory_space<semaphore_mem>>, %arg20: memref<!tpu.dma_semaphore, #tpu.memory_space<semaphore_mem>>, %arg21: memref<!tpu.dma_semaphore, #tpu.memory_space<semaphore_mem>>) attributes {dimension_semantics = [#tpu.dimension_semantics<core_parallel>, #tpu.dimension_semantics<subcore_parallel>], iteration_bounds = array<i64: 2, 16>, scalar_prefetch = 0 : i64, scratch_operands = 15 : i64, tpu.core_type = #tpu.core_type<sc_vector_subcore>, window_params = [{transform_indices = #map}, {transform_indices = #map1}, {transform_indices = #map1}, {transform_indices = #map}, {transform_indices = #map2}]} {
    %mul3A = arith.constant 16 : i32
    %mul3A_0 = arith.muli %arg0, %mul3A : i32
    %add3A = arith.addi %mul3A_0, %arg1 : i32
    %scan3A = arith.constant 0 : i32
    %scan3A_1 = arith.constant 2 : i32
    %scan3A_2 = arith.addi %scan3A, %scan3A_1 : i32
    %scan3A_3 = arith.constant 1 : i32
    scf.for %scan3A_34 = %scan3A to %scan3A_2 step %scan3A_3  : i32 {
      %mul3A_35 = arith.constant 1 : i32
      %mul3A_36 = arith.muli %scan3A_34, %mul3A_35 : i32
      %add3A_37 = arith.constant 0 : i32
      %add3A_38 = arith.addi %add3A_37, %mul3A_36 : i32
      %mul3A_39 = arith.constant 16 : i32
      %mul3A_40 = arith.muli %add3A_38, %mul3A_39 : i32
      %add3A_41 = arith.addi %mul3A_40, %arg1 : i32
      %lt3A_42 = arith.constant 25 : i32
      %lt3A_43 = arith.cmpi slt, %add3A_41, %lt3A_42 : i32
      %convert_element_type3A_44 = arith.extui %lt3A_43 : i1 to i32
      %cond3A_45 = arith.constant 0 : i32
      %cond3A_46 = arith.cmpi ne, %convert_element_type3A_44, %cond3A_45 : i32
      scf.if %cond3A_46 {
        %mul3A_47 = arith.constant 400 : i32
        %mul3A_48 = arith.muli %add3A_41, %mul3A_47 : i32
        "tpu.region"() ({
          %run_scoped3A = tpu.sem_alloc : memref<!tpu.dma_semaphore, #tpu.memory_space<semaphore_mem>>
          %dma_start3A = arith.constant 0 : i32
          %dma_start3A_49 = tpu.memref_slice %arg13[%mul3A_48, %dma_start3A] : memref<10000x128xf32, #tpu.memory_space<vmem_shared>> -> memref<400x128xf32, #tpu.memory_space<vmem_shared>>
          tpu.enqueue_dma source(%arg5 : memref<400x128xf32, #tpu.memory_space<hbm>>) target(%dma_start3A_49 : memref<400x128xf32, #tpu.memory_space<vmem_shared>>) target_semaphore(%run_scoped3A : memref<!tpu.dma_semaphore, #tpu.memory_space<semaphore_mem>>)
          %dma_wait3A = arith.constant 0 : i32
          %dma_wait3A_50 = tpu.memref_slice %arg13[%mul3A_48, %dma_wait3A] : memref<10000x128xf32, #tpu.memory_space<vmem_shared>> -> memref<400x128xf32, #tpu.memory_space<vmem_shared>>
          tpu.wait_dma2 semaphore(%run_scoped3A : memref<!tpu.dma_semaphore, #tpu.memory_space<semaphore_mem>>) src(%arg5 : memref<400x128xf32, #tpu.memory_space<hbm>>) dst(%dma_wait3A_50 : memref<400x128xf32, #tpu.memory_space<vmem_shared>>)
          tpu.yield
        }) : () -> ()
      } else {
      }
    }
    %scan3A_4 = arith.constant 2 : i32
    %barrier3A = arith.constant 0 : index
    tpu.barrier barrier_id(%barrier3A)
    %add3A_5 = arith.constant 0 : i32
    %add3A_6 = arith.addi %add3A_5, %add3A : i32
    %lt3A = arith.constant 2000 : i32
    %lt3A_7 = arith.cmpi slt, %add3A_6, %lt3A : i32
    %convert_element_type3A = arith.extui %lt3A_7 : i1 to i32
    %cond3A = arith.constant 0 : i32
    %cond3A_8 = arith.cmpi ne, %convert_element_type3A, %cond3A : i32
    scf.if %cond3A_8 {
      %add3A_34 = arith.constant 0 : i32
      %add3A_35 = arith.addi %add3A_34, %add3A : i32
      %mul3A_36 = arith.constant 160 : i32
      %mul3A_37 = arith.muli %add3A_35, %mul3A_36 : i32
      %dma_start3A = tpu.memref_slice %arg3[%mul3A_37] : memref<320000xi32, #tpu.memory_space<hbm>> -> memref<160xi32, #tpu.memory_space<hbm>>
      %dma_start3A_38 = tpu.memref_slice %arg3[%mul3A_37] : memref<320000xi32, #tpu.memory_space<hbm>> -> memref<160xi32, #tpu.memory_space<hbm>>
      tpu.enqueue_dma source(%dma_start3A_38 : memref<160xi32, #tpu.memory_space<hbm>>) target(%arg7 : memref<160xi32, #tpu.memory_space<vmem>>) target_semaphore(%arg14 : memref<!tpu.dma_semaphore, #tpu.memory_space<semaphore_mem>>)
      %add3A_39 = arith.constant 0 : i32
      %add3A_40 = arith.addi %add3A_39, %add3A : i32
      %mul3A_41 = arith.constant 160 : i32
      %mul3A_42 = arith.muli %add3A_40, %mul3A_41 : i32
      %dma_start3A_43 = tpu.memref_slice %arg4[%mul3A_42] : memref<320000xi32, #tpu.memory_space<hbm>> -> memref<160xi32, #tpu.memory_space<hbm>>
      %dma_start3A_44 = tpu.memref_slice %arg4[%mul3A_42] : memref<320000xi32, #tpu.memory_space<hbm>> -> memref<160xi32, #tpu.memory_space<hbm>>
      tpu.enqueue_dma source(%dma_start3A_44 : memref<160xi32, #tpu.memory_space<hbm>>) target(%arg8 : memref<160xi32, #tpu.memory_space<vmem>>) target_semaphore(%arg15 : memref<!tpu.dma_semaphore, #tpu.memory_space<semaphore_mem>>)
    } else {
    }
    %add3A_9 = arith.constant 32 : i32
    %add3A_10 = arith.addi %add3A_9, %add3A : i32
    %lt3A_11 = arith.constant 2000 : i32
    %lt3A_12 = arith.cmpi slt, %add3A_10, %lt3A_11 : i32
    %convert_element_type3A_13 = arith.extui %lt3A_12 : i1 to i32
    %cond3A_14 = arith.constant 0 : i32
    %cond3A_15 = arith.cmpi ne, %convert_element_type3A_13, %cond3A_14 : i32
    scf.if %cond3A_15 {
      %add3A_34 = arith.constant 32 : i32
      %add3A_35 = arith.addi %add3A_34, %add3A : i32
      %mul3A_36 = arith.constant 160 : i32
      %mul3A_37 = arith.muli %add3A_35, %mul3A_36 : i32
      %dma_start3A = tpu.memref_slice %arg3[%mul3A_37] : memref<320000xi32, #tpu.memory_space<hbm>> -> memref<160xi32, #tpu.memory_space<hbm>>
      %dma_start3A_38 = tpu.memref_slice %arg3[%mul3A_37] : memref<320000xi32, #tpu.memory_space<hbm>> -> memref<160xi32, #tpu.memory_space<hbm>>
      tpu.enqueue_dma source(%dma_start3A_38 : memref<160xi32, #tpu.memory_space<hbm>>) target(%arg9 : memref<160xi32, #tpu.memory_space<vmem>>) target_semaphore(%arg18 : memref<!tpu.dma_semaphore, #tpu.memory_space<semaphore_mem>>)
      %add3A_39 = arith.constant 32 : i32
      %add3A_40 = arith.addi %add3A_39, %add3A : i32
      %mul3A_41 = arith.constant 160 : i32
      %mul3A_42 = arith.muli %add3A_40, %mul3A_41 : i32
      %dma_start3A_43 = tpu.memref_slice %arg4[%mul3A_42] : memref<320000xi32, #tpu.memory_space<hbm>> -> memref<160xi32, #tpu.memory_space<hbm>>
      %dma_start3A_44 = tpu.memref_slice %arg4[%mul3A_42] : memref<320000xi32, #tpu.memory_space<hbm>> -> memref<160xi32, #tpu.memory_space<hbm>>
      tpu.enqueue_dma source(%dma_start3A_44 : memref<160xi32, #tpu.memory_space<hbm>>) target(%arg10 : memref<160xi32, #tpu.memory_space<vmem>>) target_semaphore(%arg19 : memref<!tpu.dma_semaphore, #tpu.memory_space<semaphore_mem>>)
    } else {
    }
    %add3A_16 = arith.constant 0 : i32
    %add3A_17 = arith.addi %add3A_16, %add3A : i32
    %lt3A_18 = arith.constant 2000 : i32
    %lt3A_19 = arith.cmpi slt, %add3A_17, %lt3A_18 : i32
    %convert_element_type3A_20 = arith.extui %lt3A_19 : i1 to i32
    %cond3A_21 = arith.constant 0 : i32
    %cond3A_22 = arith.cmpi ne, %convert_element_type3A_20, %cond3A_21 : i32
    scf.if %cond3A_22 {
      %add3A_34 = arith.constant 0 : i32
      %add3A_35 = arith.addi %add3A_34, %add3A : i32
      %mul3A_36 = arith.constant 160 : i32
      %mul3A_37 = arith.muli %add3A_35, %mul3A_36 : i32
      %dma_wait3A = tpu.memref_slice %arg3[%mul3A_37] : memref<320000xi32, #tpu.memory_space<hbm>> -> memref<160xi32, #tpu.memory_space<hbm>>
      %dma_wait3A_38 = tpu.memref_slice %arg3[%mul3A_37] : memref<320000xi32, #tpu.memory_space<hbm>> -> memref<160xi32, #tpu.memory_space<hbm>>
      tpu.wait_dma2 semaphore(%arg14 : memref<!tpu.dma_semaphore, #tpu.memory_space<semaphore_mem>>) src(%dma_wait3A_38 : memref<160xi32, #tpu.memory_space<hbm>>) dst(%arg7 : memref<160xi32, #tpu.memory_space<vmem>>)
      %dma_start3A = arith.constant 0 : i32
      %dma_start3A_39 = arith.constant 0 : i32
      %dma_start3A_40 = tpu.memref_slice %arg2[%dma_start3A, %dma_start3A_39] : memref<10000x128xf32, #tpu.memory_space<hbm>> -> memref<10000x128xf32, #tpu.memory_space<hbm>>
      tpu.enqueue_indirect_dma source(%dma_start3A_40 : memref<10000x128xf32, #tpu.memory_space<hbm>>) target(%arg11 : memref<160x128xf32, #tpu.memory_space<vmem>>) offsets(%arg7 : memref<160xi32, #tpu.memory_space<vmem>>) semaphore(%arg16 : memref<!tpu.dma_semaphore, #tpu.memory_space<semaphore_mem>>)
    } else {
    }
    %scan3A_23 = arith.constant 0 : i32
    %scan3A_24 = arith.constant 32 : i32
    %scan3A_25 = arith.addi %scan3A_23, %scan3A_24 : i32
    %scan3A_26 = arith.constant 1 : i32
    scf.for %scan3A_34 = %scan3A_23 to %scan3A_25 step %scan3A_26  : i32 {
      %mul3A_35 = arith.constant 1 : i32
      %mul3A_36 = arith.muli %scan3A_34, %mul3A_35 : i32
      %add3A_37 = arith.constant 0 : i32
      %add3A_38 = arith.addi %add3A_37, %mul3A_36 : i32
      %mul3A_39 = arith.constant 2 : i32
      %mul3A_40 = arith.muli %mul3A_39, %add3A_38 : i32
      %add3A_41 = arith.constant 1 : i32
      %add3A_42 = arith.addi %mul3A_40, %add3A_41 : i32
      %mul3A_43 = arith.constant 32 : i32
      %mul3A_44 = arith.muli %add3A_42, %mul3A_43 : i32
      %add3A_45 = arith.addi %mul3A_44, %add3A : i32
      %lt3A_46 = arith.constant 2000 : i32
      %lt3A_47 = arith.cmpi slt, %add3A_45, %lt3A_46 : i32
      %convert_element_type3A_48 = arith.extui %lt3A_47 : i1 to i32
      %cond3A_49 = arith.constant 0 : i32
      %cond3A_50 = arith.cmpi ne, %convert_element_type3A_48, %cond3A_49 : i32
      scf.if %cond3A_50 {
        %mul3A_117 = arith.constant 32 : i32
        %mul3A_118 = arith.muli %add3A_42, %mul3A_117 : i32
        %add3A_119 = arith.addi %mul3A_118, %add3A : i32
        %mul3A_120 = arith.constant 160 : i32
        %mul3A_121 = arith.muli %add3A_119, %mul3A_120 : i32
        %dma_wait3A = tpu.memref_slice %arg3[%mul3A_121] : memref<320000xi32, #tpu.memory_space<hbm>> -> memref<160xi32, #tpu.memory_space<hbm>>
        %dma_wait3A_122 = tpu.memref_slice %arg3[%mul3A_121] : memref<320000xi32, #tpu.memory_space<hbm>> -> memref<160xi32, #tpu.memory_space<hbm>>
        tpu.wait_dma2 semaphore(%arg18 : memref<!tpu.dma_semaphore, #tpu.memory_space<semaphore_mem>>) src(%dma_wait3A_122 : memref<160xi32, #tpu.memory_space<hbm>>) dst(%arg9 : memref<160xi32, #tpu.memory_space<vmem>>)
        %dma_start3A = arith.constant 0 : i32
        %dma_start3A_123 = arith.constant 0 : i32
        %dma_start3A_124 = tpu.memref_slice %arg2[%dma_start3A, %dma_start3A_123] : memref<10000x128xf32, #tpu.memory_space<hbm>> -> memref<10000x128xf32, #tpu.memory_space<hbm>>
        tpu.enqueue_indirect_dma source(%dma_start3A_124 : memref<10000x128xf32, #tpu.memory_space<hbm>>) target(%arg12 : memref<160x128xf32, #tpu.memory_space<vmem>>) offsets(%arg9 : memref<160xi32, #tpu.memory_space<vmem>>) semaphore(%arg20 : memref<!tpu.dma_semaphore, #tpu.memory_space<semaphore_mem>>)
      } else {
      }
      %mul3A_51 = arith.constant 32 : i32
      %mul3A_52 = arith.muli %mul3A_40, %mul3A_51 : i32
      %add3A_53 = arith.addi %mul3A_52, %add3A : i32
      %lt3A_54 = arith.constant 2000 : i32
      %lt3A_55 = arith.cmpi slt, %add3A_53, %lt3A_54 : i32
      %convert_element_type3A_56 = arith.extui %lt3A_55 : i1 to i32
      %cond3A_57 = arith.constant 0 : i32
      %cond3A_58 = arith.cmpi ne, %convert_element_type3A_56, %cond3A_57 : i32
      scf.if %cond3A_58 {
        %dma_wait3A = arith.constant 0 : i32
        %dma_wait3A_117 = arith.constant 0 : i32
        %dma_wait3A_118 = tpu.memref_slice %arg2[%dma_wait3A, %dma_wait3A_117] : memref<10000x128xf32, #tpu.memory_space<hbm>> -> memref<10000x128xf32, #tpu.memory_space<hbm>>
        tpu.wait_indirect_dma semaphore(%arg16 : memref<!tpu.dma_semaphore, #tpu.memory_space<semaphore_mem>>) src(%dma_wait3A_118 : memref<10000x128xf32, #tpu.memory_space<hbm>>) dst(%arg11 : memref<160x128xf32, #tpu.memory_space<vmem>>)
        %mul3A_119 = arith.constant 32 : i32
        %mul3A_120 = arith.muli %mul3A_40, %mul3A_119 : i32
        %add3A_121 = arith.addi %mul3A_120, %add3A : i32
        %mul3A_122 = arith.constant 160 : i32
        %mul3A_123 = arith.muli %add3A_121, %mul3A_122 : i32
        %dma_wait3A_124 = tpu.memref_slice %arg4[%mul3A_123] : memref<320000xi32, #tpu.memory_space<hbm>> -> memref<160xi32, #tpu.memory_space<hbm>>
        %dma_wait3A_125 = tpu.memref_slice %arg4[%mul3A_123] : memref<320000xi32, #tpu.memory_space<hbm>> -> memref<160xi32, #tpu.memory_space<hbm>>
        tpu.wait_dma2 semaphore(%arg15 : memref<!tpu.dma_semaphore, #tpu.memory_space<semaphore_mem>>) src(%dma_wait3A_125 : memref<160xi32, #tpu.memory_space<hbm>>) dst(%arg8 : memref<160xi32, #tpu.memory_space<vmem>>)
        %dma_start3A = arith.constant 0 : i32
        %dma_start3A_126 = arith.constant 0 : i32
        %dma_start3A_127 = tpu.memref_slice %arg13[%dma_start3A, %dma_start3A_126] : memref<10000x128xf32, #tpu.memory_space<vmem_shared>> -> memref<10000x128xf32, #tpu.memory_space<vmem_shared>>
        tpu.enqueue_indirect_dma source(%arg11 : memref<160x128xf32, #tpu.memory_space<vmem>>) target(%dma_start3A_127 : memref<10000x128xf32, #tpu.memory_space<vmem_shared>>) offsets(%arg8 : memref<160xi32, #tpu.memory_space<vmem>>) semaphore(%arg17 : memref<!tpu.dma_semaphore, #tpu.memory_space<semaphore_mem>>) {add = true}
      } else {
      }
      %mul3A_59 = arith.constant 32 : i32
      %mul3A_60 = arith.muli %mul3A_40, %mul3A_59 : i32
      %add3A_61 = arith.addi %mul3A_60, %add3A : i32
      %lt3A_62 = arith.constant 2000 : i32
      %lt3A_63 = arith.cmpi slt, %add3A_61, %lt3A_62 : i32
      %convert_element_type3A_64 = arith.extui %lt3A_63 : i1 to i32
      %cond3A_65 = arith.constant 0 : i32
      %cond3A_66 = arith.cmpi ne, %convert_element_type3A_64, %cond3A_65 : i32
      scf.if %cond3A_66 {
        %dma_wait3A = arith.constant 0 : i32
        %dma_wait3A_117 = arith.constant 0 : i32
        %dma_wait3A_118 = tpu.memref_slice %arg13[%dma_wait3A, %dma_wait3A_117] : memref<10000x128xf32, #tpu.memory_space<vmem_shared>> -> memref<10000x128xf32, #tpu.memory_space<vmem_shared>>
        tpu.wait_indirect_dma semaphore(%arg17 : memref<!tpu.dma_semaphore, #tpu.memory_space<semaphore_mem>>) src(%arg11 : memref<160x128xf32, #tpu.memory_space<vmem>>) dst(%dma_wait3A_118 : memref<10000x128xf32, #tpu.memory_space<vmem_shared>>)
      } else {
      }
      %add3A_67 = arith.constant 2 : i32
      %add3A_68 = arith.addi %mul3A_40, %add3A_67 : i32
      %mul3A_69 = arith.constant 32 : i32
      %mul3A_70 = arith.muli %add3A_68, %mul3A_69 : i32
      %add3A_71 = arith.addi %mul3A_70, %add3A : i32
      %lt3A_72 = arith.constant 2000 : i32
      %lt3A_73 = arith.cmpi slt, %add3A_71, %lt3A_72 : i32
      %convert_element_type3A_74 = arith.extui %lt3A_73 : i1 to i32
      %cond3A_75 = arith.constant 0 : i32
      %cond3A_76 = arith.cmpi ne, %convert_element_type3A_74, %cond3A_75 : i32
      scf.if %cond3A_76 {
        %mul3A_117 = arith.constant 32 : i32
        %mul3A_118 = arith.muli %add3A_68, %mul3A_117 : i32
        %add3A_119 = arith.addi %mul3A_118, %add3A : i32
        %mul3A_120 = arith.constant 160 : i32
        %mul3A_121 = arith.muli %add3A_119, %mul3A_120 : i32
        %dma_start3A = tpu.memref_slice %arg3[%mul3A_121] : memref<320000xi32, #tpu.memory_space<hbm>> -> memref<160xi32, #tpu.memory_space<hbm>>
        %dma_start3A_122 = tpu.memref_slice %arg3[%mul3A_121] : memref<320000xi32, #tpu.memory_space<hbm>> -> memref<160xi32, #tpu.memory_space<hbm>>
        tpu.enqueue_dma source(%dma_start3A_122 : memref<160xi32, #tpu.memory_space<hbm>>) target(%arg7 : memref<160xi32, #tpu.memory_space<vmem>>) target_semaphore(%arg14 : memref<!tpu.dma_semaphore, #tpu.memory_space<semaphore_mem>>)
        %mul3A_123 = arith.constant 32 : i32
        %mul3A_124 = arith.muli %add3A_68, %mul3A_123 : i32
        %add3A_125 = arith.addi %mul3A_124, %add3A : i32
        %mul3A_126 = arith.constant 160 : i32
        %mul3A_127 = arith.muli %add3A_125, %mul3A_126 : i32
        %dma_start3A_128 = tpu.memref_slice %arg4[%mul3A_127] : memref<320000xi32, #tpu.memory_space<hbm>> -> memref<160xi32, #tpu.memory_space<hbm>>
        %dma_start3A_129 = tpu.memref_slice %arg4[%mul3A_127] : memref<320000xi32, #tpu.memory_space<hbm>> -> memref<160xi32, #tpu.memory_space<hbm>>
        tpu.enqueue_dma source(%dma_start3A_129 : memref<160xi32, #tpu.memory_space<hbm>>) target(%arg8 : memref<160xi32, #tpu.memory_space<vmem>>) target_semaphore(%arg15 : memref<!tpu.dma_semaphore, #tpu.memory_space<semaphore_mem>>)
      } else {
      }
      %add3A_77 = arith.constant 2 : i32
      %add3A_78 = arith.addi %mul3A_40, %add3A_77 : i32
      %mul3A_79 = arith.constant 32 : i32
      %mul3A_80 = arith.muli %add3A_78, %mul3A_79 : i32
      %add3A_81 = arith.addi %mul3A_80, %add3A : i32
      %lt3A_82 = arith.constant 2000 : i32
      %lt3A_83 = arith.cmpi slt, %add3A_81, %lt3A_82 : i32
      %convert_element_type3A_84 = arith.extui %lt3A_83 : i1 to i32
      %cond3A_85 = arith.constant 0 : i32
      %cond3A_86 = arith.cmpi ne, %convert_element_type3A_84, %cond3A_85 : i32
      scf.if %cond3A_86 {
        %mul3A_117 = arith.constant 32 : i32
        %mul3A_118 = arith.muli %add3A_78, %mul3A_117 : i32
        %add3A_119 = arith.addi %mul3A_118, %add3A : i32
        %mul3A_120 = arith.constant 160 : i32
        %mul3A_121 = arith.muli %add3A_119, %mul3A_120 : i32
        %dma_wait3A = tpu.memref_slice %arg3[%mul3A_121] : memref<320000xi32, #tpu.memory_space<hbm>> -> memref<160xi32, #tpu.memory_space<hbm>>
        %dma_wait3A_122 = tpu.memref_slice %arg3[%mul3A_121] : memref<320000xi32, #tpu.memory_space<hbm>> -> memref<160xi32, #tpu.memory_space<hbm>>
        tpu.wait_dma2 semaphore(%arg14 : memref<!tpu.dma_semaphore, #tpu.memory_space<semaphore_mem>>) src(%dma_wait3A_122 : memref<160xi32, #tpu.memory_space<hbm>>) dst(%arg7 : memref<160xi32, #tpu.memory_space<vmem>>)
        %dma_start3A = arith.constant 0 : i32
        %dma_start3A_123 = arith.constant 0 : i32
        %dma_start3A_124 = tpu.memref_slice %arg2[%dma_start3A, %dma_start3A_123] : memref<10000x128xf32, #tpu.memory_space<hbm>> -> memref<10000x128xf32, #tpu.memory_space<hbm>>
        tpu.enqueue_indirect_dma source(%dma_start3A_124 : memref<10000x128xf32, #tpu.memory_space<hbm>>) target(%arg11 : memref<160x128xf32, #tpu.memory_space<vmem>>) offsets(%arg7 : memref<160xi32, #tpu.memory_space<vmem>>) semaphore(%arg16 : memref<!tpu.dma_semaphore, #tpu.memory_space<semaphore_mem>>)
      } else {
      }
      %add3A_87 = arith.constant 1 : i32
      %add3A_88 = arith.addi %mul3A_40, %add3A_87 : i32
      %mul3A_89 = arith.constant 32 : i32
      %mul3A_90 = arith.muli %add3A_88, %mul3A_89 : i32
      %add3A_91 = arith.addi %mul3A_90, %add3A : i32
      %lt3A_92 = arith.constant 2000 : i32
      %lt3A_93 = arith.cmpi slt, %add3A_91, %lt3A_92 : i32
      %convert_element_type3A_94 = arith.extui %lt3A_93 : i1 to i32
      %cond3A_95 = arith.constant 0 : i32
      %cond3A_96 = arith.cmpi ne, %convert_element_type3A_94, %cond3A_95 : i32
      scf.if %cond3A_96 {
        %dma_wait3A = arith.constant 0 : i32
        %dma_wait3A_117 = arith.constant 0 : i32
        %dma_wait3A_118 = tpu.memref_slice %arg2[%dma_wait3A, %dma_wait3A_117] : memref<10000x128xf32, #tpu.memory_space<hbm>> -> memref<10000x128xf32, #tpu.memory_space<hbm>>
        tpu.wait_indirect_dma semaphore(%arg20 : memref<!tpu.dma_semaphore, #tpu.memory_space<semaphore_mem>>) src(%dma_wait3A_118 : memref<10000x128xf32, #tpu.memory_space<hbm>>) dst(%arg12 : memref<160x128xf32, #tpu.memory_space<vmem>>)
        %mul3A_119 = arith.constant 32 : i32
        %mul3A_120 = arith.muli %add3A_88, %mul3A_119 : i32
        %add3A_121 = arith.addi %mul3A_120, %add3A : i32
        %mul3A_122 = arith.constant 160 : i32
        %mul3A_123 = arith.muli %add3A_121, %mul3A_122 : i32
        %dma_wait3A_124 = tpu.memref_slice %arg4[%mul3A_123] : memref<320000xi32, #tpu.memory_space<hbm>> -> memref<160xi32, #tpu.memory_space<hbm>>
        %dma_wait3A_125 = tpu.memref_slice %arg4[%mul3A_123] : memref<320000xi32, #tpu.memory_space<hbm>> -> memref<160xi32, #tpu.memory_space<hbm>>
        tpu.wait_dma2 semaphore(%arg19 : memref<!tpu.dma_semaphore, #tpu.memory_space<semaphore_mem>>) src(%dma_wait3A_125 : memref<160xi32, #tpu.memory_space<hbm>>) dst(%arg10 : memref<160xi32, #tpu.memory_space<vmem>>)
        %dma_start3A = arith.constant 0 : i32
        %dma_start3A_126 = arith.constant 0 : i32
        %dma_start3A_127 = tpu.memref_slice %arg13[%dma_start3A, %dma_start3A_126] : memref<10000x128xf32, #tpu.memory_space<vmem_shared>> -> memref<10000x128xf32, #tpu.memory_space<vmem_shared>>
        tpu.enqueue_indirect_dma source(%arg12 : memref<160x128xf32, #tpu.memory_space<vmem>>) target(%dma_start3A_127 : memref<10000x128xf32, #tpu.memory_space<vmem_shared>>) offsets(%arg10 : memref<160xi32, #tpu.memory_space<vmem>>) semaphore(%arg21 : memref<!tpu.dma_semaphore, #tpu.memory_space<semaphore_mem>>) {add = true}
      } else {
      }
      %add3A_97 = arith.constant 1 : i32
      %add3A_98 = arith.addi %mul3A_40, %add3A_97 : i32
      %mul3A_99 = arith.constant 32 : i32
      %mul3A_100 = arith.muli %add3A_98, %mul3A_99 : i32
      %add3A_101 = arith.addi %mul3A_100, %add3A : i32
      %lt3A_102 = arith.constant 2000 : i32
      %lt3A_103 = arith.cmpi slt, %add3A_101, %lt3A_102 : i32
      %convert_element_type3A_104 = arith.extui %lt3A_103 : i1 to i32
      %cond3A_105 = arith.constant 0 : i32
      %cond3A_106 = arith.cmpi ne, %convert_element_type3A_104, %cond3A_105 : i32
      scf.if %cond3A_106 {
        %dma_wait3A = arith.constant 0 : i32
        %dma_wait3A_117 = arith.constant 0 : i32
        %dma_wait3A_118 = tpu.memref_slice %arg13[%dma_wait3A, %dma_wait3A_117] : memref<10000x128xf32, #tpu.memory_space<vmem_shared>> -> memref<10000x128xf32, #tpu.memory_space<vmem_shared>>
        tpu.wait_indirect_dma semaphore(%arg21 : memref<!tpu.dma_semaphore, #tpu.memory_space<semaphore_mem>>) src(%arg12 : memref<160x128xf32, #tpu.memory_space<vmem>>) dst(%dma_wait3A_118 : memref<10000x128xf32, #tpu.memory_space<vmem_shared>>)
      } else {
      }
      %add3A_107 = arith.constant 3 : i32
      %add3A_108 = arith.addi %mul3A_40, %add3A_107 : i32
      %mul3A_109 = arith.constant 32 : i32
      %mul3A_110 = arith.muli %add3A_108, %mul3A_109 : i32
      %add3A_111 = arith.addi %mul3A_110, %add3A : i32
      %lt3A_112 = arith.constant 2000 : i32
      %lt3A_113 = arith.cmpi slt, %add3A_111, %lt3A_112 : i32
      %convert_element_type3A_114 = arith.extui %lt3A_113 : i1 to i32
      %cond3A_115 = arith.constant 0 : i32
      %cond3A_116 = arith.cmpi ne, %convert_element_type3A_114, %cond3A_115 : i32
      scf.if %cond3A_116 {
        %mul3A_117 = arith.constant 32 : i32
        %mul3A_118 = arith.muli %add3A_108, %mul3A_117 : i32
        %add3A_119 = arith.addi %mul3A_118, %add3A : i32
        %mul3A_120 = arith.constant 160 : i32
        %mul3A_121 = arith.muli %add3A_119, %mul3A_120 : i32
        %dma_start3A = tpu.memref_slice %arg3[%mul3A_121] : memref<320000xi32, #tpu.memory_space<hbm>> -> memref<160xi32, #tpu.memory_space<hbm>>
        %dma_start3A_122 = tpu.memref_slice %arg3[%mul3A_121] : memref<320000xi32, #tpu.memory_space<hbm>> -> memref<160xi32, #tpu.memory_space<hbm>>
        tpu.enqueue_dma source(%dma_start3A_122 : memref<160xi32, #tpu.memory_space<hbm>>) target(%arg9 : memref<160xi32, #tpu.memory_space<vmem>>) target_semaphore(%arg18 : memref<!tpu.dma_semaphore, #tpu.memory_space<semaphore_mem>>)
        %mul3A_123 = arith.constant 32 : i32
        %mul3A_124 = arith.muli %add3A_108, %mul3A_123 : i32
        %add3A_125 = arith.addi %mul3A_124, %add3A : i32
        %mul3A_126 = arith.constant 160 : i32
        %mul3A_127 = arith.muli %add3A_125, %mul3A_126 : i32
        %dma_start3A_128 = tpu.memref_slice %arg4[%mul3A_127] : memref<320000xi32, #tpu.memory_space<hbm>> -> memref<160xi32, #tpu.memory_space<hbm>>
        %dma_start3A_129 = tpu.memref_slice %arg4[%mul3A_127] : memref<320000xi32, #tpu.memory_space<hbm>> -> memref<160xi32, #tpu.memory_space<hbm>>
        tpu.enqueue_dma source(%dma_start3A_129 : memref<160xi32, #tpu.memory_space<hbm>>) target(%arg10 : memref<160xi32, #tpu.memory_space<vmem>>) target_semaphore(%arg19 : memref<!tpu.dma_semaphore, #tpu.memory_space<semaphore_mem>>)
      } else {
      }
    }
    %scan3A_27 = arith.constant 32 : i32
    %barrier3A_28 = arith.constant 0 : index
    tpu.barrier barrier_id(%barrier3A_28)
    %scan3A_29 = arith.constant 0 : i32
    %scan3A_30 = arith.constant 2 : i32
    %scan3A_31 = arith.addi %scan3A_29, %scan3A_30 : i32
    %scan3A_32 = arith.constant 1 : i32
    scf.for %scan3A_34 = %scan3A_29 to %scan3A_31 step %scan3A_32  : i32 {
      %mul3A_35 = arith.constant 1 : i32
      %mul3A_36 = arith.muli %scan3A_34, %mul3A_35 : i32
      %add3A_37 = arith.constant 0 : i32
      %add3A_38 = arith.addi %add3A_37, %mul3A_36 : i32
      %mul3A_39 = arith.constant 16 : i32
      %mul3A_40 = arith.muli %add3A_38, %mul3A_39 : i32
      %add3A_41 = arith.addi %mul3A_40, %arg1 : i32
      %lt3A_42 = arith.constant 25 : i32
      %lt3A_43 = arith.cmpi slt, %add3A_41, %lt3A_42 : i32
      %convert_element_type3A_44 = arith.extui %lt3A_43 : i1 to i32
      %cond3A_45 = arith.constant 0 : i32
      %cond3A_46 = arith.cmpi ne, %convert_element_type3A_44, %cond3A_45 : i32
      scf.if %cond3A_46 {
        %mul3A_47 = arith.constant 400 : i32
        %mul3A_48 = arith.muli %add3A_41, %mul3A_47 : i32
        %mul3A_49 = arith.constant 400 : i32
        %mul3A_50 = arith.muli %add3A_41, %mul3A_49 : i32
        "tpu.region"() ({
          %run_scoped3A = tpu.sem_alloc : memref<!tpu.dma_semaphore, #tpu.memory_space<semaphore_mem>>
          %dma_start3A = arith.constant 0 : i32
          %dma_start3A_51 = arith.constant 0 : i32
          %dma_start3A_52 = tpu.memref_slice %arg6[%arg0, %dma_start3A, %dma_start3A_51] : memref<2x10000x128xf32, #tpu.memory_space<hbm>> -> memref<1x10000x128xf32, #tpu.memory_space<hbm>>
          %dma_start3A_53 = tpu.memref_squeeze %dma_start3A_52 : memref<1x10000x128xf32, #tpu.memory_space<hbm>> -> memref<10000x128xf32, #tpu.memory_space<hbm>>
          %dma_start3A_54 = arith.constant 0 : i32
          %dma_start3A_55 = tpu.memref_slice %dma_start3A_53[%mul3A_50, %dma_start3A_54] : memref<10000x128xf32, #tpu.memory_space<hbm>> -> memref<400x128xf32, #tpu.memory_space<hbm>>
          %dma_start3A_56 = arith.constant 0 : i32
          %dma_start3A_57 = tpu.memref_slice %arg13[%mul3A_48, %dma_start3A_56] : memref<10000x128xf32, #tpu.memory_space<vmem_shared>> -> memref<400x128xf32, #tpu.memory_space<vmem_shared>>
          tpu.enqueue_dma source(%dma_start3A_57 : memref<400x128xf32, #tpu.memory_space<vmem_shared>>) target(%dma_start3A_55 : memref<400x128xf32, #tpu.memory_space<hbm>>) target_semaphore(%run_scoped3A : memref<!tpu.dma_semaphore, #tpu.memory_space<semaphore_mem>>)
          %dma_wait3A = arith.constant 0 : i32
          %dma_wait3A_58 = arith.constant 0 : i32
          %dma_wait3A_59 = tpu.memref_slice %arg6[%arg0, %dma_wait3A, %dma_wait3A_58] : memref<2x10000x128xf32, #tpu.memory_space<hbm>> -> memref<1x10000x128xf32, #tpu.memory_space<hbm>>
          %dma_wait3A_60 = tpu.memref_squeeze %dma_wait3A_59 : memref<1x10000x128xf32, #tpu.memory_space<hbm>> -> memref<10000x128xf32, #tpu.memory_space<hbm>>
          %dma_wait3A_61 = arith.constant 0 : i32
          %dma_wait3A_62 = tpu.memref_slice %dma_wait3A_60[%mul3A_50, %dma_wait3A_61] : memref<10000x128xf32, #tpu.memory_space<hbm>> -> memref<400x128xf32, #tpu.memory_space<hbm>>
          %dma_wait3A_63 = arith.constant 0 : i32
          %dma_wait3A_64 = tpu.memref_slice %arg13[%mul3A_48, %dma_wait3A_63] : memref<10000x128xf32, #tpu.memory_space<vmem_shared>> -> memref<400x128xf32, #tpu.memory_space<vmem_shared>>
          tpu.wait_dma2 semaphore(%run_scoped3A : memref<!tpu.dma_semaphore, #tpu.memory_space<semaphore_mem>>) src(%dma_wait3A_64 : memref<400x128xf32, #tpu.memory_space<vmem_shared>>) dst(%dma_wait3A_62 : memref<400x128xf32, #tpu.memory_space<hbm>>)
          tpu.yield
        }) : () -> ()
      } else {
      }
    }
    %scan3A_33 = arith.constant 2 : i32
    return
  }
}

#map = affine_map<(d0, d1) -> (0, 0)>
#map1 = affine_map<(d0, d1) -> (0)>
#map2 = affine_map<(d0, d1) -> (0, 0, 0)>
module attributes {stable_mosaic.version = 14 : i64} {
  func.func @agg_kernel(%arg0: i32, %arg1: i32, %arg2: memref<10000x128xf32, #tpu.memory_space<hbm>>, %arg3: memref<320000xi32, #tpu.memory_space<hbm>>, %arg4: memref<320000xi32, #tpu.memory_space<hbm>>, %arg5: memref<400x128xf32, #tpu.memory_space<hbm>>, %arg6: memref<2x10000x128xf32, #tpu.memory_space<hbm>>, %arg7: memref<160xi32, #tpu.memory_space<vmem>>, %arg8: memref<160xi32, #tpu.memory_space<vmem>>, %arg9: memref<160xi32, #tpu.memory_space<vmem>>, %arg10: memref<160xi32, #tpu.memory_space<vmem>>, %arg11: memref<160x128xf32, #tpu.memory_space<vmem>>, %arg12: memref<160x128xf32, #tpu.memory_space<vmem>>, %arg13: memref<10000x128xf32, #tpu.memory_space<vmem_shared>>, %arg14: memref<!tpu.dma_semaphore, #tpu.memory_space<semaphore_mem>>, %arg15: memref<!tpu.dma_semaphore, #tpu.memory_space<semaphore_mem>>, %arg16: memref<!tpu.dma_semaphore, #tpu.memory_space<semaphore_mem>>, %arg17: memref<!tpu.dma_semaphore, #tpu.memory_space<semaphore_mem>>, %arg18: memref<!tpu.dma_semaphore, #tpu.memory_space<semaphore_mem>>, %arg19: memref<!tpu.dma_semaphore, #tpu.memory_space<semaphore_mem>>, %arg20: memref<!tpu.dma_semaphore, #tpu.memory_space<semaphore_mem>>, %arg21: memref<!tpu.dma_semaphore, #tpu.memory_space<semaphore_mem>>) attributes {dimension_semantics = [#tpu.dimension_semantics<core_parallel>, #tpu.dimension_semantics<subcore_parallel>], iteration_bounds = array<i64: 2, 16>, scalar_prefetch = 0 : i64, scratch_operands = 15 : i64, tpu.core_type = #tpu.core_type<sc_vector_subcore>, window_params = [{transform_indices = #map}, {transform_indices = #map1}, {transform_indices = #map1}, {transform_indices = #map}, {transform_indices = #map2}]} {
    %mul3A = arith.constant 16 : i32
    %mul3A_0 = arith.muli %arg0, %mul3A : i32
    %add3A = arith.addi %mul3A_0, %arg1 : i32
    %scan3A = arith.constant 0 : i32
    %scan3A_1 = arith.constant 2 : i32
    %scan3A_2 = arith.addi %scan3A, %scan3A_1 : i32
    %scan3A_3 = arith.constant 1 : i32
    scf.for %scan3A_34 = %scan3A to %scan3A_2 step %scan3A_3  : i32 {
      %mul3A_35 = arith.constant 1 : i32
      %mul3A_36 = arith.muli %scan3A_34, %mul3A_35 : i32
      %add3A_37 = arith.constant 0 : i32
      %add3A_38 = arith.addi %add3A_37, %mul3A_36 : i32
      %mul3A_39 = arith.constant 16 : i32
      %mul3A_40 = arith.muli %add3A_38, %mul3A_39 : i32
      %add3A_41 = arith.addi %mul3A_40, %arg1 : i32
      %lt3A_42 = arith.constant 25 : i32
      %lt3A_43 = arith.cmpi slt, %add3A_41, %lt3A_42 : i32
      %convert_element_type3A_44 = arith.extui %lt3A_43 : i1 to i32
      %cond3A_45 = arith.constant 0 : i32
      %cond3A_46 = arith.cmpi ne, %convert_element_type3A_44, %cond3A_45 : i32
      scf.if %cond3A_46 {
        %mul3A_47 = arith.constant 400 : i32
        %mul3A_48 = arith.muli %add3A_41, %mul3A_47 : i32
        "tpu.region"() ({
          %run_scoped3A = tpu.sem_alloc : memref<!tpu.dma_semaphore, #tpu.memory_space<semaphore_mem>>
          %dma_start3A = arith.constant 0 : i32
          %dma_start3A_49 = tpu.memref_slice %arg13[%mul3A_48, %dma_start3A] : memref<10000x128xf32, #tpu.memory_space<vmem_shared>> -> memref<400x128xf32, #tpu.memory_space<vmem_shared>>
          tpu.enqueue_dma source(%arg5 : memref<400x128xf32, #tpu.memory_space<hbm>>) target(%dma_start3A_49 : memref<400x128xf32, #tpu.memory_space<vmem_shared>>) target_semaphore(%run_scoped3A : memref<!tpu.dma_semaphore, #tpu.memory_space<semaphore_mem>>)
          %dma_wait3A = arith.constant 0 : i32
          %dma_wait3A_50 = tpu.memref_slice %arg13[%mul3A_48, %dma_wait3A] : memref<10000x128xf32, #tpu.memory_space<vmem_shared>> -> memref<400x128xf32, #tpu.memory_space<vmem_shared>>
          tpu.wait_dma2 semaphore(%run_scoped3A : memref<!tpu.dma_semaphore, #tpu.memory_space<semaphore_mem>>) src(%arg5 : memref<400x128xf32, #tpu.memory_space<hbm>>) dst(%dma_wait3A_50 : memref<400x128xf32, #tpu.memory_space<vmem_shared>>)
          tpu.yield
        }) : () -> ()
      } else {
      }
    }
    %scan3A_4 = arith.constant 2 : i32
    %barrier3A = arith.constant 0 : index
    tpu.barrier barrier_id(%barrier3A)
    %add3A_5 = arith.constant 0 : i32
    %add3A_6 = arith.addi %add3A_5, %add3A : i32
    %lt3A = arith.constant 2000 : i32
    %lt3A_7 = arith.cmpi slt, %add3A_6, %lt3A : i32
    %convert_element_type3A = arith.extui %lt3A_7 : i1 to i32
    %cond3A = arith.constant 0 : i32
    %cond3A_8 = arith.cmpi ne, %convert_element_type3A, %cond3A : i32
    scf.if %cond3A_8 {
      %add3A_34 = arith.constant 0 : i32
      %add3A_35 = arith.addi %add3A_34, %add3A : i32
      %mul3A_36 = arith.constant 160 : i32
      %mul3A_37 = arith.muli %add3A_35, %mul3A_36 : i32
      %dma_start3A = tpu.memref_slice %arg3[%mul3A_37] : memref<320000xi32, #tpu.memory_space<hbm>> -> memref<160xi32, #tpu.memory_space<hbm>>
      %dma_start3A_38 = tpu.memref_slice %arg3[%mul3A_37] : memref<320000xi32, #tpu.memory_space<hbm>> -> memref<160xi32, #tpu.memory_space<hbm>>
      tpu.enqueue_dma source(%dma_start3A_38 : memref<160xi32, #tpu.memory_space<hbm>>) target(%arg7 : memref<160xi32, #tpu.memory_space<vmem>>) target_semaphore(%arg14 : memref<!tpu.dma_semaphore, #tpu.memory_space<semaphore_mem>>)
      %add3A_39 = arith.constant 0 : i32
      %add3A_40 = arith.addi %add3A_39, %add3A : i32
      %mul3A_41 = arith.constant 160 : i32
      %mul3A_42 = arith.muli %add3A_40, %mul3A_41 : i32
      %dma_start3A_43 = tpu.memref_slice %arg4[%mul3A_42] : memref<320000xi32, #tpu.memory_space<hbm>> -> memref<160xi32, #tpu.memory_space<hbm>>
      %dma_start3A_44 = tpu.memref_slice %arg4[%mul3A_42] : memref<320000xi32, #tpu.memory_space<hbm>> -> memref<160xi32, #tpu.memory_space<hbm>>
      tpu.enqueue_dma source(%dma_start3A_44 : memref<160xi32, #tpu.memory_space<hbm>>) target(%arg8 : memref<160xi32, #tpu.memory_space<vmem>>) target_semaphore(%arg15 : memref<!tpu.dma_semaphore, #tpu.memory_space<semaphore_mem>>)
    } else {
    }
    %add3A_9 = arith.constant 32 : i32
    %add3A_10 = arith.addi %add3A_9, %add3A : i32
    %lt3A_11 = arith.constant 2000 : i32
    %lt3A_12 = arith.cmpi slt, %add3A_10, %lt3A_11 : i32
    %convert_element_type3A_13 = arith.extui %lt3A_12 : i1 to i32
    %cond3A_14 = arith.constant 0 : i32
    %cond3A_15 = arith.cmpi ne, %convert_element_type3A_13, %cond3A_14 : i32
    scf.if %cond3A_15 {
      %add3A_34 = arith.constant 32 : i32
      %add3A_35 = arith.addi %add3A_34, %add3A : i32
      %mul3A_36 = arith.constant 160 : i32
      %mul3A_37 = arith.muli %add3A_35, %mul3A_36 : i32
      %dma_start3A = tpu.memref_slice %arg3[%mul3A_37] : memref<320000xi32, #tpu.memory_space<hbm>> -> memref<160xi32, #tpu.memory_space<hbm>>
      %dma_start3A_38 = tpu.memref_slice %arg3[%mul3A_37] : memref<320000xi32, #tpu.memory_space<hbm>> -> memref<160xi32, #tpu.memory_space<hbm>>
      tpu.enqueue_dma source(%dma_start3A_38 : memref<160xi32, #tpu.memory_space<hbm>>) target(%arg9 : memref<160xi32, #tpu.memory_space<vmem>>) target_semaphore(%arg18 : memref<!tpu.dma_semaphore, #tpu.memory_space<semaphore_mem>>)
      %add3A_39 = arith.constant 32 : i32
      %add3A_40 = arith.addi %add3A_39, %add3A : i32
      %mul3A_41 = arith.constant 160 : i32
      %mul3A_42 = arith.muli %add3A_40, %mul3A_41 : i32
      %dma_start3A_43 = tpu.memref_slice %arg4[%mul3A_42] : memref<320000xi32, #tpu.memory_space<hbm>> -> memref<160xi32, #tpu.memory_space<hbm>>
      %dma_start3A_44 = tpu.memref_slice %arg4[%mul3A_42] : memref<320000xi32, #tpu.memory_space<hbm>> -> memref<160xi32, #tpu.memory_space<hbm>>
      tpu.enqueue_dma source(%dma_start3A_44 : memref<160xi32, #tpu.memory_space<hbm>>) target(%arg10 : memref<160xi32, #tpu.memory_space<vmem>>) target_semaphore(%arg19 : memref<!tpu.dma_semaphore, #tpu.memory_space<semaphore_mem>>)
    } else {
    }
    %add3A_16 = arith.constant 0 : i32
    %add3A_17 = arith.addi %add3A_16, %add3A : i32
    %lt3A_18 = arith.constant 2000 : i32
    %lt3A_19 = arith.cmpi slt, %add3A_17, %lt3A_18 : i32
    %convert_element_type3A_20 = arith.extui %lt3A_19 : i1 to i32
    %cond3A_21 = arith.constant 0 : i32
    %cond3A_22 = arith.cmpi ne, %convert_element_type3A_20, %cond3A_21 : i32
    scf.if %cond3A_22 {
      %add3A_34 = arith.constant 0 : i32
      %add3A_35 = arith.addi %add3A_34, %add3A : i32
      %mul3A_36 = arith.constant 160 : i32
      %mul3A_37 = arith.muli %add3A_35, %mul3A_36 : i32
      %dma_wait3A = tpu.memref_slice %arg3[%mul3A_37] : memref<320000xi32, #tpu.memory_space<hbm>> -> memref<160xi32, #tpu.memory_space<hbm>>
      %dma_wait3A_38 = tpu.memref_slice %arg3[%mul3A_37] : memref<320000xi32, #tpu.memory_space<hbm>> -> memref<160xi32, #tpu.memory_space<hbm>>
      tpu.wait_dma2 semaphore(%arg14 : memref<!tpu.dma_semaphore, #tpu.memory_space<semaphore_mem>>) src(%dma_wait3A_38 : memref<160xi32, #tpu.memory_space<hbm>>) dst(%arg7 : memref<160xi32, #tpu.memory_space<vmem>>)
      %dma_start3A = arith.constant 0 : i32
      %dma_start3A_39 = arith.constant 0 : i32
      %dma_start3A_40 = tpu.memref_slice %arg2[%dma_start3A, %dma_start3A_39] : memref<10000x128xf32, #tpu.memory_space<hbm>> -> memref<10000x128xf32, #tpu.memory_space<hbm>>
      tpu.enqueue_indirect_dma source(%dma_start3A_40 : memref<10000x128xf32, #tpu.memory_space<hbm>>) target(%arg11 : memref<160x128xf32, #tpu.memory_space<vmem>>) offsets(%arg7 : memref<160xi32, #tpu.memory_space<vmem>>) semaphore(%arg16 : memref<!tpu.dma_semaphore, #tpu.memory_space<semaphore_mem>>)
    } else {
    }
    %scan3A_23 = arith.constant 0 : i32
    %scan3A_24 = arith.constant 32 : i32
    %scan3A_25 = arith.addi %scan3A_23, %scan3A_24 : i32
    %scan3A_26 = arith.constant 1 : i32
    scf.for %scan3A_34 = %scan3A_23 to %scan3A_25 step %scan3A_26  : i32 {
      %mul3A_35 = arith.constant 1 : i32
      %mul3A_36 = arith.muli %scan3A_34, %mul3A_35 : i32
      %add3A_37 = arith.constant 0 : i32
      %add3A_38 = arith.addi %add3A_37, %mul3A_36 : i32
      %mul3A_39 = arith.constant 2 : i32
      %mul3A_40 = arith.muli %mul3A_39, %add3A_38 : i32
      %add3A_41 = arith.constant 1 : i32
      %add3A_42 = arith.addi %mul3A_40, %add3A_41 : i32
      %mul3A_43 = arith.constant 32 : i32
      %mul3A_44 = arith.muli %add3A_42, %mul3A_43 : i32
      %add3A_45 = arith.addi %mul3A_44, %add3A : i32
      %lt3A_46 = arith.constant 2000 : i32
      %lt3A_47 = arith.cmpi slt, %add3A_45, %lt3A_46 : i32
      %convert_element_type3A_48 = arith.extui %lt3A_47 : i1 to i32
      %cond3A_49 = arith.constant 0 : i32
      %cond3A_50 = arith.cmpi ne, %convert_element_type3A_48, %cond3A_49 : i32
      scf.if %cond3A_50 {
        %mul3A_117 = arith.constant 32 : i32
        %mul3A_118 = arith.muli %add3A_42, %mul3A_117 : i32
        %add3A_119 = arith.addi %mul3A_118, %add3A : i32
        %mul3A_120 = arith.constant 160 : i32
        %mul3A_121 = arith.muli %add3A_119, %mul3A_120 : i32
        %dma_wait3A = tpu.memref_slice %arg3[%mul3A_121] : memref<320000xi32, #tpu.memory_space<hbm>> -> memref<160xi32, #tpu.memory_space<hbm>>
        %dma_wait3A_122 = tpu.memref_slice %arg3[%mul3A_121] : memref<320000xi32, #tpu.memory_space<hbm>> -> memref<160xi32, #tpu.memory_space<hbm>>
        tpu.wait_dma2 semaphore(%arg18 : memref<!tpu.dma_semaphore, #tpu.memory_space<semaphore_mem>>) src(%dma_wait3A_122 : memref<160xi32, #tpu.memory_space<hbm>>) dst(%arg9 : memref<160xi32, #tpu.memory_space<vmem>>)
        %dma_start3A = arith.constant 0 : i32
        %dma_start3A_123 = arith.constant 0 : i32
        %dma_start3A_124 = tpu.memref_slice %arg2[%dma_start3A, %dma_start3A_123] : memref<10000x128xf32, #tpu.memory_space<hbm>> -> memref<10000x128xf32, #tpu.memory_space<hbm>>
        tpu.enqueue_indirect_dma source(%dma_start3A_124 : memref<10000x128xf32, #tpu.memory_space<hbm>>) target(%arg12 : memref<160x128xf32, #tpu.memory_space<vmem>>) offsets(%arg9 : memref<160xi32, #tpu.memory_space<vmem>>) semaphore(%arg20 : memref<!tpu.dma_semaphore, #tpu.memory_space<semaphore_mem>>)
      } else {
      }
      %mul3A_51 = arith.constant 32 : i32
      %mul3A_52 = arith.muli %mul3A_40, %mul3A_51 : i32
      %add3A_53 = arith.addi %mul3A_52, %add3A : i32
      %lt3A_54 = arith.constant 2000 : i32
      %lt3A_55 = arith.cmpi slt, %add3A_53, %lt3A_54 : i32
      %convert_element_type3A_56 = arith.extui %lt3A_55 : i1 to i32
      %cond3A_57 = arith.constant 0 : i32
      %cond3A_58 = arith.cmpi ne, %convert_element_type3A_56, %cond3A_57 : i32
      scf.if %cond3A_58 {
        %dma_wait3A = arith.constant 0 : i32
        %dma_wait3A_117 = arith.constant 0 : i32
        %dma_wait3A_118 = tpu.memref_slice %arg2[%dma_wait3A, %dma_wait3A_117] : memref<10000x128xf32, #tpu.memory_space<hbm>> -> memref<10000x128xf32, #tpu.memory_space<hbm>>
        tpu.wait_indirect_dma semaphore(%arg16 : memref<!tpu.dma_semaphore, #tpu.memory_space<semaphore_mem>>) src(%dma_wait3A_118 : memref<10000x128xf32, #tpu.memory_space<hbm>>) dst(%arg11 : memref<160x128xf32, #tpu.memory_space<vmem>>)
        %mul3A_119 = arith.constant 32 : i32
        %mul3A_120 = arith.muli %mul3A_40, %mul3A_119 : i32
        %add3A_121 = arith.addi %mul3A_120, %add3A : i32
        %mul3A_122 = arith.constant 160 : i32
        %mul3A_123 = arith.muli %add3A_121, %mul3A_122 : i32
        %dma_wait3A_124 = tpu.memref_slice %arg4[%mul3A_123] : memref<320000xi32, #tpu.memory_space<hbm>> -> memref<160xi32, #tpu.memory_space<hbm>>
        %dma_wait3A_125 = tpu.memref_slice %arg4[%mul3A_123] : memref<320000xi32, #tpu.memory_space<hbm>> -> memref<160xi32, #tpu.memory_space<hbm>>
        tpu.wait_dma2 semaphore(%arg15 : memref<!tpu.dma_semaphore, #tpu.memory_space<semaphore_mem>>) src(%dma_wait3A_125 : memref<160xi32, #tpu.memory_space<hbm>>) dst(%arg8 : memref<160xi32, #tpu.memory_space<vmem>>)
        %dma_start3A = arith.constant 0 : i32
        %dma_start3A_126 = arith.constant 0 : i32
        %dma_start3A_127 = tpu.memref_slice %arg13[%dma_start3A, %dma_start3A_126] : memref<10000x128xf32, #tpu.memory_space<vmem_shared>> -> memref<10000x128xf32, #tpu.memory_space<vmem_shared>>
        tpu.enqueue_indirect_dma source(%arg11 : memref<160x128xf32, #tpu.memory_space<vmem>>) target(%dma_start3A_127 : memref<10000x128xf32, #tpu.memory_space<vmem_shared>>) offsets(%arg8 : memref<160xi32, #tpu.memory_space<vmem>>) semaphore(%arg17 : memref<!tpu.dma_semaphore, #tpu.memory_space<semaphore_mem>>) {add = true}
      } else {
      }
      %mul3A_59 = arith.constant 32 : i32
      %mul3A_60 = arith.muli %mul3A_40, %mul3A_59 : i32
      %add3A_61 = arith.addi %mul3A_60, %add3A : i32
      %lt3A_62 = arith.constant 2000 : i32
      %lt3A_63 = arith.cmpi slt, %add3A_61, %lt3A_62 : i32
      %convert_element_type3A_64 = arith.extui %lt3A_63 : i1 to i32
      %cond3A_65 = arith.constant 0 : i32
      %cond3A_66 = arith.cmpi ne, %convert_element_type3A_64, %cond3A_65 : i32
      scf.if %cond3A_66 {
        %dma_wait3A = arith.constant 0 : i32
        %dma_wait3A_117 = arith.constant 0 : i32
        %dma_wait3A_118 = tpu.memref_slice %arg13[%dma_wait3A, %dma_wait3A_117] : memref<10000x128xf32, #tpu.memory_space<vmem_shared>> -> memref<10000x128xf32, #tpu.memory_space<vmem_shared>>
        tpu.wait_indirect_dma semaphore(%arg17 : memref<!tpu.dma_semaphore, #tpu.memory_space<semaphore_mem>>) src(%arg11 : memref<160x128xf32, #tpu.memory_space<vmem>>) dst(%dma_wait3A_118 : memref<10000x128xf32, #tpu.memory_space<vmem_shared>>)
      } else {
      }
      %add3A_67 = arith.constant 2 : i32
      %add3A_68 = arith.addi %mul3A_40, %add3A_67 : i32
      %mul3A_69 = arith.constant 32 : i32
      %mul3A_70 = arith.muli %add3A_68, %mul3A_69 : i32
      %add3A_71 = arith.addi %mul3A_70, %add3A : i32
      %lt3A_72 = arith.constant 2000 : i32
      %lt3A_73 = arith.cmpi slt, %add3A_71, %lt3A_72 : i32
      %convert_element_type3A_74 = arith.extui %lt3A_73 : i1 to i32
      %cond3A_75 = arith.constant 0 : i32
      %cond3A_76 = arith.cmpi ne, %convert_element_type3A_74, %cond3A_75 : i32
      scf.if %cond3A_76 {
        %mul3A_117 = arith.constant 32 : i32
        %mul3A_118 = arith.muli %add3A_68, %mul3A_117 : i32
        %add3A_119 = arith.addi %mul3A_118, %add3A : i32
        %mul3A_120 = arith.constant 160 : i32
        %mul3A_121 = arith.muli %add3A_119, %mul3A_120 : i32
        %dma_start3A = tpu.memref_slice %arg3[%mul3A_121] : memref<320000xi32, #tpu.memory_space<hbm>> -> memref<160xi32, #tpu.memory_space<hbm>>
        %dma_start3A_122 = tpu.memref_slice %arg3[%mul3A_121] : memref<320000xi32, #tpu.memory_space<hbm>> -> memref<160xi32, #tpu.memory_space<hbm>>
        tpu.enqueue_dma source(%dma_start3A_122 : memref<160xi32, #tpu.memory_space<hbm>>) target(%arg7 : memref<160xi32, #tpu.memory_space<vmem>>) target_semaphore(%arg14 : memref<!tpu.dma_semaphore, #tpu.memory_space<semaphore_mem>>)
        %mul3A_123 = arith.constant 32 : i32
        %mul3A_124 = arith.muli %add3A_68, %mul3A_123 : i32
        %add3A_125 = arith.addi %mul3A_124, %add3A : i32
        %mul3A_126 = arith.constant 160 : i32
        %mul3A_127 = arith.muli %add3A_125, %mul3A_126 : i32
        %dma_start3A_128 = tpu.memref_slice %arg4[%mul3A_127] : memref<320000xi32, #tpu.memory_space<hbm>> -> memref<160xi32, #tpu.memory_space<hbm>>
        %dma_start3A_129 = tpu.memref_slice %arg4[%mul3A_127] : memref<320000xi32, #tpu.memory_space<hbm>> -> memref<160xi32, #tpu.memory_space<hbm>>
        tpu.enqueue_dma source(%dma_start3A_129 : memref<160xi32, #tpu.memory_space<hbm>>) target(%arg8 : memref<160xi32, #tpu.memory_space<vmem>>) target_semaphore(%arg15 : memref<!tpu.dma_semaphore, #tpu.memory_space<semaphore_mem>>)
      } else {
      }
      %add3A_77 = arith.constant 2 : i32
      %add3A_78 = arith.addi %mul3A_40, %add3A_77 : i32
      %mul3A_79 = arith.constant 32 : i32
      %mul3A_80 = arith.muli %add3A_78, %mul3A_79 : i32
      %add3A_81 = arith.addi %mul3A_80, %add3A : i32
      %lt3A_82 = arith.constant 2000 : i32
      %lt3A_83 = arith.cmpi slt, %add3A_81, %lt3A_82 : i32
      %convert_element_type3A_84 = arith.extui %lt3A_83 : i1 to i32
      %cond3A_85 = arith.constant 0 : i32
      %cond3A_86 = arith.cmpi ne, %convert_element_type3A_84, %cond3A_85 : i32
      scf.if %cond3A_86 {
        %mul3A_117 = arith.constant 32 : i32
        %mul3A_118 = arith.muli %add3A_78, %mul3A_117 : i32
        %add3A_119 = arith.addi %mul3A_118, %add3A : i32
        %mul3A_120 = arith.constant 160 : i32
        %mul3A_121 = arith.muli %add3A_119, %mul3A_120 : i32
        %dma_wait3A = tpu.memref_slice %arg3[%mul3A_121] : memref<320000xi32, #tpu.memory_space<hbm>> -> memref<160xi32, #tpu.memory_space<hbm>>
        %dma_wait3A_122 = tpu.memref_slice %arg3[%mul3A_121] : memref<320000xi32, #tpu.memory_space<hbm>> -> memref<160xi32, #tpu.memory_space<hbm>>
        tpu.wait_dma2 semaphore(%arg14 : memref<!tpu.dma_semaphore, #tpu.memory_space<semaphore_mem>>) src(%dma_wait3A_122 : memref<160xi32, #tpu.memory_space<hbm>>) dst(%arg7 : memref<160xi32, #tpu.memory_space<vmem>>)
        %dma_start3A = arith.constant 0 : i32
        %dma_start3A_123 = arith.constant 0 : i32
        %dma_start3A_124 = tpu.memref_slice %arg2[%dma_start3A, %dma_start3A_123] : memref<10000x128xf32, #tpu.memory_space<hbm>> -> memref<10000x128xf32, #tpu.memory_space<hbm>>
        tpu.enqueue_indirect_dma source(%dma_start3A_124 : memref<10000x128xf32, #tpu.memory_space<hbm>>) target(%arg11 : memref<160x128xf32, #tpu.memory_space<vmem>>) offsets(%arg7 : memref<160xi32, #tpu.memory_space<vmem>>) semaphore(%arg16 : memref<!tpu.dma_semaphore, #tpu.memory_space<semaphore_mem>>)
      } else {
      }
      %add3A_87 = arith.constant 1 : i32
      %add3A_88 = arith.addi %mul3A_40, %add3A_87 : i32
      %mul3A_89 = arith.constant 32 : i32
      %mul3A_90 = arith.muli %add3A_88, %mul3A_89 : i32
      %add3A_91 = arith.addi %mul3A_90, %add3A : i32
      %lt3A_92 = arith.constant 2000 : i32
      %lt3A_93 = arith.cmpi slt, %add3A_91, %lt3A_92 : i32
      %convert_element_type3A_94 = arith.extui %lt3A_93 : i1 to i32
      %cond3A_95 = arith.constant 0 : i32
      %cond3A_96 = arith.cmpi ne, %convert_element_type3A_94, %cond3A_95 : i32
      scf.if %cond3A_96 {
        %dma_wait3A = arith.constant 0 : i32
        %dma_wait3A_117 = arith.constant 0 : i32
        %dma_wait3A_118 = tpu.memref_slice %arg2[%dma_wait3A, %dma_wait3A_117] : memref<10000x128xf32, #tpu.memory_space<hbm>> -> memref<10000x128xf32, #tpu.memory_space<hbm>>
        tpu.wait_indirect_dma semaphore(%arg20 : memref<!tpu.dma_semaphore, #tpu.memory_space<semaphore_mem>>) src(%dma_wait3A_118 : memref<10000x128xf32, #tpu.memory_space<hbm>>) dst(%arg12 : memref<160x128xf32, #tpu.memory_space<vmem>>)
        %mul3A_119 = arith.constant 32 : i32
        %mul3A_120 = arith.muli %add3A_88, %mul3A_119 : i32
        %add3A_121 = arith.addi %mul3A_120, %add3A : i32
        %mul3A_122 = arith.constant 160 : i32
        %mul3A_123 = arith.muli %add3A_121, %mul3A_122 : i32
        %dma_wait3A_124 = tpu.memref_slice %arg4[%mul3A_123] : memref<320000xi32, #tpu.memory_space<hbm>> -> memref<160xi32, #tpu.memory_space<hbm>>
        %dma_wait3A_125 = tpu.memref_slice %arg4[%mul3A_123] : memref<320000xi32, #tpu.memory_space<hbm>> -> memref<160xi32, #tpu.memory_space<hbm>>
        tpu.wait_dma2 semaphore(%arg19 : memref<!tpu.dma_semaphore, #tpu.memory_space<semaphore_mem>>) src(%dma_wait3A_125 : memref<160xi32, #tpu.memory_space<hbm>>) dst(%arg10 : memref<160xi32, #tpu.memory_space<vmem>>)
        %dma_start3A = arith.constant 0 : i32
        %dma_start3A_126 = arith.constant 0 : i32
        %dma_start3A_127 = tpu.memref_slice %arg13[%dma_start3A, %dma_start3A_126] : memref<10000x128xf32, #tpu.memory_space<vmem_shared>> -> memref<10000x128xf32, #tpu.memory_space<vmem_shared>>
        tpu.enqueue_indirect_dma source(%arg12 : memref<160x128xf32, #tpu.memory_space<vmem>>) target(%dma_start3A_127 : memref<10000x128xf32, #tpu.memory_space<vmem_shared>>) offsets(%arg10 : memref<160xi32, #tpu.memory_space<vmem>>) semaphore(%arg21 : memref<!tpu.dma_semaphore, #tpu.memory_space<semaphore_mem>>) {add = true}
      } else {
      }
      %add3A_97 = arith.constant 1 : i32
      %add3A_98 = arith.addi %mul3A_40, %add3A_97 : i32
      %mul3A_99 = arith.constant 32 : i32
      %mul3A_100 = arith.muli %add3A_98, %mul3A_99 : i32
      %add3A_101 = arith.addi %mul3A_100, %add3A : i32
      %lt3A_102 = arith.constant 2000 : i32
      %lt3A_103 = arith.cmpi slt, %add3A_101, %lt3A_102 : i32
      %convert_element_type3A_104 = arith.extui %lt3A_103 : i1 to i32
      %cond3A_105 = arith.constant 0 : i32
      %cond3A_106 = arith.cmpi ne, %convert_element_type3A_104, %cond3A_105 : i32
      scf.if %cond3A_106 {
        %dma_wait3A = arith.constant 0 : i32
        %dma_wait3A_117 = arith.constant 0 : i32
        %dma_wait3A_118 = tpu.memref_slice %arg13[%dma_wait3A, %dma_wait3A_117] : memref<10000x128xf32, #tpu.memory_space<vmem_shared>> -> memref<10000x128xf32, #tpu.memory_space<vmem_shared>>
        tpu.wait_indirect_dma semaphore(%arg21 : memref<!tpu.dma_semaphore, #tpu.memory_space<semaphore_mem>>) src(%arg12 : memref<160x128xf32, #tpu.memory_space<vmem>>) dst(%dma_wait3A_118 : memref<10000x128xf32, #tpu.memory_space<vmem_shared>>)
      } else {
      }
      %add3A_107 = arith.constant 3 : i32
      %add3A_108 = arith.addi %mul3A_40, %add3A_107 : i32
      %mul3A_109 = arith.constant 32 : i32
      %mul3A_110 = arith.muli %add3A_108, %mul3A_109 : i32
      %add3A_111 = arith.addi %mul3A_110, %add3A : i32
      %lt3A_112 = arith.constant 2000 : i32
      %lt3A_113 = arith.cmpi slt, %add3A_111, %lt3A_112 : i32
      %convert_element_type3A_114 = arith.extui %lt3A_113 : i1 to i32
      %cond3A_115 = arith.constant 0 : i32
      %cond3A_116 = arith.cmpi ne, %convert_element_type3A_114, %cond3A_115 : i32
      scf.if %cond3A_116 {
        %mul3A_117 = arith.constant 32 : i32
        %mul3A_118 = arith.muli %add3A_108, %mul3A_117 : i32
        %add3A_119 = arith.addi %mul3A_118, %add3A : i32
        %mul3A_120 = arith.constant 160 : i32
        %mul3A_121 = arith.muli %add3A_119, %mul3A_120 : i32
        %dma_start3A = tpu.memref_slice %arg3[%mul3A_121] : memref<320000xi32, #tpu.memory_space<hbm>> -> memref<160xi32, #tpu.memory_space<hbm>>
        %dma_start3A_122 = tpu.memref_slice %arg3[%mul3A_121] : memref<320000xi32, #tpu.memory_space<hbm>> -> memref<160xi32, #tpu.memory_space<hbm>>
        tpu.enqueue_dma source(%dma_start3A_122 : memref<160xi32, #tpu.memory_space<hbm>>) target(%arg9 : memref<160xi32, #tpu.memory_space<vmem>>) target_semaphore(%arg18 : memref<!tpu.dma_semaphore, #tpu.memory_space<semaphore_mem>>)
        %mul3A_123 = arith.constant 32 : i32
        %mul3A_124 = arith.muli %add3A_108, %mul3A_123 : i32
        %add3A_125 = arith.addi %mul3A_124, %add3A : i32
        %mul3A_126 = arith.constant 160 : i32
        %mul3A_127 = arith.muli %add3A_125, %mul3A_126 : i32
        %dma_start3A_128 = tpu.memref_slice %arg4[%mul3A_127] : memref<320000xi32, #tpu.memory_space<hbm>> -> memref<160xi32, #tpu.memory_space<hbm>>
        %dma_start3A_129 = tpu.memref_slice %arg4[%mul3A_127] : memref<320000xi32, #tpu.memory_space<hbm>> -> memref<160xi32, #tpu.memory_space<hbm>>
        tpu.enqueue_dma source(%dma_start3A_129 : memref<160xi32, #tpu.memory_space<hbm>>) target(%arg10 : memref<160xi32, #tpu.memory_space<vmem>>) target_semaphore(%arg19 : memref<!tpu.dma_semaphore, #tpu.memory_space<semaphore_mem>>)
      } else {
      }
    }
    %scan3A_27 = arith.constant 32 : i32
    %barrier3A_28 = arith.constant 0 : index
    tpu.barrier barrier_id(%barrier3A_28)
    %scan3A_29 = arith.constant 0 : i32
    %scan3A_30 = arith.constant 2 : i32
    %scan3A_31 = arith.addi %scan3A_29, %scan3A_30 : i32
    %scan3A_32 = arith.constant 1 : i32
    scf.for %scan3A_34 = %scan3A_29 to %scan3A_31 step %scan3A_32  : i32 {
      %mul3A_35 = arith.constant 1 : i32
      %mul3A_36 = arith.muli %scan3A_34, %mul3A_35 : i32
      %add3A_37 = arith.constant 0 : i32
      %add3A_38 = arith.addi %add3A_37, %mul3A_36 : i32
      %mul3A_39 = arith.constant 16 : i32
      %mul3A_40 = arith.muli %add3A_38, %mul3A_39 : i32
      %add3A_41 = arith.addi %mul3A_40, %arg1 : i32
      %lt3A_42 = arith.constant 25 : i32
      %lt3A_43 = arith.cmpi slt, %add3A_41, %lt3A_42 : i32
      %convert_element_type3A_44 = arith.extui %lt3A_43 : i1 to i32
      %cond3A_45 = arith.constant 0 : i32
      %cond3A_46 = arith.cmpi ne, %convert_element_type3A_44, %cond3A_45 : i32
      scf.if %cond3A_46 {
        %mul3A_47 = arith.constant 400 : i32
        %mul3A_48 = arith.muli %add3A_41, %mul3A_47 : i32
        %mul3A_49 = arith.constant 400 : i32
        %mul3A_50 = arith.muli %add3A_41, %mul3A_49 : i32
        "tpu.region"() ({
          %run_scoped3A = tpu.sem_alloc : memref<!tpu.dma_semaphore, #tpu.memory_space<semaphore_mem>>
          %dma_start3A = arith.constant 0 : i32
          %dma_start3A_51 = arith.constant 0 : i32
          %dma_start3A_52 = tpu.memref_slice %arg6[%arg0, %dma_start3A, %dma_start3A_51] : memref<2x10000x128xf32, #tpu.memory_space<hbm>> -> memref<1x10000x128xf32, #tpu.memory_space<hbm>>
          %dma_start3A_53 = tpu.memref_squeeze %dma_start3A_52 : memref<1x10000x128xf32, #tpu.memory_space<hbm>> -> memref<10000x128xf32, #tpu.memory_space<hbm>>
          %dma_start3A_54 = arith.constant 0 : i32
          %dma_start3A_55 = tpu.memref_slice %dma_start3A_53[%mul3A_50, %dma_start3A_54] : memref<10000x128xf32, #tpu.memory_space<hbm>> -> memref<400x128xf32, #tpu.memory_space<hbm>>
          %dma_start3A_56 = arith.constant 0 : i32
          %dma_start3A_57 = tpu.memref_slice %arg13[%mul3A_48, %dma_start3A_56] : memref<10000x128xf32, #tpu.memory_space<vmem_shared>> -> memref<400x128xf32, #tpu.memory_space<vmem_shared>>
          tpu.enqueue_dma source(%dma_start3A_57 : memref<400x128xf32, #tpu.memory_space<vmem_shared>>) target(%dma_start3A_55 : memref<400x128xf32, #tpu.memory_space<hbm>>) target_semaphore(%run_scoped3A : memref<!tpu.dma_semaphore, #tpu.memory_space<semaphore_mem>>)
          %dma_wait3A = arith.constant 0 : i32
          %dma_wait3A_58 = arith.constant 0 : i32
          %dma_wait3A_59 = tpu.memref_slice %arg6[%arg0, %dma_wait3A, %dma_wait3A_58] : memref<2x10000x128xf32, #tpu.memory_space<hbm>> -> memref<1x10000x128xf32, #tpu.memory_space<hbm>>
          %dma_wait3A_60 = tpu.memref_squeeze %dma_wait3A_59 : memref<1x10000x128xf32, #tpu.memory_space<hbm>> -> memref<10000x128xf32, #tpu.memory_space<hbm>>
          %dma_wait3A_61 = arith.constant 0 : i32
          %dma_wait3A_62 = tpu.memref_slice %dma_wait3A_60[%mul3A_50, %dma_wait3A_61] : memref<10000x128xf32, #tpu.memory_space<hbm>> -> memref<400x128xf32, #tpu.memory_space<hbm>>
          %dma_wait3A_63 = arith.constant 0 : i32
          %dma_wait3A_64 = tpu.memref_slice %arg13[%mul3A_48, %dma_wait3A_63] : memref<10000x128xf32, #tpu.memory_space<vmem_shared>> -> memref<400x128xf32, #tpu.memory_space<vmem_shared>>
          tpu.wait_dma2 semaphore(%run_scoped3A : memref<!tpu.dma_semaphore, #tpu.memory_space<semaphore_mem>>) src(%dma_wait3A_64 : memref<400x128xf32, #tpu.memory_space<vmem_shared>>) dst(%dma_wait3A_62 : memref<400x128xf32, #tpu.memory_space<hbm>>)
          tpu.yield
        }) : () -> ()
      } else {
      }
    }
    %scan3A_33 = arith.constant 2 : i32
    return
  }
}

module attributes {stable_mosaic.version = 14 : i64} {
  func.func @body(%arg0: i32, %arg1: memref<1000x128xf32, #tpu.memory_space<vmem>>, %arg2: memref<128x128xf32, #tpu.memory_space<vmem>>, %arg3: memref<1x1000x1xf32, #tpu.memory_space<vmem>>, %arg4: memref<1x1000x1xf32, #tpu.memory_space<vmem>>, %arg5: memref<1000x128xf32, #tpu.memory_space<vmem>>, %arg6: memref<1000x128xf32, #tpu.memory_space<vmem>>) attributes {dimension_semantics = [#tpu.dimension_semantics<arbitrary>], iteration_bounds = array<i64: 10>, scalar_prefetch = 0 : i64, scratch_operands = 0 : i64, tpu.core_type = #tpu.core_type<tc>, window_params = [{transform_indices = @transform_0, window_bounds = array<i64: 1000, 128>}, {pipeline_mode = #tpu.pipeline_mode<synchronous>, transform_indices = @transform_1, window_bounds = array<i64: 128, 128>}, {transform_indices = @transform_2, window_bounds = array<i64: 1, 1000, 1>}, {transform_indices = @transform_3, window_bounds = array<i64: 1, 1000, 1>}, {transform_indices = @transform_4, window_bounds = array<i64: 1000, 128>}, {transform_indices = @transform_5, window_bounds = array<i64: 1000, 128>}]} {
    %get3A = arith.constant 0 : index
    %get3A_0 = arith.constant 0 : index
    %get3A_1 = arith.constant 0 : index
    %get3A_2 = vector.load %arg3[%get3A, %get3A_0, %get3A_1] : memref<1x1000x1xf32, #tpu.memory_space<vmem>>, vector<1x1000x1xf32>
    %get3A_3 = vector.shape_cast %get3A_2 : vector<1x1000x1xf32> to vector<1000x1xf32>
    %get3A_4 = arith.constant 0 : index
    %get3A_5 = arith.constant 0 : index
    %get3A_6 = arith.constant 0 : index
    %get3A_7 = vector.load %arg4[%get3A_4, %get3A_5, %get3A_6] : memref<1x1000x1xf32, #tpu.memory_space<vmem>>, vector<1x1000x1xf32>
    %get3A_8 = vector.shape_cast %get3A_7 : vector<1x1000x1xf32> to vector<1000x1xf32>
    %add3A = arith.addf %get3A_3, %get3A_8 : vector<1000x1xf32>
    %add3A_9 = arith.constant 1.000000e+00 : f32
    %add3A_10 = vector.broadcast %add3A_9 : f32 to vector<1000x1xf32>
    %add3A_11 = arith.addf %add3A, %add3A_10 : vector<1000x1xf32>
    %max3A = arith.constant 1.000000e+00 : f32
    %max3A_12 = vector.broadcast %max3A : f32 to vector<1000x1xf32>
    %max3A_13 = arith.maximumf %add3A_11, %max3A_12 : vector<1000x1xf32>
    %rsqrt3A = math.rsqrt %max3A_13 : vector<1000x1xf32>
    %get3A_14 = arith.constant 0 : index
    %get3A_15 = arith.constant 0 : index
    %get3A_16 = vector.load %arg1[%get3A_14, %get3A_15] : memref<1000x128xf32, #tpu.memory_space<vmem>>, vector<1000x128xf32>
    %get3A_17 = arith.constant 0 : index
    %get3A_18 = arith.constant 0 : index
    %get3A_19 = vector.load %arg2[%get3A_17, %get3A_18] : memref<128x128xf32, #tpu.memory_space<vmem>>, vector<128x128xf32>
    %dot_general3A = arith.constant dense<0.000000e+00> : vector<1000x128xf32>
    %dot_general3A_20 = tpu.matmul %get3A_16, %get3A_19, %dot_general3A {dimension_numbers = #tpu.dot_dimension_numbers<[1], [0], [0], [1], [0, 0, 1, 1], [], []>, transpose_lhs_hint = false} : vector<1000x128xf32>, vector<128x128xf32>, vector<1000x128xf32> -> vector<1000x128xf32>
    %mul3A = vector.broadcast %rsqrt3A : vector<1000x1xf32> to vector<1000x128xf32>
    %mul3A_21 = arith.mulf %dot_general3A_20, %mul3A : vector<1000x128xf32>
    %swap3A = arith.constant 0 : index
    %swap3A_22 = arith.constant 0 : index
    %swap3A_23 = vector.load %arg5[%swap3A, %swap3A_22] : memref<1000x128xf32, #tpu.memory_space<vmem>>, vector<1000x128xf32>
    tpu.vector_store %arg5[%swap3A, %swap3A_22], %mul3A_21 {strides = array<i32>} : memref<1000x128xf32, #tpu.memory_space<vmem>>, vector<1000x128xf32>,
    %broadcast_in_dim3A = vector.shape_cast %rsqrt3A : vector<1000x1xf32> to vector<1000x1xf32>
    %broadcast_in_dim3A_24 = vector.broadcast %broadcast_in_dim3A : vector<1000x1xf32> to vector<1000x128xf32>
    %swap3A_25 = arith.constant 0 : index
    %swap3A_26 = arith.constant 0 : index
    %swap3A_27 = vector.load %arg6[%swap3A_25, %swap3A_26] : memref<1000x128xf32, #tpu.memory_space<vmem>>, vector<1000x128xf32>
    tpu.vector_store %arg6[%swap3A_25, %swap3A_26], %broadcast_in_dim3A_24 {strides = array<i32>} : memref<1000x128xf32, #tpu.memory_space<vmem>>, vector<1000x128xf32>,
    return
  }
  func.func @transform_0(%arg0: i32) -> (i32, i32) {
    %c0_i32 = arith.constant 0 : i32
    %c0_i32_0 = arith.constant 0 : i32
    return %arg0, %c0_i32 : i32, i32
  }
  func.func @transform_1(%arg0: i32) -> (i32, i32) {
    %c0_i32 = arith.constant 0 : i32
    %c0_i32_0 = arith.constant 0 : i32
    %c0_i32_1 = arith.constant 0 : i32
    return %c0_i32, %c0_i32_0 : i32, i32
  }
  func.func @transform_2(%arg0: i32) -> (i32, i32, i32) {
    %c0_i32 = arith.constant 0 : i32
    %c0_i32_0 = arith.constant 0 : i32
    %c0_i32_1 = arith.constant 0 : i32
    return %c0_i32, %arg0, %c0_i32_0 : i32, i32, i32
  }
  func.func @transform_3(%arg0: i32) -> (i32, i32, i32) {
    %c1_i32 = arith.constant 1 : i32
    %c0_i32 = arith.constant 0 : i32
    %c0_i32_0 = arith.constant 0 : i32
    return %c1_i32, %arg0, %c0_i32 : i32, i32, i32
  }
  func.func @transform_4(%arg0: i32) -> (i32, i32) {
    %c0_i32 = arith.constant 0 : i32
    %c0_i32_0 = arith.constant 0 : i32
    return %arg0, %c0_i32 : i32, i32
  }
  func.func @transform_5(%arg0: i32) -> (i32, i32) {
    %c0_i32 = arith.constant 0 : i32
    %c0_i32_0 = arith.constant 0 : i32
    return %arg0, %c0_i32 : i32, i32
  }
}

module attributes {stable_mosaic.version = 14 : i64} {
  func.func @body(%arg0: i32, %arg1: memref<1x1000x128xf32, #tpu.memory_space<vmem>>, %arg2: memref<1x1000x128xf32, #tpu.memory_space<vmem>>, %arg3: memref<1000x128xf32, #tpu.memory_space<vmem>>, %arg4: memref<1000x128xf32, #tpu.memory_space<vmem>>, %arg5: memref<1x128xf32, #tpu.memory_space<vmem>>, %arg6: memref<128x128xf32, #tpu.memory_space<vmem>>, %arg7: memref<1000x128xf32, #tpu.memory_space<vmem>>) attributes {dimension_semantics = [#tpu.dimension_semantics<arbitrary>], iteration_bounds = array<i64: 10>, scalar_prefetch = 0 : i64, scratch_operands = 0 : i64, tpu.core_type = #tpu.core_type<tc>, window_params = [{transform_indices = @transform_0, window_bounds = array<i64: 1, 1000, 128>}, {transform_indices = @transform_1, window_bounds = array<i64: 1, 1000, 128>}, {transform_indices = @transform_2, window_bounds = array<i64: 1000, 128>}, {transform_indices = @transform_3, window_bounds = array<i64: 1000, 128>}, {pipeline_mode = #tpu.pipeline_mode<synchronous>, transform_indices = @transform_4, window_bounds = array<i64: 1, 128>}, {pipeline_mode = #tpu.pipeline_mode<synchronous>, transform_indices = @transform_5, window_bounds = array<i64: 128, 128>}, {transform_indices = @transform_6, window_bounds = array<i64: 1000, 128>}]} {
    %get3A = arith.constant 0 : index
    %get3A_0 = arith.constant 0 : index
    %get3A_1 = arith.constant 0 : index
    %get3A_2 = vector.load %arg1[%get3A, %get3A_0, %get3A_1] : memref<1x1000x128xf32, #tpu.memory_space<vmem>>, vector<1x1000x128xf32>
    %get3A_3 = vector.shape_cast %get3A_2 : vector<1x1000x128xf32> to vector<1000x128xf32>
    %get3A_4 = arith.constant 0 : index
    %get3A_5 = arith.constant 0 : index
    %get3A_6 = arith.constant 0 : index
    %get3A_7 = vector.load %arg2[%get3A_4, %get3A_5, %get3A_6] : memref<1x1000x128xf32, #tpu.memory_space<vmem>>, vector<1x1000x128xf32>
    %get3A_8 = vector.shape_cast %get3A_7 : vector<1x1000x128xf32> to vector<1000x128xf32>
    %add3A = arith.addf %get3A_3, %get3A_8 : vector<1000x128xf32>
    %get3A_9 = arith.constant 0 : index
    %get3A_10 = arith.constant 0 : index
    %get3A_11 = vector.load %arg3[%get3A_9, %get3A_10] : memref<1000x128xf32, #tpu.memory_space<vmem>>, vector<1000x128xf32>
    %add3A_12 = arith.addf %add3A, %get3A_11 : vector<1000x128xf32>
    %get3A_13 = arith.constant 0 : index
    %get3A_14 = arith.constant 0 : index
    %get3A_15 = vector.load %arg4[%get3A_13, %get3A_14] : memref<1000x128xf32, #tpu.memory_space<vmem>>, vector<1000x128xf32>
    %mul3A = arith.mulf %add3A_12, %get3A_15 : vector<1000x128xf32>
    %get3A_16 = arith.constant 0 : index
    %get3A_17 = arith.constant 0 : index
    %get3A_18 = vector.load %arg5[%get3A_16, %get3A_17] : memref<1x128xf32, #tpu.memory_space<vmem>>, vector<1x128xf32>
    %add3A_19 = vector.broadcast %get3A_18 : vector<1x128xf32> to vector<1000x128xf32>
    %add3A_20 = arith.addf %mul3A, %add3A_19 : vector<1000x128xf32>
    %max3A = arith.constant 0.000000e+00 : f32
    %max3A_21 = vector.broadcast %max3A : f32 to vector<1000x128xf32>
    %max3A_22 = arith.maximumf %add3A_20, %max3A_21 : vector<1000x128xf32>
    %get3A_23 = arith.constant 0 : index
    %get3A_24 = arith.constant 0 : index
    %get3A_25 = vector.load %arg6[%get3A_23, %get3A_24] : memref<128x128xf32, #tpu.memory_space<vmem>>, vector<128x128xf32>
    %dot_general3A = arith.constant dense<0.000000e+00> : vector<1000x128xf32>
    %dot_general3A_26 = tpu.matmul %max3A_22, %get3A_25, %dot_general3A {dimension_numbers = #tpu.dot_dimension_numbers<[1], [0], [0], [1], [0, 0, 1, 1], [], []>, transpose_lhs_hint = false} : vector<1000x128xf32>, vector<128x128xf32>, vector<1000x128xf32> -> vector<1000x128xf32>
    %get3A_27 = arith.constant 0 : index
    %get3A_28 = arith.constant 0 : index
    %get3A_29 = vector.load %arg4[%get3A_27, %get3A_28] : memref<1000x128xf32, #tpu.memory_space<vmem>>, vector<1000x128xf32>
    %mul3A_30 = arith.mulf %dot_general3A_26, %get3A_29 : vector<1000x128xf32>
    %swap3A = arith.constant 0 : index
    %swap3A_31 = arith.constant 0 : index
    %swap3A_32 = vector.load %arg7[%swap3A, %swap3A_31] : memref<1000x128xf32, #tpu.memory_space<vmem>>, vector<1000x128xf32>
    tpu.vector_store %arg7[%swap3A, %swap3A_31], %mul3A_30 {strides = array<i32>} : memref<1000x128xf32, #tpu.memory_space<vmem>>, vector<1000x128xf32>,
    return
  }
  func.func @transform_0(%arg0: i32) -> (i32, i32, i32) {
    %c0_i32 = arith.constant 0 : i32
    %c0_i32_0 = arith.constant 0 : i32
    %c0_i32_1 = arith.constant 0 : i32
    return %c0_i32, %arg0, %c0_i32_0 : i32, i32, i32
  }
  func.func @transform_1(%arg0: i32) -> (i32, i32, i32) {
    %c1_i32 = arith.constant 1 : i32
    %c0_i32 = arith.constant 0 : i32
    %c0_i32_0 = arith.constant 0 : i32
    return %c1_i32, %arg0, %c0_i32 : i32, i32, i32
  }
  func.func @transform_2(%arg0: i32) -> (i32, i32) {
    %c0_i32 = arith.constant 0 : i32
    %c0_i32_0 = arith.constant 0 : i32
    return %arg0, %c0_i32 : i32, i32
  }
  func.func @transform_3(%arg0: i32) -> (i32, i32) {
    %c0_i32 = arith.constant 0 : i32
    %c0_i32_0 = arith.constant 0 : i32
    return %arg0, %c0_i32 : i32, i32
  }
  func.func @transform_4(%arg0: i32) -> (i32, i32) {
    %c0_i32 = arith.constant 0 : i32
    %c0_i32_0 = arith.constant 0 : i32
    %c0_i32_1 = arith.constant 0 : i32
    return %c0_i32, %c0_i32_0 : i32, i32
  }
  func.func @transform_5(%arg0: i32) -> (i32, i32) {
    %c0_i32 = arith.constant 0 : i32
    %c0_i32_0 = arith.constant 0 : i32
    %c0_i32_1 = arith.constant 0 : i32
    return %c0_i32, %c0_i32_0 : i32, i32
  }
  func.func @transform_6(%arg0: i32) -> (i32, i32) {
    %c0_i32 = arith.constant 0 : i32
    %c0_i32_0 = arith.constant 0 : i32
    return %arg0, %c0_i32 : i32, i32
  }
}

module attributes {stable_mosaic.version = 14 : i64} {
  func.func @body(%arg0: i32, %arg1: memref<1x1000x128xf32, #tpu.memory_space<vmem>>, %arg2: memref<1x1000x128xf32, #tpu.memory_space<vmem>>, %arg3: memref<1000x128xf32, #tpu.memory_space<vmem>>, %arg4: memref<1000x128xf32, #tpu.memory_space<vmem>>, %arg5: memref<1x128xf32, #tpu.memory_space<vmem>>, %arg6: memref<1x1x1000xi32, #tpu.memory_space<vmem>>, %arg7: memref<128x1xf32, #tpu.memory_space<vmem>>, %arg8: memref<1x1xf32, #tpu.memory_space<vmem>>, %arg9: memref<64x1xf32, #tpu.memory_space<vmem>>, %arg10: memref<64x128xf32, #tpu.memory_space<vmem>>) attributes {dimension_semantics = [#tpu.dimension_semantics<arbitrary>], iteration_bounds = array<i64: 10>, scalar_prefetch = 0 : i64, scratch_operands = 1 : i64, tpu.core_type = #tpu.core_type<tc>, window_params = [{transform_indices = @transform_0, window_bounds = array<i64: 1, 1000, 128>}, {transform_indices = @transform_1, window_bounds = array<i64: 1, 1000, 128>}, {transform_indices = @transform_2, window_bounds = array<i64: 1000, 128>}, {transform_indices = @transform_3, window_bounds = array<i64: 1000, 128>}, {pipeline_mode = #tpu.pipeline_mode<synchronous>, transform_indices = @transform_4, window_bounds = array<i64: 1, 128>}, {transform_indices = @transform_5, window_bounds = array<i64: 1, 1, 1000>}, {pipeline_mode = #tpu.pipeline_mode<synchronous>, transform_indices = @transform_6, window_bounds = array<i64: 128, 1>}, {pipeline_mode = #tpu.pipeline_mode<synchronous>, transform_indices = @transform_7, window_bounds = array<i64: 1, 1>}, {pipeline_mode = #tpu.pipeline_mode<synchronous>, transform_indices = @transform_8, window_bounds = array<i64: 64, 1>}]} {
    %get3A = arith.constant 0 : index
    %get3A_0 = arith.constant 0 : index
    %get3A_1 = arith.constant 0 : index
    %get3A_2 = vector.load %arg1[%get3A, %get3A_0, %get3A_1] : memref<1x1000x128xf32, #tpu.memory_space<vmem>>, vector<1x1000x128xf32>
    %get3A_3 = vector.shape_cast %get3A_2 : vector<1x1000x128xf32> to vector<1000x128xf32>
    %get3A_4 = arith.constant 0 : index
    %get3A_5 = arith.constant 0 : index
    %get3A_6 = arith.constant 0 : index
    %get3A_7 = vector.load %arg2[%get3A_4, %get3A_5, %get3A_6] : memref<1x1000x128xf32, #tpu.memory_space<vmem>>, vector<1x1000x128xf32>
    %get3A_8 = vector.shape_cast %get3A_7 : vector<1x1000x128xf32> to vector<1000x128xf32>
    %add3A = arith.addf %get3A_3, %get3A_8 : vector<1000x128xf32>
    %get3A_9 = arith.constant 0 : index
    %get3A_10 = arith.constant 0 : index
    %get3A_11 = vector.load %arg3[%get3A_9, %get3A_10] : memref<1000x128xf32, #tpu.memory_space<vmem>>, vector<1000x128xf32>
    %add3A_12 = arith.addf %add3A, %get3A_11 : vector<1000x128xf32>
    %get3A_13 = arith.constant 0 : index
    %get3A_14 = arith.constant 0 : index
    %get3A_15 = vector.load %arg4[%get3A_13, %get3A_14] : memref<1000x128xf32, #tpu.memory_space<vmem>>, vector<1000x128xf32>
    %mul3A = arith.mulf %add3A_12, %get3A_15 : vector<1000x128xf32>
    %get3A_16 = arith.constant 0 : index
    %get3A_17 = arith.constant 0 : index
    %get3A_18 = vector.load %arg5[%get3A_16, %get3A_17] : memref<1x128xf32, #tpu.memory_space<vmem>>, vector<1x128xf32>
    %add3A_19 = vector.broadcast %get3A_18 : vector<1x128xf32> to vector<1000x128xf32>
    %add3A_20 = arith.addf %mul3A, %add3A_19 : vector<1000x128xf32>
    %get3A_21 = arith.constant 0 : index
    %get3A_22 = arith.constant 0 : index
    %get3A_23 = arith.constant 0 : index
    %get3A_24 = vector.load %arg6[%get3A_21, %get3A_22, %get3A_23] : memref<1x1x1000xi32, #tpu.memory_space<vmem>>, vector<1x1x1000xi32>
    %get3A_25 = vector.shape_cast %get3A_24 : vector<1x1x1000xi32> to vector<1x1000xi32>
    %broadcast_in_dim3A = vector.shape_cast %get3A_25 : vector<1x1000xi32> to vector<1x1000xi32>
    %broadcast_in_dim3A_26 = vector.broadcast %broadcast_in_dim3A : vector<1x1000xi32> to vector<64x1000xi32>
    %iota3A = tpu.iota {dimensions = array<i32: 0>} : vector<64x1000xi32>
    %eq3A = arith.cmpi eq, %iota3A, %broadcast_in_dim3A_26 : vector<64x1000xi32>
    %convert_element_type3A = arith.extui %eq3A : vector<64x1000xi1> to vector<64x1000xi32>
    %convert_element_type3A_27 = arith.sitofp %convert_element_type3A : vector<64x1000xi32> to vector<64x1000xf32>
    %dot_general3A = arith.constant dense<0.000000e+00> : vector<64x128xf32>
    %dot_general3A_28 = tpu.matmul %convert_element_type3A_27, %add3A_20, %dot_general3A {dimension_numbers = #tpu.dot_dimension_numbers<[1], [0], [0], [1], [0, 0, 1, 1], [], []>, precision = #tpu.contract_precision<fp32>, transpose_lhs_hint = false} : vector<64x1000xf32>, vector<1000x128xf32>, vector<64x128xf32> -> vector<64x128xf32>
    %eq3A_29 = arith.constant 0 : i32
    %eq3A_30 = arith.cmpi eq, %arg0, %eq3A_29 : i32
    %convert_element_type3A_31 = arith.extui %eq3A_30 : i1 to i32
    %cond3A = arith.constant 0 : i32
    %cond3A_32 = arith.cmpi ne, %convert_element_type3A_31, %cond3A : i32
    scf.if %cond3A_32 {
      %swap3A = arith.constant 0 : index
      %swap3A_42 = arith.constant 0 : index
      %swap3A_43 = vector.load %arg10[%swap3A, %swap3A_42] : memref<64x128xf32, #tpu.memory_space<vmem>>, vector<64x128xf32>
      tpu.vector_store %arg10[%swap3A, %swap3A_42], %dot_general3A_28 {strides = array<i32>} : memref<64x128xf32, #tpu.memory_space<vmem>>, vector<64x128xf32>,
    } else {
    }
    %gt3A = arith.constant 0 : i32
    %gt3A_33 = arith.cmpi sgt, %arg0, %gt3A : i32
    %convert_element_type3A_34 = arith.extui %gt3A_33 : i1 to i32
    %cond3A_35 = arith.constant 0 : i32
    %cond3A_36 = arith.cmpi ne, %convert_element_type3A_34, %cond3A_35 : i32
    scf.if %cond3A_36 {
      %get3A_42 = arith.constant 0 : index
      %get3A_43 = arith.constant 0 : index
      %get3A_44 = vector.load %arg10[%get3A_42, %get3A_43] : memref<64x128xf32, #tpu.memory_space<vmem>>, vector<64x128xf32>
      %add3A_45 = arith.addf %get3A_44, %dot_general3A_28 : vector<64x128xf32>
      %swap3A = arith.constant 0 : index
      %swap3A_46 = arith.constant 0 : index
      %swap3A_47 = vector.load %arg10[%swap3A, %swap3A_46] : memref<64x128xf32, #tpu.memory_space<vmem>>, vector<64x128xf32>
      tpu.vector_store %arg10[%swap3A, %swap3A_46], %add3A_45 {strides = array<i32>} : memref<64x128xf32, #tpu.memory_space<vmem>>, vector<64x128xf32>,
    } else {
    }
    %eq3A_37 = arith.constant 9 : i32
    %eq3A_38 = arith.cmpi eq, %arg0, %eq3A_37 : i32
    %convert_element_type3A_39 = arith.extui %eq3A_38 : i1 to i32
    %cond3A_40 = arith.constant 0 : i32
    %cond3A_41 = arith.cmpi ne, %convert_element_type3A_39, %cond3A_40 : i32
    scf.if %cond3A_41 {
      %get3A_42 = arith.constant 0 : index
      %get3A_43 = arith.constant 0 : index
      %get3A_44 = vector.load %arg10[%get3A_42, %get3A_43] : memref<64x128xf32, #tpu.memory_space<vmem>>, vector<64x128xf32>
      %get3A_45 = arith.constant 0 : index
      %get3A_46 = arith.constant 0 : index
      %get3A_47 = vector.load %arg7[%get3A_45, %get3A_46] : memref<128x1xf32, #tpu.memory_space<vmem>>, vector<128x1xf32>
      %dot_general3A_48 = arith.constant dense<0.000000e+00> : vector<64x1xf32>
      %dot_general3A_49 = tpu.matmul %get3A_44, %get3A_47, %dot_general3A_48 {dimension_numbers = #tpu.dot_dimension_numbers<[1], [0], [0], [1], [0, 0, 1, 1], [], []>, transpose_lhs_hint = false} : vector<64x128xf32>, vector<128x1xf32>, vector<64x1xf32> -> vector<64x1xf32>
      %get3A_50 = arith.constant 0 : index
      %get3A_51 = arith.constant 0 : index
      %get3A_52 = vector.load %arg8[%get3A_50, %get3A_51] : memref<1x1xf32, #tpu.memory_space<vmem>>, vector<1x1xf32>
      %add3A_53 = vector.broadcast %get3A_52 : vector<1x1xf32> to vector<64x1xf32>
      %add3A_54 = arith.addf %dot_general3A_49, %add3A_53 : vector<64x1xf32>
      %swap3A = arith.constant 0 : index
      %swap3A_55 = arith.constant 0 : index
      %swap3A_56 = vector.load %arg9[%swap3A, %swap3A_55] : memref<64x1xf32, #tpu.memory_space<vmem>>, vector<64x1xf32>
      tpu.vector_store %arg9[%swap3A, %swap3A_55], %add3A_54 {strides = array<i32>} : memref<64x1xf32, #tpu.memory_space<vmem>>, vector<64x1xf32>,
    } else {
    }
    return
  }
  func.func @transform_0(%arg0: i32) -> (i32, i32, i32) {
    %c0_i32 = arith.constant 0 : i32
    %c0_i32_0 = arith.constant 0 : i32
    %c0_i32_1 = arith.constant 0 : i32
    return %c0_i32, %arg0, %c0_i32_0 : i32, i32, i32
  }
  func.func @transform_1(%arg0: i32) -> (i32, i32, i32) {
    %c1_i32 = arith.constant 1 : i32
    %c0_i32 = arith.constant 0 : i32
    %c0_i32_0 = arith.constant 0 : i32
    return %c1_i32, %arg0, %c0_i32 : i32, i32, i32
  }
  func.func @transform_2(%arg0: i32) -> (i32, i32) {
    %c0_i32 = arith.constant 0 : i32
    %c0_i32_0 = arith.constant 0 : i32
    return %arg0, %c0_i32 : i32, i32
  }
  func.func @transform_3(%arg0: i32) -> (i32, i32) {
    %c0_i32 = arith.constant 0 : i32
    %c0_i32_0 = arith.constant 0 : i32
    return %arg0, %c0_i32 : i32, i32
  }
  func.func @transform_4(%arg0: i32) -> (i32, i32) {
    %c0_i32 = arith.constant 0 : i32
    %c0_i32_0 = arith.constant 0 : i32
    %c0_i32_1 = arith.constant 0 : i32
    return %c0_i32, %c0_i32_0 : i32, i32
  }
  func.func @transform_5(%arg0: i32) -> (i32, i32, i32) {
    %c0_i32 = arith.constant 0 : i32
    %c0_i32_0 = arith.constant 0 : i32
    %c0_i32_1 = arith.constant 0 : i32
    return %arg0, %c0_i32, %c0_i32_0 : i32, i32, i32
  }
  func.func @transform_6(%arg0: i32) -> (i32, i32) {
    %c0_i32 = arith.constant 0 : i32
    %c0_i32_0 = arith.constant 0 : i32
    %c0_i32_1 = arith.constant 0 : i32
    return %c0_i32, %c0_i32_0 : i32, i32
  }
  func.func @transform_7(%arg0: i32) -> (i32, i32) {
    %c0_i32 = arith.constant 0 : i32
    %c0_i32_0 = arith.constant 0 : i32
    %c0_i32_1 = arith.constant 0 : i32
    return %c0_i32, %c0_i32_0 : i32, i32
  }
  func.func @transform_8(%arg0: i32) -> (i32, i32) {
    %c0_i32 = arith.constant 0 : i32
    %c0_i32_0 = arith.constant 0 : i32
    %c0_i32_1 = arith.constant 0 : i32
    return %c0_i32, %c0_i32_0 : i32, i32
  }
}

</mosaic_0001>

<sc_bundles>
// kernel: kernel.12.cloned.1.call-start
scs
__scs_entry_jumppad:
0x0: {  	(pc) =	sbr.rel $0x88, $3  }
0x1: {  	(tag) =	ssettag $0x0;
	lr =	simm.s32 $0x1  }
0x2: {  	[smem:$0x3F94] =	sst lr;
	_ =	strace $0xD0000000  }
0x3: {  	_ = 	snop  }
0x4: {  	_ = 	snop  }
0x5: {  	_ = 	snop  }
0x6: {  	_ = 	snop  }
0x7: {  	_ = 	snop  }
__scs_overlays_trampoline_lowered:
0x8: {  	[smem:$0x3FA3] =	sst s0  }
0x9: {  	[smem:$0x3FA4] =	sst s1  }
0xa: {  	[smem:$0x3FA5] =	sst s2  }
0xb: {  	[smem:$0x3FA6] =	sst s3  }
0xc: {  	[smem:$0x3FA7] =	sst s4  }
0xd: {  	[smem:$0x3FA8] =	sst s5  }
0xe: {  	[smem:$0x3FA9] =	sst s6  }
0xf: {  	[smem:$0x3FAA] =	sst s7  }
0x10: {  	[smem:$0x3FAB] =	sst s8  }
0x11: {  	[smem:$0x3FAC] =	sst s9;
	s0 =	simm.s32 @!p0 $0x0  }
0x12: {  	s1 =	sld [smem:$0x3F92];
	s0 =	simm.s32 @p0 $0x1  }
0x13: {  	[smem:$0x3FAD] =	sst s0;
	s0 =	simm.s32 @!p1 $0x0  }
0x14: {  	s2 =	sld [smem:$0x3F91];
	s0 =	simm.s32 @p1 $0x1  }
0x15: {  	[smem:$0x3FAE] =	sst s0;
	s0 =	simm.s32 @!p2 $0x0  }
0x16: {  	s3 =	sld [smem:$0x3FDB];
	s0 =	simm.s32 @p2 $0x1  }
0x17: {  	s4 =	simm.s32 $0x1BF5;
	[smem:$0x3FB0] =	sst s0  }
0x18: {  	s0 =	sld [smem:$0x3F93];
	_ =	swait.ge [sflag:s4], $0x0  }
0x19: {  	s7 =	sld [smem:$0x3F94]  }
0x1a: {  	s8 =	sadd.s32 $0xFFFFE003, lr  }
0x1b: {  	s9 =	sadd.s32 $0xFFFFFEF7, lr;
	s5 =	simm.s32 $0xFFFFFFFF;
	p2 =	slt.u32 s8, $0xFFFFF086  }
0x1c: {  	p1 =	slt.u32 s9, $0xF7A;
	s5 =	simm.s32 @!p2 $0x0  }
0x1d: {  	s5 =	simm.s32 @p1 $0x1;
	p0 =	seq.s32 s7, s2  }
0x1e: {  	s7 =	smul.u32 @!p0 $0xF7A, s2;
	p2 =	seq.s32 @!p0 s5, $0x0  }
0x1f: {  	s9 =	smul.u32 $0xF7A, s1;
	s8 =	simm.s32 @!p0 $0x1BF5;
	p2 =	por !p2, p0  }
0x20: {  	[sflag:s8] =	ssyncset.s32 @!p0 $0xFFFFF086;
	s6 =	sadd.s32 @!p0 s3, s7;
	s7 =	simm.s32 @!p0 $0x108  }
0x21: {  	s3 =	sadd.s32 s3, s9;
	s6 =	sadd.s32 @!p0 $0x88, s6;
	s7 =	simm.s32 @p2 $0x1082  }
0x22: {  	[simem:s7], [sflag:s8] =	dma.local @!p0 [hbm:s6], $0xF7A  }
0x23: {  	s9 =	sor.u32 $0xD0000000, s2;
	s6 =	simm.s32 $0x108;
	_ =	swait.ge @!p0 [sflag:s8], $0x0  }
0x24: {  	s3 =	sadd.s32 $0x88, s3;
	s6 =	simm.s32 @!p1 $0x1082;
	[sflag:s4] =	ssyncset.s32 $0xFFFFF086  }
0x25: {  	[simem:s6], [sflag:s4] =	dma.local [hbm:s3], $0xF7A  }
0x26: {  	[smem:$0x3F94] =	sst s1;
	(tag) =	ssettag s2;
	_ =	strace s9  }
0x27: {  	s1 =	sld [smem:$0x3FA4]  }
0x28: {  	s2 =	sld [smem:$0x3FA5]  }
0x29: {  	s4 =	sld [smem:$0x3FA7]  }
0x2a: {  	p0 =	seq.s32 s5, $0x0;
	s5 =	sld [smem:$0x3FA8]  }
0x2b: {  	s6 =	sld [smem:$0x3FA9]  }
0x2c: {  	s7 =	sld [smem:$0x3FAA]  }
0x2d: {  	s3 =	simm.s32 $0x108;
	s8 =	sld [smem:$0x3FAB]  }
0x2e: {  	s3 =	simm.s32 @!p0 $0x1082;
	s9 =	sld [smem:$0x3FAC]  }
0x2f: {  	lr =	sadd.s32 s0, s3;
	s0 =	sld [smem:$0x3FA3]  }
0x30: {  	s3 =	sld [smem:$0x3FA6]  }
0x31: {  	[smem:$0x3FAF] =	sst s10  }
0x32: {  	s10 =	sld [smem:$0x3FAD];
	_ =	sdelay $0x3  }
0x33: {  	p0 =	seq.s32 s10, $0x1;
	s10 =	sld [smem:$0x3FAF];
	_ =	sdelay $0x3  }
0x34: {  	[smem:$0x3FAF] =	sst s10  }
0x35: {  	s10 =	sld [smem:$0x3FAE];
	_ =	sdelay $0x3  }
0x36: {  	p1 =	seq.s32 s10, $0x1;
	s10 =	sld [smem:$0x3FAF];
	_ =	sdelay $0x3  }
0x37: {  	[smem:$0x3FAF] =	sst s10  }
0x38: {  	s10 =	sld [smem:$0x3FB0]  }
0x39: {  	_ = 	snop;
	(pc) =	sbr.ind lr, $3  }
0x3a: {  	_ = 	snop  }
0x3b: {  	_ = 	snop  }
0x3c: {  	p2 =	seq.s32 s10, $0x1;
	s10 =	sld [smem:$0x3FAF]  }
0x3d: {  	_ =	shalt  }
0x3e: {  	_ =	shalt  }
0x3f: {  	_ =	shalt  }
0x40: {  	_ =	shalt  }
0x41: {  	_ =	shalt  }
0x42: {  	_ =	shalt  }
0x43: {  	_ =	shalt  }
0x44: {  	_ =	shalt  }
0x45: {  	_ =	shalt  }
0x46: {  	_ =	shalt  }
0x47: {  	_ =	shalt  }
0x48: {  	_ =	shalt  }
0x49: {  	_ =	shalt  }
0x4a: {  	_ =	shalt  }
0x4b: {  	_ =	shalt  }
0x4c: {  	_ =	shalt  }
0x4d: {  	_ =	shalt  }
0x4e: {  	_ =	shalt  }
0x4f: {  	_ =	shalt  }
0x50: {  	_ =	shalt  }
0x51: {  	_ =	shalt  }
0x52: {  	_ =	shalt  }
0x53: {  	_ =	shalt  }
0x54: {  	_ =	shalt  }
0x55: {  	_ =	shalt  }
0x56: {  	_ =	shalt  }
0x57: {  	_ =	shalt  }
0x58: {  	_ =	shalt  }
0x59: {  	_ =	shalt  }
0x5a: {  	_ =	shalt  }
0x5b: {  	_ =	shalt  }
0x5c: {  	_ =	shalt  }
0x5d: {  	_ =	shalt  }
0x5e: {  	_ =	shalt  }
0x5f: {  	_ =	shalt  }
0x60: {  	_ =	shalt  }
0x61: {  	_ =	shalt  }
0x62: {  	_ =	shalt  }
0x63: {  	_ =	shalt  }
0x64: {  	_ =	shalt  }
0x65: {  	_ =	shalt  }
0x66: {  	_ =	shalt  }
0x67: {  	_ =	shalt  }
0x68: {  	_ =	shalt  }
0x69: {  	_ =	shalt  }
0x6a: {  	_ =	shalt  }
0x6b: {  	_ =	shalt  }
0x6c: {  	_ =	shalt  }
0x6d: {  	_ =	shalt  }
0x6e: {  	_ =	shalt  }
0x6f: {  	_ =	shalt  }
0x70: {  	_ =	shalt  }
0x71: {  	_ =	shalt  }
0x72: {  	_ =	shalt  }
0x73: {  	_ =	shalt  }
0x74: {  	_ =	shalt  }
0x75: {  	_ =	shalt  }
0x76: {  	_ =	shalt  }
0x77: {  	_ =	shalt  }
0x78: {  	_ =	shalt  }
0x79: {  	_ =	shalt  }
0x7a: {  	_ =	shalt  }
0x7b: {  	_ =	shalt  }
0x7c: {  	_ =	shalt  }
0x7d: {  	_ =	shalt  }
0x7e: {  	_ =	shalt  }
0x7f: {  	_ =	shalt  }
0x80: {  	_ =	shalt  }
0x81: {  	_ =	shalt  }
0x82: {  	_ =	shalt  }
0x83: {  	_ =	shalt  }
0x84: {  	_ =	shalt  }
0x85: {  	_ =	shalt  }
0x86: {  	_ =	shalt  }
0x87: {  	_ =	shalt  }
.Lfunc_end0:
.L_simem_size_0:
called_computation_lowered:
.L_overlay_start_0:
0x88: {  	s2 =	sld [smem:$0x3FD9]  }
0x89: {  	s3 =	sld [smem:$0x3FFE];
	_ =	sdelay $0x1  }
0x8a: {  	s1 =	srdreg.scid  }
0x8b: {  	s0 =	sand.u32 $0x1, s1  }
0x8c: {  	s16 =	sshll.u32 s0, $0xA;
	s2 =	sadd.s32 s3, s2  }
0x8d: {  	s2 =	sadd.s32 s2, s16  }
0x8e: {  	[smem:$0x3FBB] =	sst s2  }
0x8f: {  	_ = 	snop  }
0x90: {  	(tm) =	ssettm $0x1  }
0x91: {  	s17 =	sld [smem:$0x3FFB];
	_ =	sdelay $0x3  }
0x92: {  	_ =	strace s17  }
0x93: {  	s2 =	sld [smem:$0x3FFC];
	_ =	sdelay $0x3  }
0x94: {  	_ =	strace s2  }
0x95: {  	s2 =	sld [smem:$0x3FFD];
	_ =	sdelay $0x3  }
0x96: {  	_ =	strace s2  }
0x97: {  	_ =	strace $0x8FFFFFFF  }
0x98: {  	s18 =	sld [smem:$0x3FDB];
	_ =	sdelay $0x1  }
0x99: {  	s19 =	simm.s32 $_scs_section_size  }
0x9a: {  	s4 =	simm.s32 $_size__tile_overlayer_lowered;
	s5 =	simm.s32 $_tile_overlayer_lowered  }
0x9b: {  	s22 =	simm.s32 $0x1BFF;
	s21 =	sshll.u32 s5, $0x1;
	s2 =	sadd.s32 s19, s18  }
0x9c: {  	s6 =	simm.s32 $0x0;
	s20 =	sshll.u32 s4, $0x1;
	s4 =	sadd.s32 s21, s2  }
0x9d: {  	[timem:s6], [sflag:s22] =	dma.local [hbm:s4], s20  }
0x9e: {  	_ =	swait.ge [sflag:s22], s20  }
0x9f: {  	s3 =	ssub.s32 $0x0, s20;
	[sflag:s22] =	ssyncset.done $0x0  }
0xa0: {  	[sflag:s22] =	ssyncadd.s32 s3;
	_ =	sdelay $0x1  }
0xa1: {  	s23 =	simm.s32 $0x1B8B  }
0xa2: {  	_ =	swait.ge [sflag:s23], $0x1  }
0xa3: {  	[sflag:s23] =	ssyncset.done $0x0  }
0xa4: {  	s25 =	simm.s32 $0x1B8E;
	s24 =	sld [smem:$0x3FFE];
	[sflag:s23] =	ssyncadd.s32 $0xFFFFFFFF  }
0xa5: {  	s26 =	simm.s32 $execute0_lowered;
	[smem:$0x3FD2] =	sst s25  }
0xa6: {  	s4 =	sshll.u32 s26, $0x1;
	_ =	strace $0x80000046;
	[dreg:$0x1] =	wrdreg $0xFFFFFFFF  }
0xa7: {  	s28 =	simm.s32 $_size_execute0_lowered;
	s2 =	sadd.s32 s2, s4;
	[dreg:$0x0] =	wrdreg $0x0  }
0xa8: {  	s4 =	sshll.u32 s28, $0x1;
	[dreg:$0x2] =	wrdreg s2  }
0xa9: {  	[dreg:$0x3] =	wrdreg s4  }
0xaa: {  	[dreg:$0x4] =	wrdreg $0xC0  }
0xab: {  	_ =	task [dreg:s6], $0x5FFFF  }
0xac: {  	[dreg:$0x1] =	wrdreg $0xFFFFFFFF  }
0xad: {  	[dreg:$0x0] =	wrdreg $0x60  }
0xae: {  	[dreg:$0x2] =	wrdreg s24  }
0xaf: {  	[dreg:$0x3] =	wrdreg $0x16C800  }
0xb0: {  	[dreg:$0x4] =	wrdreg $0x9  }
0xb1: {  	_ =	task.clear_ibuf [dreg:s6], $0x5FFFF;
	_ =	strace $0x90000046  }
0xb2: {  	s29 =	simm.s32 $0x9;
	_ =	strace $0x80000048  }
0xb3: {  	_ =	swait.ge [sflag:s29], $0x1  }
0xb4: {  	[sflag:s29] =	ssyncadd.s32 $0xFFFFFFFF  }
0xb5: {  	_ =	strace $0x90000048  }
0xb6: {  	_ =	sfence  }
0xb7: {  	s30 =	sld [smem:$0x0];
	_ =	sdelay $0x2  }
0xb8: {  	s31 =	sshll.u32 s1, $0xD;
	s1 =	sshrl.u32 s1, $0x2  }
0xb9: {  	s3 =	sand.u32 $0x4000, s31;
	s1 =	sadd.s32 s1, s30  }
0xba: {  	s0 =	sor.u32 s3, s0;
	s1 =	sshll.u32 s1, $0x11  }
0xbb: {  	s0 =	sor.u32 s1, s0  }
0xbc: {  	s0 =	sadd.s32 $0x8F2B, s0  }
0xbd: {  	[sflag:s0] =	ssyncadd.remote.s32 $0x1  }
0xbe: {  	_ =	sfence.sel $0xFFFF  }
0xbf: {  	[dreg:$0x0] =	wrdreg $0xFFFFFFFF;
	(pc) =	sbr.abs _section_cstart, $3  }
0xc0: {  	[dreg:$0x1] =	wrdreg $0xFFFFFFFF  }
0xc1: {  	_ =	task.clear_ibuf [dreg:s6], $0x2FFFF;
	_ =	strace $0x9FFFFFFF  }
0xc2: {  	(tm) =	ssettm $0x7FFFFFFF  }
0xc3: {  	_ =	shalt  }
tec
execute0_lowered:
.L_overlay_start_1:
0x0: {  	(tag) =	ssettag $0x1  }
0x1: {  	s4 =	rddreg [dreg:$0x0]  }
0x2: {  	s0 =	srdreg.scid;
	s2 =	rddreg [dreg:$0x1]  }
0x3: {  	s1 =	stileid.u32;
	s3 =	simm.s32 $0x0;
	s12 =	simm.s32 $0x400  }
0x4: {  	s13 =	simm.s32 $0x16780;
	s5 =	sand.u32 $0x1, s0;
	s0 =	rddreg [dreg:$0x2]  }
0x5: {  	s14 =	simm.s32 $0x16A00;
	s17 =	simm.s32 $0x0;
	[smem:$0x7FF] =	sst s3  }
0x6: {  	s8 =	sshrl.u32 s1, $0x3;
	s10 =	sshll.u32 s1, $0x7;
	s16 =	smul.u32 $0xA0, s1  }
0x7: {  	s6 =	sshll.u32 s5, $0x4;
	_ =	strace $0x80000047;
	s5 =	ssub.s32 $0x2, s5  }
0x8: {  	s8 =	smul.u32 $0x50000, s8;
	s31 =	sand.u32 $0x380, s10;
	s10 =	simm.s32 $0x2780  }
0x9: {  	s7 =	sor.u32 s1, s6;
	s9 =	sadd.s32 s6, s4;
	s30 =	sshrl.u32 s5, $0x1  }
0xa: {  	s7 =	smul.u32 $0x4E2, s7;
	s8 =	sshrl.u32 s8, $0x2;
	s11 =	ssub.s32 s5, s30  }
0xb: {  	s15 =	sadd.s32 $0x17800, s9;
	s9 =	simm.s32 $0x1;
	s8 =	sadd.s32 s8, s2  }
0xc: {  	v1 =	vlaneseq.u32;
	s15 =	sadd.s32 s16, s15;
	s7 =	sadd.s32 s7, s4;
	s4 =	smul.u32 $0x1400, s1  }
0xd: {  	v0 =	vimm.f32 $0.0e+00;
	v1 =	vand.u32 $0x7, v1;
	s16 =	simm.s32 $0x100;
	s6 =	sadd.s32 s31, s8;
	s8 =	smax.u32 s11, $0x1  }
0xe: {  	v2 =	vimm.f32 $1.000000000e+00;
	vm0 =	vcmask $0x3F20;
	v1 =	vmul.u32 $0x80, v1;
	s11 =	simm.s32 $0x80;
	s5 =	sadd.s32 $0xDA00, s7;
	s7 =	sadd.s32 s4, s2  }
.LBB2_1:
0xf: {  	s18 =	sand.u32 $0x70, s3;
	s19 =	sand.u32 $0x1FC00, s3  }
0x10: {  	s18 =	sor.u32 s18, s19  }
0x11: {  	s20 =	simm.s32 $0x0;
	s19 =	simm.s32 $0x10;
	[tilespmem:s18+$0x2780] =	vst v0  }
.LBB2_2:
0x12: {  	p0 =	sne.s32 s19, $0x27F0  }
.Ltmp0:
0x13: {  	_ = 	snop;
	(pc) =	sbr.rel @p0 .LBB2_2-.Ltmp0, $4  }
0x14: {  	s20 =	sadd.s32 $0x80, s20  }
0x15: {  	s18 =	sand.u32 $0x70, s19;
	s21 =	sand.u32 $0x1FC00, s20  }
0x16: {  	s18 =	sor.u32 s18, s21  }
0x17: {  	s19 =	sadd.s32 $0x10, s19;
	[tilespmem:s18+$0x2780] =	vst v0;
	s18 =	simm.s32 $0x0  }
0x18: {  	s19 =	sand.u32 $0x70, s18;
	s20 =	sand.u32 $0x1FC00, s18  }
0x19: {  	s19 =	sor.u32 s19, s20  }
0x1a: {  	s21 =	simm.s32 $0x0;
	s20 =	simm.s32 $0x10;
	[tilespmem:s19+$0x2800] =	vst v0  }
.LBB2_4:
0x1b: {  	p0 =	sne.s32 s20, $0x27F0  }
.Ltmp1:
0x1c: {  	_ = 	snop;
	(pc) =	sbr.rel @p0 .LBB2_4-.Ltmp1, $4  }
0x1d: {  	s21 =	sadd.s32 $0x80, s21  }
0x1e: {  	s22 =	sand.u32 $0x70, s20;
	s23 =	sand.u32 $0x1FC00, s21  }
0x1f: {  	s22 =	sor.u32 s22, s23  }
0x20: {  	s20 =	sadd.s32 $0x10, s20;
	[tilespmem:s22+$0x2800] =	vst v0  }
0x21: {  	s20 =	simm.s32 $0x10;
	[tilespmem:s19+$0x2880] =	vst v0  }
.LBB2_6:
0x22: {  	p0 =	sne.s32 s20, $0x27F0  }
.Ltmp2:
0x23: {  	_ = 	snop;
	(pc) =	sbr.rel @p0 .LBB2_6-.Ltmp2, $4  }
0x24: {  	s18 =	sadd.s32 $0x80, s18  }
0x25: {  	s19 =	sand.u32 $0x70, s20;
	s21 =	sand.u32 $0x1FC00, s18  }
0x26: {  	s19 =	sor.u32 s19, s21  }
0x27: {  	s20 =	sadd.s32 $0x10, s20;
	[tilespmem:s19+$0x2880] =	vst v0;
	s19 =	simm.s32 $0x0  }
0x28: {  	s18 =	sand.u32 $0x70, s19;
	s20 =	sand.u32 $0x1FC00, s19  }
0x29: {  	s18 =	sor.u32 s18, s20  }
0x2a: {  	s21 =	simm.s32 $0x0;
	s20 =	simm.s32 $0x10;
	[tilespmem:s18+$0x2900] =	vst v0  }
.LBB2_8:
0x2b: {  	p0 =	sne.s32 s20, $0x27F0  }
.Ltmp3:
0x2c: {  	_ = 	snop;
	(pc) =	sbr.rel @p0 .LBB2_8-.Ltmp3, $4  }
0x2d: {  	s21 =	sadd.s32 $0x80, s21  }
0x2e: {  	s22 =	sand.u32 $0x70, s20;
	s23 =	sand.u32 $0x1FC00, s21  }
0x2f: {  	s22 =	sor.u32 s22, s23  }
0x30: {  	s20 =	sadd.s32 $0x10, s20;
	[tilespmem:s22+$0x2900] =	vst v0  }
0x31: {  	s20 =	simm.s32 $0x10;
	[tilespmem:s18+$0x2980] =	vst v0  }
.LBB2_10:
0x32: {  	p0 =	sne.s32 s20, $0x27F0  }
.Ltmp4:
0x33: {  	_ = 	snop;
	(pc) =	sbr.rel @p0 .LBB2_10-.Ltmp4, $4  }
0x34: {  	s19 =	sadd.s32 $0x80, s19  }
0x35: {  	s18 =	sand.u32 $0x70, s20;
	s21 =	sand.u32 $0x1FC00, s19  }
0x36: {  	s18 =	sor.u32 s18, s21  }
0x37: {  	s20 =	sadd.s32 $0x10, s20;
	[tilespmem:s18+$0x2980] =	vst v0;
	s18 =	simm.s32 $0x0  }
0x38: {  	s19 =	sand.u32 $0x70, s18;
	s20 =	sand.u32 $0x1FC00, s18  }
0x39: {  	s20 =	sor.u32 s19, s20  }
0x3a: {  	s19 =	simm.s32 $0x10;
	[tilespmem:s20+$0x2A00] =	vst v0;
	s20 =	simm.s32 $0x0  }
.LBB2_12:
0x3b: {  	p0 =	sne.s32 s19, $0x27F0  }
.Ltmp5:
0x3c: {  	_ = 	snop;
	(pc) =	sbr.rel @p0 .LBB2_12-.Ltmp5, $4  }
0x3d: {  	s20 =	sadd.s32 $0x80, s20  }
0x3e: {  	s21 =	sand.u32 $0x70, s19;
	s22 =	sand.u32 $0x1FC00, s20  }
0x3f: {  	s21 =	sor.u32 s21, s22  }
0x40: {  	s19 =	sadd.s32 $0x10, s19;
	[tilespmem:s21+$0x2A00] =	vst v0  }
0x41: {  	s19 =	simm.s32 $0x0  }
.LBB2_14:
0x42: {  	p0 =	sne.s32 s19, $0x27F0  }
.Ltmp6:
0x43: {  	_ = 	snop;
	(pc) =	sbr.rel @p0 .LBB2_14-.Ltmp6, $4  }
0x44: {  	_ = 	snop  }
0x45: {  	s20 =	sand.u32 $0x70, s19;
	s21 =	sand.u32 $0x1FC00, s18  }
0x46: {  	s20 =	sor.u32 s20, s21  }
0x47: {  	s18 =	sadd.s32 $0x80, s18;
	s19 =	sadd.s32 $0x10, s19;
	[tilespmem:s20+$0x2A80] =	vst v0  }
0x48: {  	s18 =	simm.s32 $0x0  }
0x49: {  	s19 =	sand.u32 $0x70, s18;
	s20 =	sand.u32 $0x1FC00, s18  }
0x4a: {  	s20 =	sor.u32 s19, s20  }
0x4b: {  	s19 =	simm.s32 $0x10;
	[tilespmem:s20+$0x2B00] =	vst v0  }
.LBB2_16:
0x4c: {  	p0 =	sne.s32 s19, $0x27F0  }
.Ltmp7:
0x4d: {  	_ = 	snop;
	(pc) =	sbr.rel @p0 .LBB2_16-.Ltmp7, $4  }
0x4e: {  	s18 =	sadd.s32 $0x80, s18  }
0x4f: {  	s20 =	sand.u32 $0x70, s19;
	s21 =	sand.u32 $0x1FC00, s18  }
0x50: {  	s20 =	sor.u32 s20, s21  }
0x51: {  	s19 =	sadd.s32 $0x10, s19;
	[tilespmem:s20+$0x2B00] =	vst v0  }
0x52: {  	s18 =	simm.s32 $0x0  }
0x53: {  	[tilespmem:s18], [sflag:$0x1] =	stream.linear.gather [hbm4b:s5+s18], $0x2710, $0x38;
	[tilespmem:$0x19480] =	vst v63  }
0x54: {  	_ =	swait.ge [sflag:s9], $0x2710  }
0x55: {  	[sflag:s9] =	ssyncset.done $0x0  }
0x56: {  	s19 =	simm.s32 $0x0;
	[sflag:s9] =	ssyncadd.s32 $0xFFFFD8F0  }
0x57: {  	v3 =	vld [tilespmem:s19+$0x0];
	s19 =	simm.s32 $0x40  }
.LBB2_18:
0x58: {  	p0 =	seq.s32 s19, $0x9C00;
	_ =	sdelay $0x3  }
0x59: {  	v4 =	vshll.u32 v3, $0x3  }
0x5a: {  	v3 =	vand.u32 $0x7F, v3;
	v4 =	vand.u32 $0xFFFFFC00, v4  }
0x5b: {  	v3 =	vor.u32 v4, v3  }
0x5c: {  	v3 =	vor.u32 v1, v3;
	_ =	sdelay $0x2  }
.Ltmp8:
0x5d: {  	(pc) =	sbr.rel @!p0 .LBB2_18-.Ltmp8, $4  }
0x5e: {  	_ = 	snop  }
0x5f: {  	[tilespmem:v3+s10+$0x0] =	vst.idx.add.f32.msk $0xff, v2  }
0x60: {  	s20 =	sshra.s32 s19, $0x2;
	[tilespmem:v3+s10+$0x0] =	vst.idx.add.f32.msk vm0, v2  }
0x61: {  	s19 =	sadd.s32 $0x40, s19;
	v3 =	vld [tilespmem:s20+$0x0]  }
0x62: {  	_ =	sdelay $0x3  }
0x63: {  	v4 =	vshll.u32 v3, $0x3  }
0x64: {  	v3 =	vand.u32 $0x7F, v3;
	v4 =	vand.u32 $0xFFFFFC00, v4  }
0x65: {  	v3 =	vor.u32 v4, v3  }
0x66: {  	v3 =	vor.u32 v1, v3;
	_ =	sdelay $0x4  }
0x67: {  	s19 =	sand.u32 $0x70, s18;
	s31 =	sand.u32 $0x1FC00, s18;
	[tilespmem:v3+s10+$0x0] =	vst.idx.add.f32.msk $0xff, v2  }
0x68: {  	s18 =	sor.u32 s19, s31;
	[tilespmem:v3+s10+$0x0] =	vst.idx.add.f32.msk vm0, v2  }
0x69: {  	v3 =	vld [tilespmem:s18+$0x2800]  }
0x6a: {  	v4 =	vld [tilespmem:s18+$0x2780];
	_ =	sdelay $0x3  }
0x6b: {  	s20 =	simm.s32 $0x10;
	s19 =	simm.s32 $0x80  }
0x6c: {  	s20 =	sand.u32 $0x70, s20;
	s21 =	sand.u32 $0x1FC00, s19;
	v3 =	vadd.f32 v3, v4  }
0x6d: {  	s21 =	sor.u32 s20, s21;
	s20 =	simm.s32 $0x20  }
.LBB2_20:
0x6e: {  	p0 =	seq.s32 s20, $0x27F0;
	v4 =	vld [tilespmem:s21+$0x2800];
	[tilespmem:s18+$0x2780] =	vst v3;
	s18 =	smov.u32 s21  }
0x6f: {  	v3 =	vld [tilespmem:s18+$0x2780];
	_ =	sdelay $0x1  }
.Ltmp9:
0x70: {  	(pc) =	sbr.rel @!p0 .LBB2_20-.Ltmp9, $4  }
0x71: {  	_ = 	snop  }
0x72: {  	s19 =	sadd.s32 $0x80, s19  }
0x73: {  	s21 =	sand.u32 $0x70, s20;
	s22 =	sand.u32 $0x1FC00, s19;
	v3 =	vadd.f32 v4, v3  }
0x74: {  	s20 =	sadd.s32 $0x10, s20;
	s21 =	sor.u32 s21, s22  }
0x75: {  	v4 =	vld [tilespmem:s21+$0x2800];
	[tilespmem:s18+$0x2780] =	vst v3  }
0x76: {  	v3 =	vld [tilespmem:s21+$0x2780];
	_ =	sdelay $0x4  }
0x77: {  	s29 =	simm.s32 $0x0;
	v3 =	vadd.f32 v4, v3  }
0x78: {  	s19 =	sand.u32 $0x70, s29;
	s18 =	sand.u32 $0x1FC00, s29  }
0x79: {  	s18 =	sor.u32 s19, s18;
	[tilespmem:s21+$0x2780] =	vst v3  }
0x7a: {  	v3 =	vld [tilespmem:s18+$0x2880]  }
0x7b: {  	v4 =	vld [tilespmem:s18+$0x2780];
	_ =	sdelay $0x3  }
0x7c: {  	s30 =	simm.s32 $0x10;
	s20 =	simm.s32 $0x80  }
0x7d: {  	s31 =	sand.u32 $0x1FC00, s20;
	s19 =	sand.u32 $0x70, s30;
	v3 =	vadd.f32 v3, v4  }
0x7e: {  	s22 =	simm.s32 $0x20;
	s23 =	sor.u32 s19, s31;
	s21 =	smov.u32 s18  }
.LBB2_22:
0x7f: {  	p0 =	sne.s32 s22, $0x27F0;
	v4 =	vld [tilespmem:s23+$0x2880];
	[tilespmem:s21+$0x2780] =	vst v3;
	s21 =	smov.u32 s23  }
0x80: {  	v3 =	vld [tilespmem:s21+$0x2780];
	_ =	sdelay $0x1  }
.Ltmp10:
0x81: {  	(pc) =	sbr.rel @p0 .LBB2_22-.Ltmp10, $4  }
0x82: {  	_ = 	snop  }
0x83: {  	s20 =	sadd.s32 $0x80, s20  }
0x84: {  	s23 =	sand.u32 $0x70, s22;
	s24 =	sand.u32 $0x1FC00, s20;
	v3 =	vadd.f32 v4, v3  }
0x85: {  	s22 =	sadd.s32 $0x10, s22;
	s23 =	sor.u32 s23, s24  }
0x86: {  	v4 =	vld [tilespmem:s23+$0x2880];
	[tilespmem:s21+$0x2780] =	vst v3  }
0x87: {  	v3 =	vld [tilespmem:s23+$0x2780];
	_ =	sdelay $0x4  }
0x88: {  	v3 =	vadd.f32 v4, v3;
	_ =	sdelay $0x1  }
0x89: {  	[tilespmem:s23+$0x2780] =	vst v3  }
0x8a: {  	v3 =	vld [tilespmem:s18+$0x2900]  }
0x8b: {  	v4 =	vld [tilespmem:s18+$0x2780];
	_ =	sdelay $0x3  }
0x8c: {  	s20 =	simm.s32 $0x80  }
0x8d: {  	s31 =	sand.u32 $0x1FC00, s20;
	v3 =	vadd.f32 v3, v4  }
0x8e: {  	s21 =	sor.u32 s19, s31;
	s19 =	simm.s32 $0x20  }
.LBB2_24:
0x8f: {  	p0 =	sne.s32 s19, $0x27F0;
	v4 =	vld [tilespmem:s21+$0x2900];
	[tilespmem:s18+$0x2780] =	vst v3;
	s18 =	smov.u32 s21  }
0x90: {  	v3 =	vld [tilespmem:s18+$0x2780];
	_ =	sdelay $0x1  }
.Ltmp11:
0x91: {  	(pc) =	sbr.rel @p0 .LBB2_24-.Ltmp11, $4  }
0x92: {  	_ = 	snop  }
0x93: {  	s20 =	sadd.s32 $0x80, s20  }
0x94: {  	s21 =	sand.u32 $0x70, s19;
	s22 =	sand.u32 $0x1FC00, s20;
	v3 =	vadd.f32 v4, v3  }
0x95: {  	s19 =	sadd.s32 $0x10, s19;
	s21 =	sor.u32 s21, s22  }
0x96: {  	v4 =	vld [tilespmem:s21+$0x2900];
	[tilespmem:s18+$0x2780] =	vst v3  }
0x97: {  	v3 =	vld [tilespmem:s21+$0x2780];
	_ =	sdelay $0x4  }
0x98: {  	s29 =	simm.s32 $0x0;
	v3 =	vadd.f32 v4, v3  }
0x99: {  	s19 =	sand.u32 $0x70, s29;
	s18 =	sand.u32 $0x1FC00, s29  }
0x9a: {  	s18 =	sor.u32 s19, s18;
	[tilespmem:s21+$0x2780] =	vst v3  }
0x9b: {  	v3 =	vld [tilespmem:s18+$0x2980]  }
0x9c: {  	v4 =	vld [tilespmem:s18+$0x2780];
	_ =	sdelay $0x3  }
0x9d: {  	s30 =	simm.s32 $0x10;
	s20 =	simm.s32 $0x80  }
0x9e: {  	s31 =	sand.u32 $0x1FC00, s20;
	s19 =	sand.u32 $0x70, s30;
	v3 =	vadd.f32 v3, v4  }
0x9f: {  	s22 =	simm.s32 $0x20;
	s23 =	sor.u32 s19, s31;
	s21 =	smov.u32 s18  }
.LBB2_26:
0xa0: {  	p0 =	sne.s32 s22, $0x27F0;
	v4 =	vld [tilespmem:s23+$0x2980];
	[tilespmem:s21+$0x2780] =	vst v3;
	s21 =	smov.u32 s23  }
0xa1: {  	v3 =	vld [tilespmem:s21+$0x2780];
	_ =	sdelay $0x1  }
.Ltmp12:
0xa2: {  	(pc) =	sbr.rel @p0 .LBB2_26-.Ltmp12, $4  }
0xa3: {  	_ = 	snop  }
0xa4: {  	s20 =	sadd.s32 $0x80, s20  }
0xa5: {  	s23 =	sand.u32 $0x70, s22;
	s24 =	sand.u32 $0x1FC00, s20;
	v3 =	vadd.f32 v4, v3  }
0xa6: {  	s22 =	sadd.s32 $0x10, s22;
	s23 =	sor.u32 s23, s24  }
0xa7: {  	v4 =	vld [tilespmem:s23+$0x2980];
	[tilespmem:s21+$0x2780] =	vst v3  }
0xa8: {  	v3 =	vld [tilespmem:s23+$0x2780];
	_ =	sdelay $0x4  }
0xa9: {  	v3 =	vadd.f32 v4, v3;
	_ =	sdelay $0x1  }
0xaa: {  	[tilespmem:s23+$0x2780] =	vst v3  }
0xab: {  	v3 =	vld [tilespmem:s18+$0x2A00]  }
0xac: {  	v4 =	vld [tilespmem:s18+$0x2780];
	_ =	sdelay $0x3  }
0xad: {  	s20 =	simm.s32 $0x80  }
0xae: {  	s31 =	sand.u32 $0x1FC00, s20;
	v3 =	vadd.f32 v3, v4  }
0xaf: {  	s21 =	sor.u32 s19, s31;
	s19 =	simm.s32 $0x20  }
.LBB2_28:
0xb0: {  	p0 =	sne.s32 s19, $0x27F0;
	v4 =	vld [tilespmem:s21+$0x2A00];
	[tilespmem:s18+$0x2780] =	vst v3;
	s18 =	smov.u32 s21  }
0xb1: {  	v3 =	vld [tilespmem:s18+$0x2780];
	_ =	sdelay $0x1  }
.Ltmp13:
0xb2: {  	(pc) =	sbr.rel @p0 .LBB2_28-.Ltmp13, $4  }
0xb3: {  	_ = 	snop  }
0xb4: {  	s20 =	sadd.s32 $0x80, s20  }
0xb5: {  	s21 =	sand.u32 $0x70, s19;
	s22 =	sand.u32 $0x1FC00, s20;
	v3 =	vadd.f32 v4, v3  }
0xb6: {  	s19 =	sadd.s32 $0x10, s19;
	s21 =	sor.u32 s21, s22  }
0xb7: {  	v4 =	vld [tilespmem:s21+$0x2A00];
	[tilespmem:s18+$0x2780] =	vst v3  }
0xb8: {  	v3 =	vld [tilespmem:s21+$0x2780];
	_ =	sdelay $0x4  }
0xb9: {  	s29 =	simm.s32 $0x0;
	v3 =	vadd.f32 v4, v3  }
0xba: {  	s19 =	sand.u32 $0x70, s29;
	s18 =	sand.u32 $0x1FC00, s29  }
0xbb: {  	s18 =	sor.u32 s19, s18;
	[tilespmem:s21+$0x2780] =	vst v3  }
0xbc: {  	v3 =	vld [tilespmem:s18+$0x2A80]  }
0xbd: {  	v4 =	vld [tilespmem:s18+$0x2780];
	_ =	sdelay $0x3  }
0xbe: {  	s30 =	simm.s32 $0x10;
	s20 =	simm.s32 $0x80  }
0xbf: {  	s31 =	sand.u32 $0x1FC00, s20;
	s19 =	sand.u32 $0x70, s30;
	v3 =	vadd.f32 v3, v4  }
0xc0: {  	s22 =	simm.s32 $0x20;
	s23 =	sor.u32 s19, s31;
	s21 =	smov.u32 s18  }
.LBB2_30:
0xc1: {  	p0 =	sne.s32 s22, $0x27F0;
	v4 =	vld [tilespmem:s23+$0x2A80];
	[tilespmem:s21+$0x2780] =	vst v3;
	s21 =	smov.u32 s23  }
0xc2: {  	v3 =	vld [tilespmem:s21+$0x2780];
	_ =	sdelay $0x1  }
.Ltmp14:
0xc3: {  	(pc) =	sbr.rel @p0 .LBB2_30-.Ltmp14, $4  }
0xc4: {  	_ = 	snop  }
0xc5: {  	s20 =	sadd.s32 $0x80, s20  }
0xc6: {  	s23 =	sand.u32 $0x70, s22;
	s24 =	sand.u32 $0x1FC00, s20;
	v3 =	vadd.f32 v4, v3  }
0xc7: {  	s22 =	sadd.s32 $0x10, s22;
	s23 =	sor.u32 s23, s24  }
0xc8: {  	v4 =	vld [tilespmem:s23+$0x2A80];
	[tilespmem:s21+$0x2780] =	vst v3  }
0xc9: {  	v3 =	vld [tilespmem:s23+$0x2780];
	_ =	sdelay $0x1  }
0xca: {  	p1 =	por $0x0, $0x0  }
.Ltmp15:
0xcb: {  	_ = 	snop;
	(pc) =	sbr.rel @p1 .LBB2_32-.Ltmp15, $3  }
0xcc: {  	_ = 	snop  }
0xcd: {  	v3 =	vadd.f32 v4, v3;
	_ =	sdelay $0x1  }
0xce: {  	p0 =	por $0x0, $0x0;
	[tilespmem:s23+$0x2780] =	vst v3  }
0xcf: {  	v3 =	vld [tilespmem:s18+$0x2B00]  }
0xd0: {  	v4 =	vld [tilespmem:s18+$0x2780]  }
0xd1: {  	p1 =	por $0x0, $0x0  }
.Ltmp16:
0xd2: {  	_ = 	snop;
	(pc) =	sbr.rel @p1 .LBB2_35-.Ltmp16, $4  }
0xd3: {  	_ = 	snop  }
0xd4: {  	s20 =	simm.s32 $0x80  }
0xd5: {  	s21 =	sand.u32 $0x1FC00, s20;
	v3 =	vadd.f32 v3, v4  }
0xd6: {  	p0 =	por $0x1, $0x1;
	s21 =	sor.u32 s19, s21;
	s19 =	simm.s32 $0x20  }
.LBB2_34:
0xd7: {  	p1 =	seq.s32 s19, $0x27F0;
	v4 =	vld [tilespmem:s21+$0x2B00];
	[tilespmem:s18+$0x2780] =	vst v3;
	s18 =	smov.u32 s21  }
0xd8: {  	v3 =	vld [tilespmem:s18+$0x2780];
	_ =	sdelay $0x1  }
.Ltmp17:
0xd9: {  	(pc) =	sbr.rel @!p1 .LBB2_34-.Ltmp17, $4  }
0xda: {  	_ = 	snop  }
0xdb: {  	s20 =	sadd.s32 $0x80, s20  }
0xdc: {  	s21 =	sand.u32 $0x70, s19;
	s22 =	sand.u32 $0x1FC00, s20;
	v3 =	vadd.f32 v4, v3  }
0xdd: {  	s19 =	sadd.s32 $0x10, s19;
	s21 =	sor.u32 s21, s22  }
.LBB2_35:
0xde: {  	v4 =	vld [tilespmem:s21+$0x2B00];
	[tilespmem:s18+$0x2780] =	vst @p0 v3  }
0xdf: {  	v3 =	vld [tilespmem:s21+$0x2780];
	_ =	sdelay $0x4  }
0xe0: {  	v3 =	vadd.f32 v4, v3;
	_ =	sdelay $0x1  }
0xe1: {  	s18 =	simm.s32 $0x1000;
	s19 =	simm.s32 $0x2780;
	s20 =	sadd.s32 $0x0, s6;
	[tilespmem:s21+$0x2780] =	vst v3  }
.LBB2_36:
0xe2: {  	[spmem:s20] =	stream.linear.scatter [tilespmem:s19], [sflag:$0x1], $0x80, $0x38;
	[tilespmem:$0x19480] =	vst v63  }
0xe3: {  	s19 =	smov.u32 s18;
	p0 =	sne.s32 s18, $0x4F000  }
.Ltmp18:
0xe4: {  	s18 =	sadd.s32 $0x1000, s18;
	(pc) =	sbr.rel @p0 .LBB2_36-.Ltmp18, $3  }
0xe5: {  	_ =	sdelay $0x1  }
0xe6: {  	s20 =	sshra.s32 s19, $0x2  }
0xe7: {  	s19 =	sadd.s32 $0x2780, s20;
	s20 =	sadd.s32 s20, s6  }
0xe8: {  	[spmem:s20] =	stream.linear.scatter [tilespmem:s19], [sflag:$0x1], $0x80, $0x38;
	[tilespmem:$0x19480] =	vst v63  }
0xe9: {  	_ =	swait.ge [sflag:s9], $0x2800  }
0xea: {  	[sflag:s9] =	ssyncset.done $0x0  }
0xeb: {  	[sflag:s9] =	ssyncadd.s32 $0xFFFFD800  }
0xec: {  	[bflag:$0x0] =	sbarrier.arrive $0xFFFF  }
0xed: {  	[tilespmem:s13], [sflag:$0x1] =	stream.strided.gather [spmem:s7], $0x280, s12, s11, $0x38;
	[tilespmem:$0x19480] =	vst v63  }
0xee: {  	_ =	swait.ge [sflag:s9], $0x280  }
0xef: {  	[sflag:s9] =	ssyncset.done $0x0  }
0xf0: {  	s18 =	simm.s32 $0x0;
	[sflag:s9] =	ssyncadd.s32 $0xFFFFFD80  }
.LBB2_39:
0xf1: {  	s18 =	sadd.s32 $0x1, s18  }
0xf2: {  	s19 =	sshrl.u32 s18, $0x3  }
0xf3: {  	s19 =	smul.u32 $0x50000, s19;
	_ =	sdelay $0x1  }
0xf4: {  	s20 =	sshll.u32 s18, $0x7;
	s19 =	sshra.s32 s19, $0x2  }
0xf5: {  	s20 =	sand.u32 $0x380, s20;
	s19 =	sadd.s32 s19, s2  }
0xf6: {  	s19 =	sadd.s32 s20, s19  }
0xf7: {  	s19 =	sadd.s32 s4, s19  }
0xf8: {  	[tilespmem:s14], [sflag:$0x1] =	stream.strided.gather [spmem:s19], $0x280, s12, s11, $0x38;
	[tilespmem:$0x19480] =	vst v63  }
0xf9: {  	_ =	swait.ge [sflag:s9], $0x280  }
0xfa: {  	[sflag:s9] =	ssyncset.done $0x0  }
0xfb: {  	s19 =	simm.s32 $0x0;
	[sflag:s9] =	ssyncadd.s32 $0xFFFFFD80  }
0xfc: {  	s20 =	simm.s32 $0x40;
	v3 =	vld [tilespmem:s19+$0x16A00]  }
.LBB2_40:
0xfd: {  	p0 =	seq.s32 s20, $0x9C0;
	v4 =	vld [tilespmem:s19+$0x16780];
	_ =	sdelay $0x2  }
.Ltmp19:
0xfe: {  	(pc) =	sbr.rel @!p0 .LBB2_40-.Ltmp19, $4  }
0xff: {  	_ = 	snop  }
0x100: {  	v4 =	vadd.f32 v3, v4  }
0x101: {  	s21 =	sshra.s32 s20, $0x2  }
0x102: {  	s20 =	sadd.s32 $0x40, s20;
	v3 =	vld [tilespmem:s21+$0x16A00];
	[tilespmem:s19+$0x16780] =	vst v4;
	s19 =	smov.u32 s21  }
0x103: {  	v4 =	vld [tilespmem:s19+$0x16780];
	_ =	sdelay $0x4  }
0x104: {  	v3 =	vadd.f32 v3, v4;
	_ =	sdelay $0x1  }
0x105: {  	[tilespmem:s19+$0x16780] =	vst v3  }
0x106: {  	p0 =	seq.s32 s18, $0xF  }
.Ltmp20:
0x107: {  	_ = 	snop;
	(pc) =	sbr.rel @!p0 .LBB2_39-.Ltmp20, $1  }
0x108: {  	_ =	sdelay $0x3  }
0x109: {  	[hbm4b:s15+s11] =	stream.strided.scatter [tilespmem:s13], [sflag:$0x1], $0x280, s16, s11, $0x38;
	[tilespmem:$0x19480] =	vst v63  }
0x10a: {  	s17 =	sadd.s32 $0x1, s17  }
0x10b: {  	p0 =	sne.s32 s17, s8  }
.Ltmp21:
0x10c: {  	_ = 	snop;
	(pc) =	sbr.rel @p0 .LBB2_1-.Ltmp21, $4  }
.Ltmp22:
0x10d: {  	_ = 	snop;
	(pc) =	sbr.rel @!p0 .LBB2_43-.Ltmp22, $4  }
0x10e: {  	_ =	swait.ge [sflag:s9], $0x280  }
0x10f: {  	[sflag:s9] =	ssyncset.done $0x0  }
0x110: {  	[sflag:s9] =	ssyncadd.s32 $0xFFFFFD80  }
0x111: {  	_ = 	snop  }
.LBB2_32:
.Ltmp23:
0x112: {  	(pc) =	sbr.rel .LBB2_35-.Ltmp23, $2  }
0x113: {  	_ =	sdelay $0x2  }
0x114: {  	s21 =	smov.u32 s18  }
.LBB2_43:
0x115: {  	_ =	sfence.sel $0x180000  }
0x116: {  	[bflag:$0x0] =	sbarrier.arrive $0xFFFF  }
0x117: {  	p0 =	sne.s32 s1, $0x0;
	_ =	strace $0x90000047  }
0x118: {  	s0 =	sadd.s32 @!p0 $0x100000, s0;
	[bflag:$0x2] =	sbarrier.arrive $0xFFFF  }
0x119: {  	[sflag:s0] =	ssyncadd.tile.s32 @!p0 $0x1;
	_ =	shalt  }
.Lfunc_end2:
_tile_overlayer_lowered:
.L_overlay_start_2:
0x11a: {  	(tag) =	ssettag $0x2  }
0x11b: {  	s0 =	rddreg [dreg:$0x0];
	s2 =	stileid.u32  }
0x11c: {  	s1 =	rddreg [dreg:$0x1];
	p0 =	sne.s32 s2, $0x0  }
0x11d: {  	s3 =	rddreg [dreg:$0x2];
	[bflag:$0x3] =	sbarrier.arrive $0xFFFF;
	s2 =	simm.s32 @!p0 $0x1C01  }
0x11e: {  	[timem:s3], [sflag:s2] =	dma.local @!p0 [hbm:s0], s1  }
0x11f: {  	s0 =	simm.s32 @!p0 $0x1  }
0x120: {  	_ =	swait.ge @!p0 [sflag:s0], s1  }
0x121: {  	s1 =	ssub.s32 @!p0 $0x0, s1;
	[sflag:s0] =	ssyncset.done @!p0 $0x0  }
0x122: {  	[sflag:s0] =	ssyncadd.s32 @!p0 s1  }
0x123: {  	[bflag:$0x3] =	sbarrier.arrive $0xFFFF  }
0x124: {  	_ =	shalt  }

// kernel: kernel.15.cloned.1.call-start
scs
__scs_entry_jumppad:
0x0: {  	(pc) =	sbr.rel $0x88, $3  }
0x1: {  	(tag) =	ssettag $0x0;
	lr =	simm.s32 $0x1  }
0x2: {  	[smem:$0x3F94] =	sst lr;
	_ =	strace $0xD0000000  }
0x3: {  	_ = 	snop  }
0x4: {  	_ = 	snop  }
0x5: {  	_ = 	snop  }
0x6: {  	_ = 	snop  }
0x7: {  	_ = 	snop  }
__scs_overlays_trampoline_lowered:
0x8: {  	[smem:$0x3FA3] =	sst s0  }
0x9: {  	[smem:$0x3FA4] =	sst s1  }
0xa: {  	[smem:$0x3FA5] =	sst s2  }
0xb: {  	[smem:$0x3FA6] =	sst s3  }
0xc: {  	[smem:$0x3FA7] =	sst s4  }
0xd: {  	[smem:$0x3FA8] =	sst s5  }
0xe: {  	[smem:$0x3FA9] =	sst s6  }
0xf: {  	[smem:$0x3FAA] =	sst s7  }
0x10: {  	[smem:$0x3FAB] =	sst s8  }
0x11: {  	[smem:$0x3FAC] =	sst s9;
	s0 =	simm.s32 @!p0 $0x0  }
0x12: {  	s1 =	sld [smem:$0x3F92];
	s0 =	simm.s32 @p0 $0x1  }
0x13: {  	[smem:$0x3FAD] =	sst s0;
	s0 =	simm.s32 @!p1 $0x0  }
0x14: {  	s2 =	sld [smem:$0x3F91];
	s0 =	simm.s32 @p1 $0x1  }
0x15: {  	[smem:$0x3FAE] =	sst s0;
	s0 =	simm.s32 @!p2 $0x0  }
0x16: {  	s3 =	sld [smem:$0x3FDB];
	s0 =	simm.s32 @p2 $0x1  }
0x17: {  	s4 =	simm.s32 $0x1BF5;
	[smem:$0x3FB0] =	sst s0  }
0x18: {  	s0 =	sld [smem:$0x3F93];
	_ =	swait.ge [sflag:s4], $0x0  }
0x19: {  	s7 =	sld [smem:$0x3F94]  }
0x1a: {  	s8 =	sadd.s32 $0xFFFFE003, lr  }
0x1b: {  	s9 =	sadd.s32 $0xFFFFFEF7, lr;
	s5 =	simm.s32 $0xFFFFFFFF;
	p2 =	slt.u32 s8, $0xFFFFF086  }
0x1c: {  	p1 =	slt.u32 s9, $0xF7A;
	s5 =	simm.s32 @!p2 $0x0  }
0x1d: {  	s5 =	simm.s32 @p1 $0x1;
	p0 =	seq.s32 s7, s2  }
0x1e: {  	s7 =	smul.u32 @!p0 $0xF7A, s2;
	p2 =	seq.s32 @!p0 s5, $0x0  }
0x1f: {  	s9 =	smul.u32 $0xF7A, s1;
	s8 =	simm.s32 @!p0 $0x1BF5;
	p2 =	por !p2, p0  }
0x20: {  	[sflag:s8] =	ssyncset.s32 @!p0 $0xFFFFF086;
	s6 =	sadd.s32 @!p0 s3, s7;
	s7 =	simm.s32 @!p0 $0x108  }
0x21: {  	s3 =	sadd.s32 s3, s9;
	s6 =	sadd.s32 @!p0 $0x88, s6;
	s7 =	simm.s32 @p2 $0x1082  }
0x22: {  	[simem:s7], [sflag:s8] =	dma.local @!p0 [hbm:s6], $0xF7A  }
0x23: {  	s9 =	sor.u32 $0xD0000000, s2;
	s6 =	simm.s32 $0x108;
	_ =	swait.ge @!p0 [sflag:s8], $0x0  }
0x24: {  	s3 =	sadd.s32 $0x88, s3;
	s6 =	simm.s32 @!p1 $0x1082;
	[sflag:s4] =	ssyncset.s32 $0xFFFFF086  }
0x25: {  	[simem:s6], [sflag:s4] =	dma.local [hbm:s3], $0xF7A  }
0x26: {  	[smem:$0x3F94] =	sst s1;
	(tag) =	ssettag s2;
	_ =	strace s9  }
0x27: {  	s1 =	sld [smem:$0x3FA4]  }
0x28: {  	s2 =	sld [smem:$0x3FA5]  }
0x29: {  	s4 =	sld [smem:$0x3FA7]  }
0x2a: {  	p0 =	seq.s32 s5, $0x0;
	s5 =	sld [smem:$0x3FA8]  }
0x2b: {  	s6 =	sld [smem:$0x3FA9]  }
0x2c: {  	s7 =	sld [smem:$0x3FAA]  }
0x2d: {  	s3 =	simm.s32 $0x108;
	s8 =	sld [smem:$0x3FAB]  }
0x2e: {  	s3 =	simm.s32 @!p0 $0x1082;
	s9 =	sld [smem:$0x3FAC]  }
0x2f: {  	lr =	sadd.s32 s0, s3;
	s0 =	sld [smem:$0x3FA3]  }
0x30: {  	s3 =	sld [smem:$0x3FA6]  }
0x31: {  	[smem:$0x3FAF] =	sst s10  }
0x32: {  	s10 =	sld [smem:$0x3FAD];
	_ =	sdelay $0x3  }
0x33: {  	p0 =	seq.s32 s10, $0x1;
	s10 =	sld [smem:$0x3FAF];
	_ =	sdelay $0x3  }
0x34: {  	[smem:$0x3FAF] =	sst s10  }
0x35: {  	s10 =	sld [smem:$0x3FAE];
	_ =	sdelay $0x3  }
0x36: {  	p1 =	seq.s32 s10, $0x1;
	s10 =	sld [smem:$0x3FAF];
	_ =	sdelay $0x3  }
0x37: {  	[smem:$0x3FAF] =	sst s10  }
0x38: {  	s10 =	sld [smem:$0x3FB0]  }
0x39: {  	_ = 	snop;
	(pc) =	sbr.ind lr, $3  }
0x3a: {  	_ = 	snop  }
0x3b: {  	_ = 	snop  }
0x3c: {  	p2 =	seq.s32 s10, $0x1;
	s10 =	sld [smem:$0x3FAF]  }
0x3d: {  	_ =	shalt  }
0x3e: {  	_ =	shalt  }
0x3f: {  	_ =	shalt  }
0x40: {  	_ =	shalt  }
0x41: {  	_ =	shalt  }
0x42: {  	_ =	shalt  }
0x43: {  	_ =	shalt  }
0x44: {  	_ =	shalt  }
0x45: {  	_ =	shalt  }
0x46: {  	_ =	shalt  }
0x47: {  	_ =	shalt  }
0x48: {  	_ =	shalt  }
0x49: {  	_ =	shalt  }
0x4a: {  	_ =	shalt  }
0x4b: {  	_ =	shalt  }
0x4c: {  	_ =	shalt  }
0x4d: {  	_ =	shalt  }
0x4e: {  	_ =	shalt  }
0x4f: {  	_ =	shalt  }
0x50: {  	_ =	shalt  }
0x51: {  	_ =	shalt  }
0x52: {  	_ =	shalt  }
0x53: {  	_ =	shalt  }
0x54: {  	_ =	shalt  }
0x55: {  	_ =	shalt  }
0x56: {  	_ =	shalt  }
0x57: {  	_ =	shalt  }
0x58: {  	_ =	shalt  }
0x59: {  	_ =	shalt  }
0x5a: {  	_ =	shalt  }
0x5b: {  	_ =	shalt  }
0x5c: {  	_ =	shalt  }
0x5d: {  	_ =	shalt  }
0x5e: {  	_ =	shalt  }
0x5f: {  	_ =	shalt  }
0x60: {  	_ =	shalt  }
0x61: {  	_ =	shalt  }
0x62: {  	_ =	shalt  }
0x63: {  	_ =	shalt  }
0x64: {  	_ =	shalt  }
0x65: {  	_ =	shalt  }
0x66: {  	_ =	shalt  }
0x67: {  	_ =	shalt  }
0x68: {  	_ =	shalt  }
0x69: {  	_ =	shalt  }
0x6a: {  	_ =	shalt  }
0x6b: {  	_ =	shalt  }
0x6c: {  	_ =	shalt  }
0x6d: {  	_ =	shalt  }
0x6e: {  	_ =	shalt  }
0x6f: {  	_ =	shalt  }
0x70: {  	_ =	shalt  }
0x71: {  	_ =	shalt  }
0x72: {  	_ =	shalt  }
0x73: {  	_ =	shalt  }
0x74: {  	_ =	shalt  }
0x75: {  	_ =	shalt  }
0x76: {  	_ =	shalt  }
0x77: {  	_ =	shalt  }
0x78: {  	_ =	shalt  }
0x79: {  	_ =	shalt  }
0x7a: {  	_ =	shalt  }
0x7b: {  	_ =	shalt  }
0x7c: {  	_ =	shalt  }
0x7d: {  	_ =	shalt  }
0x7e: {  	_ =	shalt  }
0x7f: {  	_ =	shalt  }
0x80: {  	_ =	shalt  }
0x81: {  	_ =	shalt  }
0x82: {  	_ =	shalt  }
0x83: {  	_ =	shalt  }
0x84: {  	_ =	shalt  }
0x85: {  	_ =	shalt  }
0x86: {  	_ =	shalt  }
0x87: {  	_ =	shalt  }
.Lfunc_end0:
.L_simem_size_0:
called_computation.1_lowered:
.L_overlay_start_0:
0x88: {  	s2 =	sld [smem:$0x3FD9]  }
0x89: {  	s3 =	sld [smem:$0x3FFE];
	_ =	sdelay $0x1  }
0x8a: {  	s1 =	srdreg.scid  }
0x8b: {  	s0 =	sand.u32 $0x1, s1  }
0x8c: {  	s16 =	sshll.u32 s0, $0xA;
	s2 =	sadd.s32 s3, s2  }
0x8d: {  	s2 =	sadd.s32 s2, s16  }
0x8e: {  	[smem:$0x3FBB] =	sst s2  }
0x8f: {  	_ = 	snop  }
0x90: {  	(tm) =	ssettm $0x1  }
0x91: {  	s17 =	sld [smem:$0x3FFB];
	_ =	sdelay $0x3  }
0x92: {  	_ =	strace s17  }
0x93: {  	s2 =	sld [smem:$0x3FFC];
	_ =	sdelay $0x3  }
0x94: {  	_ =	strace s2  }
0x95: {  	s2 =	sld [smem:$0x3FFD];
	_ =	sdelay $0x3  }
0x96: {  	_ =	strace s2  }
0x97: {  	_ =	strace $0x8FFFFFFF  }
0x98: {  	s18 =	sld [smem:$0x3FDB];
	_ =	sdelay $0x1  }
0x99: {  	s19 =	simm.s32 $_scs_section_size  }
0x9a: {  	s4 =	simm.s32 $_size__tile_overlayer_lowered;
	s5 =	simm.s32 $_tile_overlayer_lowered  }
0x9b: {  	s22 =	simm.s32 $0x1BFF;
	s21 =	sshll.u32 s5, $0x1;
	s2 =	sadd.s32 s19, s18  }
0x9c: {  	s6 =	simm.s32 $0x0;
	s20 =	sshll.u32 s4, $0x1;
	s4 =	sadd.s32 s21, s2  }
0x9d: {  	[timem:s6], [sflag:s22] =	dma.local [hbm:s4], s20  }
0x9e: {  	_ =	swait.ge [sflag:s22], s20  }
0x9f: {  	s3 =	ssub.s32 $0x0, s20;
	[sflag:s22] =	ssyncset.done $0x0  }
0xa0: {  	[sflag:s22] =	ssyncadd.s32 s3;
	_ =	sdelay $0x1  }
0xa1: {  	s23 =	simm.s32 $0x1B8B  }
0xa2: {  	_ =	swait.ge [sflag:s23], $0x1  }
0xa3: {  	[sflag:s23] =	ssyncset.done $0x0  }
0xa4: {  	s25 =	simm.s32 $0x1B8E;
	s24 =	sld [smem:$0x3FFE];
	[sflag:s23] =	ssyncadd.s32 $0xFFFFFFFF  }
0xa5: {  	s26 =	simm.s32 $execute0_lowered;
	[smem:$0x3FD2] =	sst s25  }
0xa6: {  	s4 =	sshll.u32 s26, $0x1;
	_ =	strace $0x80000049;
	[dreg:$0x1] =	wrdreg $0xFFFFFFFF  }
0xa7: {  	s28 =	simm.s32 $_size_execute0_lowered;
	s2 =	sadd.s32 s2, s4;
	[dreg:$0x0] =	wrdreg $0x0  }
0xa8: {  	s4 =	sshll.u32 s28, $0x1;
	[dreg:$0x2] =	wrdreg s2  }
0xa9: {  	[dreg:$0x3] =	wrdreg s4  }
0xaa: {  	[dreg:$0x4] =	wrdreg $0xC0  }
0xab: {  	_ =	task [dreg:s6], $0x5FFFF  }
0xac: {  	[dreg:$0x1] =	wrdreg $0xFFFFFFFF  }
0xad: {  	[dreg:$0x0] =	wrdreg $0x60  }
0xae: {  	[dreg:$0x2] =	wrdreg s24  }
0xaf: {  	[dreg:$0x3] =	wrdreg $0xA4000  }
0xb0: {  	[dreg:$0x4] =	wrdreg $0x9  }
0xb1: {  	_ =	task.clear_ibuf [dreg:s6], $0x5FFFF;
	_ =	strace $0x90000049  }
0xb2: {  	s29 =	simm.s32 $0x9;
	_ =	strace $0x8000004B  }
0xb3: {  	_ =	swait.ge [sflag:s29], $0x1  }
0xb4: {  	[sflag:s29] =	ssyncadd.s32 $0xFFFFFFFF  }
0xb5: {  	_ =	strace $0x9000004B  }
0xb6: {  	_ =	sfence  }
0xb7: {  	s30 =	sld [smem:$0x0];
	_ =	sdelay $0x2  }
0xb8: {  	s31 =	sshll.u32 s1, $0xD;
	s1 =	sshrl.u32 s1, $0x2  }
0xb9: {  	s3 =	sand.u32 $0x4000, s31;
	s1 =	sadd.s32 s1, s30  }
0xba: {  	s0 =	sor.u32 s3, s0;
	s1 =	sshll.u32 s1, $0x11  }
0xbb: {  	s0 =	sor.u32 s1, s0  }
0xbc: {  	s0 =	sadd.s32 $0x8F2B, s0  }
0xbd: {  	[sflag:s0] =	ssyncadd.remote.s32 $0x1  }
0xbe: {  	_ =	sfence.sel $0xFFFF  }
0xbf: {  	[dreg:$0x0] =	wrdreg $0xFFFFFFFF;
	(pc) =	sbr.abs _section_cstart, $3  }
0xc0: {  	[dreg:$0x1] =	wrdreg $0xFFFFFFFF  }
0xc1: {  	_ =	task.clear_ibuf [dreg:s6], $0x2FFFF;
	_ =	strace $0x9FFFFFFF  }
0xc2: {  	(tm) =	ssettm $0x7FFFFFFF  }
0xc3: {  	_ =	shalt  }
tec
execute0_lowered:
.L_overlay_start_1:
0x0: {  	(tag) =	ssettag $0x1  }
0x1: {  	s0 =	rddreg [dreg:$0x0]  }
0x2: {  	s1 =	rddreg [dreg:$0x1]  }
0x3: {  	s2 =	srdreg.scid;
	s3 =	simm.s32 $0x0;
	s14 =	stileid.u32  }
0x4: {  	s28 =	simm.s32 $0x5;
	s29 =	simm.s32 $0x5400;
	s30 =	simm.s32 $0x3  }
0x5: {  	s31 =	simm.s32 $0x2;
	s2 =	sand.u32 $0x1, s2;
	[smem:$0x7FF] =	sst s3  }
0x6: {  	s8 =	sadd.s32 $0x3C00, s0;
	s10 =	sadd.s32 $0xDA00, s0;
	s18 =	smul.u32 $0x32000, s14  }
0x7: {  	s5 =	sadd.s32 $0x3EA00, s0;
	s13 =	sor.u32 $0x10, s14;
	s25 =	smul.u32 $0x14, s14  }
0x8: {  	s23 =	sshll.u32 s14, $0x6;
	s4 =	sshll.u32 s2, $0x4;
	s6 =	smul.u32 $0x27100, s2  }
0x9: {  	_ =	strace $0x8000004A;
	s11 =	ssub.s32 $0x2, s2;
	s20 =	smul.u32 $0x32000, s13  }
0xa: {  	s24 =	smul.u32 $0x1900, s13;
	p0 =	sgt.u32 s13, $0x18;
	s7 =	sor.u32 s14, s4  }
0xb: {  	p2 =	sne.s32 s2, $0x0;
	s4 =	sadd.s32 $0x17800, s0;
	s9 =	smul.u32 $0x14, s7  }
0xc: {  	s15 =	sshrl.u32 s11, $0x1;
	s12 =	smul.u32 $0xA0, s7;
	s0 =	sadd.s32 s6, s0  }
0xd: {  	s6 =	ssub.s32 s11, s15;
	s7 =	sor.u32 $0x7C0, s7;
	s15 =	smul.u32 $0x140, s2  }
0xe: {  	s2 =	simm.s32 $0x7;
	s0 =	sadd.s32 $0x40400, s0;
	s6 =	smax.u32 s6, $0x1  }
0xf: {  	s22 =	smul.u32 $0x14, s7;
	p1 =	sgt.u32 s7, $0x7CF;
	s7 =	simm.s32 $0x8  }
0x10: {  	s16 =	sadd.s32 s8, s9;
	s17 =	sshrl.u32 s12, $0x3;
	s9 =	sadd.s32 s10, s9  }
0x11: {  	s12 =	sshrl.u32 s18, $0x2;
	[dreg:$0x7] =	wrdreg s6;
	s18 =	simm.s32 $0x9  }
0x12: {  	s24 =	sadd.s32 @!p0 s24, s0;
	[dreg:$0x3] =	wrdreg s16;
	s11 =	sadd.s32 $0x280, s17  }
0x13: {  	[dreg:$0x4] =	wrdreg s9;
	s21 =	sadd.s32 s12, s1;
	s9 =	sshrl.u32 s20, $0x2  }
0x14: {  	s12 =	sor.u32 $0x1C09, s23;
	s26 =	sadd.s32 s8, s22;
	s17 =	sadd.s32 s15, s10  }
0x15: {  	s6 =	sadd.s32 s10, s22;
	s20 =	simm.s32 $0x200;
	[dreg:$0x8] =	wrdreg s21  }
0x16: {  	s22 =	simm.s32 $0x1;
	s19 =	sadd.s32 s8, s11;
	[dreg:$0xa] =	wrdreg s26  }
0x17: {  	s11 =	sadd.s32 s10, s11;
	s9 =	sadd.s32 s9, s1;
	[dreg:$0xb] =	wrdreg s6  }
0x18: {  	s8 =	sadd.s32 s15, s8;
	s17 =	sadd.s32 s25, s17;
	[dreg:$0x5] =	wrdreg s19  }
0x19: {  	s21 =	simm.s32 $0x300;
	s26 =	simm.s32 $0x400;
	[dreg:$0x6] =	wrdreg s11  }
0x1a: {  	s6 =	simm.s32 $0x6;
	s11 =	smul.u32 $0x1900, s14;
	[dreg:$0x9] =	wrdreg s9  }
0x1b: {  	s16 =	sadd.s32 s25, s8;
	s19 =	simm.s32 $0x100;
	s25 =	simm.s32 $0xA0  }
0x1c: {  	s8 =	simm.s32 $0x0;
	s23 =	sadd.s32 s11, s0;
	s0 =	simm.s32 $0x4  }
.LBB2_1:
0x1d: {  	s9 =	rddreg [dreg:$0x8]  }
0x1e: {  	s9 =	sshrl.u32 s9, $0x3  }
0x1f: {  	[spmem:s9], [sflag:s12] =	dma.local [hbm:s5], $0x1900  }
0x20: {  	_ =	swait.ge [sflag:s18], $0x1900  }
0x21: {  	[sflag:s18] =	ssyncset.done $0x0;
	s10 =	rddreg [dreg:$0x9]  }
0x22: {  	s11 =	simm.s32 @!p0 $0x9;
	[sflag:s18] =	ssyncadd.s32 $0xFFFFE700;
	s10 =	sshrl.u32 @!p0 s10, $0x3  }
0x23: {  	[spmem:s10], [sflag:s12] =	dma.local @!p0 [hbm:s5], $0x1900  }
0x24: {  	_ =	swait.ge @!p0 [sflag:s11], $0x1900  }
0x25: {  	[sflag:s11] =	ssyncset.done @!p0 $0x0  }
0x26: {  	[sflag:s11] =	ssyncadd.s32 @!p0 $0xFFFFE700  }
0x27: {  	[bflag:$0x0] =	sbarrier.arrive $0xFFFF  }
0x28: {  	s14 =	rddreg [dreg:$0x3]  }
0x29: {  	[tilespmem:s3], [sflag:$0x1] =	stream.linear.gather [hbm4b:s14+s3], $0xA0, $0x38;
	[tilespmem:$0x1DC80] =	vst v63  }
0x2a: {  	s15 =	rddreg [dreg:$0x4]  }
0x2b: {  	[tilespmem:s19], [sflag:$0x2] =	stream.linear.gather [hbm4b:s15+s3], $0xA0, $0x38;
	[tilespmem:$0x1DC80] =	vst v63  }
0x2c: {  	s13 =	rddreg [dreg:$0x5]  }
0x2d: {  	[tilespmem:s20], [sflag:$0x5] =	stream.linear.gather [hbm4b:s13+s3], $0xA0, $0x38;
	[tilespmem:$0x1DC80] =	vst v63  }
0x2e: {  	s14 =	rddreg [dreg:$0x6]  }
0x2f: {  	[tilespmem:s21], [sflag:$0x6] =	stream.linear.gather [hbm4b:s14+s3], $0xA0, $0x38;
	[tilespmem:$0x1DC80] =	vst v63  }
0x30: {  	_ =	swait.ge [sflag:s22], $0xA0  }
0x31: {  	[sflag:s22] =	ssyncset.done $0x0  }
0x32: {  	[sflag:s22] =	ssyncadd.s32 $0xFFFFFF60  }
0x33: {  	[tilespmem:s26], [sflag:$0x3] =	stream.indirect.gather [hbm4b:s4+s25], $0x80, s3, s25, $0xb8;
	[tilespmem:$0x1DC80] =	vst v63  }
0x34: {  	_ =	swait.ge [sflag:s28], $0xA0  }
0x35: {  	[sflag:s28] =	ssyncset.done $0x0  }
0x36: {  	[sflag:s28] =	ssyncadd.s32 $0xFFFFFF60  }
0x37: {  	[tilespmem:s29], [sflag:$0x7] =	stream.indirect.gather [hbm4b:s4+s25], $0x80, s20, s25, $0xb8;
	[tilespmem:$0x1DC80] =	vst v63  }
0x38: {  	_ =	swait.ge [sflag:s30], $0x5000  }
0x39: {  	[sflag:s30] =	ssyncset.done $0x0  }
0x3a: {  	[sflag:s30] =	ssyncadd.s32 $0xFFFFB000  }
0x3b: {  	_ =	swait.ge [sflag:s31], $0xA0  }
0x3c: {  	[sflag:s31] =	ssyncset.done $0x0  }
0x3d: {  	[sflag:s31] =	ssyncadd.s32 $0xFFFFFF60  }
0x3e: {  	[spmem:s1] =	stream.indirect.scatter.add.f32 [tilespmem:s26], [sflag:$0x4], $0x80, s19, s25, $0xb8;
	[tilespmem:$0x1DC80] =	vst v63  }
0x3f: {  	_ =	swait.ge [sflag:s0], $0x5000  }
0x40: {  	s11 =	sadd.s32 $0x0, s16;
	[sflag:s0] =	ssyncset.done $0x0  }
0x41: {  	s13 =	sadd.s32 $0x500, s11;
	s14 =	sadd.s32 $0x0, s17;
	[sflag:s0] =	ssyncadd.s32 $0xFFFFB000  }
0x42: {  	[tilespmem:s3], [sflag:$0x1] =	stream.linear.gather [hbm4b:s13+s3], $0xA0, $0x38;
	[tilespmem:$0x1DC80] =	vst v63  }
0x43: {  	s15 =	sadd.s32 $0x500, s14  }
0x44: {  	[tilespmem:s19], [sflag:$0x2] =	stream.linear.gather [hbm4b:s15+s3], $0xA0, $0x38;
	[tilespmem:$0x1DC80] =	vst v63  }
0x45: {  	_ =	swait.ge [sflag:s22], $0xA0  }
0x46: {  	[sflag:s22] =	ssyncset.done $0x0  }
0x47: {  	[sflag:s22] =	ssyncadd.s32 $0xFFFFFF60  }
0x48: {  	[tilespmem:s26], [sflag:$0x3] =	stream.indirect.gather [hbm4b:s4+s25], $0x80, s3, s25, $0xb8;
	[tilespmem:$0x1DC80] =	vst v63  }
0x49: {  	_ =	swait.ge [sflag:s2], $0x5000  }
0x4a: {  	[sflag:s2] =	ssyncset.done $0x0  }
0x4b: {  	[sflag:s2] =	ssyncadd.s32 $0xFFFFB000  }
0x4c: {  	_ =	swait.ge [sflag:s6], $0xA0  }
0x4d: {  	[sflag:s6] =	ssyncset.done $0x0  }
0x4e: {  	[sflag:s6] =	ssyncadd.s32 $0xFFFFFF60  }
0x4f: {  	[spmem:s1] =	stream.indirect.scatter.add.f32 [tilespmem:s29], [sflag:$0x8], $0x80, s21, s25, $0xb8;
	[tilespmem:$0x1DC80] =	vst v63  }
0x50: {  	_ =	swait.ge [sflag:s7], $0x5000  }
0x51: {  	[sflag:s7] =	ssyncset.done $0x0  }
0x52: {  	s11 =	sadd.s32 $0x780, s11;
	[sflag:s7] =	ssyncadd.s32 $0xFFFFB000  }
0x53: {  	[tilespmem:s20], [sflag:$0x5] =	stream.linear.gather [hbm4b:s11+s3], $0xA0, $0x38;
	[tilespmem:$0x1DC80] =	vst v63  }
0x54: {  	s13 =	sadd.s32 $0x780, s14;
	s11 =	simm.s32 $0x500  }
.LBB2_2:
0x55: {  	[tilespmem:s21], [sflag:$0x6] =	stream.linear.gather [hbm4b:s13+s3], $0xA0, $0x38;
	[tilespmem:$0x1DC80] =	vst v63  }
0x56: {  	s13 =	smov.u32 s11  }
0x57: {  	p3 =	sne.s32 s11, $0x9100;
	s11 =	sadd.s32 $0x500, s11;
	_ =	swait.ge [sflag:s28], $0xA0  }
0x58: {  	[sflag:s28] =	ssyncset.done $0x0  }
0x59: {  	[sflag:s28] =	ssyncadd.s32 $0xFFFFFF60  }
0x5a: {  	[tilespmem:s29], [sflag:$0x7] =	stream.indirect.gather [hbm4b:s4+s25], $0x80, s20, s25, $0xb8;
	[tilespmem:$0x1DC80] =	vst v63  }
0x5b: {  	_ =	swait.ge [sflag:s30], $0x5000  }
0x5c: {  	[sflag:s30] =	ssyncset.done $0x0  }
0x5d: {  	[sflag:s30] =	ssyncadd.s32 $0xFFFFB000  }
0x5e: {  	_ =	swait.ge [sflag:s31], $0xA0  }
0x5f: {  	[sflag:s31] =	ssyncset.done $0x0  }
0x60: {  	[sflag:s31] =	ssyncadd.s32 $0xFFFFFF60  }
0x61: {  	[spmem:s1] =	stream.indirect.scatter.add.f32 [tilespmem:s26], [sflag:$0x4], $0x80, s19, s25, $0xb8;
	[tilespmem:$0x1DC80] =	vst v63  }
0x62: {  	_ =	swait.ge [sflag:s0], $0x5000  }
0x63: {  	s14 =	sadd.s32 s13, s16;
	[sflag:s0] =	ssyncset.done $0x0  }
0x64: {  	s13 =	sadd.s32 s13, s17;
	s15 =	sadd.s32 $0x500, s14;
	[sflag:s0] =	ssyncadd.s32 $0xFFFFB000  }
0x65: {  	[tilespmem:s3], [sflag:$0x1] =	stream.linear.gather [hbm4b:s15+s3], $0xA0, $0x38;
	[tilespmem:$0x1DC80] =	vst v63  }
0x66: {  	s15 =	sadd.s32 $0x500, s13  }
0x67: {  	[tilespmem:s19], [sflag:$0x2] =	stream.linear.gather [hbm4b:s15+s3], $0xA0, $0x38;
	[tilespmem:$0x1DC80] =	vst v63  }
0x68: {  	_ =	swait.ge [sflag:s22], $0xA0  }
0x69: {  	[sflag:s22] =	ssyncset.done $0x0  }
0x6a: {  	[sflag:s22] =	ssyncadd.s32 $0xFFFFFF60  }
0x6b: {  	[tilespmem:s26], [sflag:$0x3] =	stream.indirect.gather [hbm4b:s4+s25], $0x80, s3, s25, $0xb8;
	[tilespmem:$0x1DC80] =	vst v63  }
0x6c: {  	_ =	swait.ge [sflag:s2], $0x5000  }
0x6d: {  	[sflag:s2] =	ssyncset.done $0x0  }
0x6e: {  	[sflag:s2] =	ssyncadd.s32 $0xFFFFB000  }
0x6f: {  	_ =	swait.ge [sflag:s6], $0xA0  }
0x70: {  	[sflag:s6] =	ssyncset.done $0x0  }
0x71: {  	[sflag:s6] =	ssyncadd.s32 $0xFFFFFF60  }
0x72: {  	[spmem:s1] =	stream.indirect.scatter.add.f32 [tilespmem:s29], [sflag:$0x8], $0x80, s21, s25, $0xb8;
	[tilespmem:$0x1DC80] =	vst v63  }
.Ltmp0:
0x73: {  	_ =	swait.ge [sflag:s7], $0x5000;
	(pc) =	sbr.rel @p3 .LBB2_2-.Ltmp0, $4  }
0x74: {  	[sflag:s7] =	ssyncset.done $0x0  }
0x75: {  	s14 =	sadd.s32 $0x780, s14;
	[sflag:s7] =	ssyncadd.s32 $0xFFFFB000  }
0x76: {  	[tilespmem:s20], [sflag:$0x5] =	stream.linear.gather [hbm4b:s14+s3], $0xA0, $0x38;
	[tilespmem:$0x1DC80] =	vst v63  }
0x77: {  	s13 =	sadd.s32 $0x780, s13  }
0x78: {  	[tilespmem:s21], [sflag:$0x6] =	stream.linear.gather [hbm4b:s13+s3], $0xA0, $0x38;
	[tilespmem:$0x1DC80] =	vst v63  }
0x79: {  	_ =	swait.ge [sflag:s28], $0xA0  }
0x7a: {  	[sflag:s28] =	ssyncset.done $0x0  }
0x7b: {  	[sflag:s28] =	ssyncadd.s32 $0xFFFFFF60  }
0x7c: {  	[tilespmem:s29], [sflag:$0x7] =	stream.indirect.gather [hbm4b:s4+s25], $0x80, s20, s25, $0xb8;
	[tilespmem:$0x1DC80] =	vst v63  }
0x7d: {  	_ =	swait.ge [sflag:s30], $0x5000  }
0x7e: {  	[sflag:s30] =	ssyncset.done $0x0  }
0x7f: {  	[sflag:s30] =	ssyncadd.s32 $0xFFFFB000  }
0x80: {  	_ =	swait.ge [sflag:s31], $0xA0  }
0x81: {  	[sflag:s31] =	ssyncset.done $0x0  }
0x82: {  	[sflag:s31] =	ssyncadd.s32 $0xFFFFFF60  }
0x83: {  	[spmem:s1] =	stream.indirect.scatter.add.f32 [tilespmem:s26], [sflag:$0x4], $0x80, s19, s25, $0xb8;
	[tilespmem:$0x1DC80] =	vst v63  }
0x84: {  	_ =	swait.ge [sflag:s0], $0x5000  }
0x85: {  	[sflag:s0] =	ssyncset.done $0x0  }
0x86: {  	s11 =	simm.s32 @!p1 $0x0;
	s13 =	rddreg [dreg:$0xa];
	[sflag:s0] =	ssyncadd.s32 $0xFFFFB000  }
0x87: {  	[tilespmem:s11], [sflag:$0x1] =	stream.linear.gather @!p1 [hbm4b:s13+s11], $0xA0, $0x38;
	[tilespmem:$0x1DC80] =	vst v63  }
0x88: {  	s14 =	rddreg [dreg:$0xb];
	s13 =	simm.s32 @!p1 $0x100  }
0x89: {  	[tilespmem:s13], [sflag:$0x2] =	stream.linear.gather @!p1 [hbm4b:s14+s11], $0xA0, $0x38;
	[tilespmem:$0x1DC80] =	vst v63  }
0x8a: {  	s13 =	simm.s32 @!p1 $0x1  }
0x8b: {  	_ =	swait.ge @!p1 [sflag:s13], $0xA0  }
0x8c: {  	[sflag:s13] =	ssyncset.done @!p1 $0x0  }
0x8d: {  	s14 =	simm.s32 @!p1 $0x400;
	[sflag:s13] =	ssyncadd.s32 @!p1 $0xFFFFFF60;
	s13 =	simm.s32 @!p1 $0xA0  }
0x8e: {  	[tilespmem:s14], [sflag:$0x3] =	stream.indirect.gather @!p1 [hbm4b:s4+s13], $0x80, s11, s13, $0xb8;
	[tilespmem:$0x1DC80] =	vst v63  }
0x8f: {  	_ =	swait.ge [sflag:s2], $0x5000  }
0x90: {  	[sflag:s2] =	ssyncset.done $0x0  }
0x91: {  	[sflag:s2] =	ssyncadd.s32 $0xFFFFB000  }
0x92: {  	_ =	swait.ge [sflag:s6], $0xA0  }
0x93: {  	[sflag:s6] =	ssyncset.done $0x0  }
0x94: {  	[sflag:s6] =	ssyncadd.s32 $0xFFFFFF60  }
0x95: {  	[spmem:s1] =	stream.indirect.scatter.add.f32 [tilespmem:s29], [sflag:$0x8], $0x80, s21, s25, $0xb8;
	[tilespmem:$0x1DC80] =	vst v63  }
0x96: {  	_ =	swait.ge [sflag:s7], $0x5000  }
0x97: {  	[sflag:s7] =	ssyncset.done $0x0  }
0x98: {  	s11 =	simm.s32 @!p2 $0x3;
	[sflag:s7] =	ssyncadd.s32 $0xFFFFB000  }
0x99: {  	_ =	swait.ge @!p2 [sflag:s11], $0x5000  }
0x9a: {  	[sflag:s11] =	ssyncset.done @!p2 $0x0  }
0x9b: {  	[sflag:s11] =	ssyncadd.s32 @!p2 $0xFFFFB000;
	s11 =	simm.s32 @!p2 $0x2  }
0x9c: {  	_ =	swait.ge @!p2 [sflag:s11], $0xA0  }
0x9d: {  	s13 =	simm.s32 @!p2 $0x100;
	[sflag:s11] =	ssyncset.done @!p2 $0x0  }
0x9e: {  	s14 =	simm.s32 @!p2 $0x400;
	[sflag:s11] =	ssyncadd.s32 @!p2 $0xFFFFFF60;
	s11 =	simm.s32 @!p2 $0xA0  }
0x9f: {  	[spmem:s1] =	stream.indirect.scatter.add.f32 @!p2 [tilespmem:s14], [sflag:$0x4], $0x80, s13, s11, $0xb8;
	[tilespmem:$0x1DC80] =	vst v63  }
0xa0: {  	s11 =	simm.s32 @!p2 $0x4  }
0xa1: {  	_ =	swait.ge @!p2 [sflag:s11], $0x5000  }
0xa2: {  	[sflag:s11] =	ssyncset.done @!p2 $0x0  }
0xa3: {  	[sflag:s11] =	ssyncadd.s32 @!p2 $0xFFFFB000  }
0xa4: {  	[bflag:$0x0] =	sbarrier.arrive $0xFFFF  }
0xa5: {  	[hbm:s23], [sflag:s12] =	dma.local [spmem:s9], $0x1900  }
0xa6: {  	_ =	swait.ge [sflag:s18], $0x1900  }
0xa7: {  	[sflag:s18] =	ssyncset.done $0x0  }
0xa8: {  	s9 =	simm.s32 @!p0 $0x9;
	[sflag:s18] =	ssyncadd.s32 $0xFFFFE700  }
0xa9: {  	[hbm:s24], [sflag:s12] =	dma.local @!p0 [spmem:s10], $0x1900  }
0xaa: {  	_ =	swait.ge @!p0 [sflag:s9], $0x1900  }
0xab: {  	s8 =	sadd.s32 $0x1, s8;
	s15 =	rddreg [dreg:$0x7]  }
0xac: {  	p3 =	sne.s32 s8, s15  }
.Ltmp1:
0xad: {  	_ = 	snop;
	(pc) =	sbr.rel @p3 .LBB2_1-.Ltmp1, $3  }
0xae: {  	_ =	sdelay $0x1  }
0xaf: {  	[sflag:s9] =	ssyncset.done @!p0 $0x0  }
0xb0: {  	[sflag:s9] =	ssyncadd.s32 @!p0 $0xFFFFE700  }
0xb1: {  	_ =	sfence.sel $0x180000  }
0xb2: {  	[bflag:$0x0] =	sbarrier.arrive $0xFFFF  }
0xb3: {  	_ =	strace $0x9000004A  }
0xb4: {  	s0 =	stileid.u32;
	[bflag:$0x2] =	sbarrier.arrive $0xFFFF  }
0xb5: {  	p0 =	sne.s32 s0, $0x0;
	s0 =	rddreg [dreg:$0x2]  }
0xb6: {  	s0 =	sadd.s32 @!p0 $0x100000, s0  }
0xb7: {  	[sflag:s0] =	ssyncadd.tile.s32 @!p0 $0x1;
	_ =	shalt  }
.Lfunc_end2:
_tile_overlayer_lowered:
.L_overlay_start_2:
0xb8: {  	(tag) =	ssettag $0x2  }
0xb9: {  	s0 =	rddreg [dreg:$0x0];
	s2 =	stileid.u32  }
0xba: {  	s1 =	rddreg [dreg:$0x1];
	p0 =	sne.s32 s2, $0x0  }
0xbb: {  	s3 =	rddreg [dreg:$0x2];
	[bflag:$0x3] =	sbarrier.arrive $0xFFFF;
	s2 =	simm.s32 @!p0 $0x1C09  }
0xbc: {  	[timem:s3], [sflag:s2] =	dma.local @!p0 [hbm:s0], s1  }
0xbd: {  	s0 =	simm.s32 @!p0 $0x9  }
0xbe: {  	_ =	swait.ge @!p0 [sflag:s0], s1  }
0xbf: {  	s1 =	ssub.s32 @!p0 $0x0, s1;
	[sflag:s0] =	ssyncset.done @!p0 $0x0  }
0xc0: {  	[sflag:s0] =	ssyncadd.s32 @!p0 s1  }
0xc1: {  	[bflag:$0x3] =	sbarrier.arrive $0xFFFF  }
0xc2: {  	_ =	shalt  }

// kernel: kernel.18.cloned.1.call-start
scs
__scs_entry_jumppad:
0x0: {  	(pc) =	sbr.rel $0x88, $3  }
0x1: {  	(tag) =	ssettag $0x0;
	lr =	simm.s32 $0x1  }
0x2: {  	[smem:$0x3F94] =	sst lr;
	_ =	strace $0xD0000000  }
0x3: {  	_ = 	snop  }
0x4: {  	_ = 	snop  }
0x5: {  	_ = 	snop  }
0x6: {  	_ = 	snop  }
0x7: {  	_ = 	snop  }
__scs_overlays_trampoline_lowered:
0x8: {  	[smem:$0x3FA3] =	sst s0  }
0x9: {  	[smem:$0x3FA4] =	sst s1  }
0xa: {  	[smem:$0x3FA5] =	sst s2  }
0xb: {  	[smem:$0x3FA6] =	sst s3  }
0xc: {  	[smem:$0x3FA7] =	sst s4  }
0xd: {  	[smem:$0x3FA8] =	sst s5  }
0xe: {  	[smem:$0x3FA9] =	sst s6  }
0xf: {  	[smem:$0x3FAA] =	sst s7  }
0x10: {  	[smem:$0x3FAB] =	sst s8  }
0x11: {  	[smem:$0x3FAC] =	sst s9;
	s0 =	simm.s32 @!p0 $0x0  }
0x12: {  	s1 =	sld [smem:$0x3F92];
	s0 =	simm.s32 @p0 $0x1  }
0x13: {  	[smem:$0x3FAD] =	sst s0;
	s0 =	simm.s32 @!p1 $0x0  }
0x14: {  	s2 =	sld [smem:$0x3F91];
	s0 =	simm.s32 @p1 $0x1  }
0x15: {  	[smem:$0x3FAE] =	sst s0;
	s0 =	simm.s32 @!p2 $0x0  }
0x16: {  	s3 =	sld [smem:$0x3FDB];
	s0 =	simm.s32 @p2 $0x1  }
0x17: {  	s4 =	simm.s32 $0x1BF5;
	[smem:$0x3FB0] =	sst s0  }
0x18: {  	s0 =	sld [smem:$0x3F93];
	_ =	swait.ge [sflag:s4], $0x0  }
0x19: {  	s7 =	sld [smem:$0x3F94]  }
0x1a: {  	s8 =	sadd.s32 $0xFFFFE003, lr  }
0x1b: {  	s9 =	sadd.s32 $0xFFFFFEF7, lr;
	s5 =	simm.s32 $0xFFFFFFFF;
	p2 =	slt.u32 s8, $0xFFFFF086  }
0x1c: {  	p1 =	slt.u32 s9, $0xF7A;
	s5 =	simm.s32 @!p2 $0x0  }
0x1d: {  	s5 =	simm.s32 @p1 $0x1;
	p0 =	seq.s32 s7, s2  }
0x1e: {  	s7 =	smul.u32 @!p0 $0xF7A, s2;
	p2 =	seq.s32 @!p0 s5, $0x0  }
0x1f: {  	s9 =	smul.u32 $0xF7A, s1;
	s8 =	simm.s32 @!p0 $0x1BF5;
	p2 =	por !p2, p0  }
0x20: {  	[sflag:s8] =	ssyncset.s32 @!p0 $0xFFFFF086;
	s6 =	sadd.s32 @!p0 s3, s7;
	s7 =	simm.s32 @!p0 $0x108  }
0x21: {  	s3 =	sadd.s32 s3, s9;
	s6 =	sadd.s32 @!p0 $0x88, s6;
	s7 =	simm.s32 @p2 $0x1082  }
0x22: {  	[simem:s7], [sflag:s8] =	dma.local @!p0 [hbm:s6], $0xF7A  }
0x23: {  	s9 =	sor.u32 $0xD0000000, s2;
	s6 =	simm.s32 $0x108;
	_ =	swait.ge @!p0 [sflag:s8], $0x0  }
0x24: {  	s3 =	sadd.s32 $0x88, s3;
	s6 =	simm.s32 @!p1 $0x1082;
	[sflag:s4] =	ssyncset.s32 $0xFFFFF086  }
0x25: {  	[simem:s6], [sflag:s4] =	dma.local [hbm:s3], $0xF7A  }
0x26: {  	[smem:$0x3F94] =	sst s1;
	(tag) =	ssettag s2;
	_ =	strace s9  }
0x27: {  	s1 =	sld [smem:$0x3FA4]  }
0x28: {  	s2 =	sld [smem:$0x3FA5]  }
0x29: {  	s4 =	sld [smem:$0x3FA7]  }
0x2a: {  	p0 =	seq.s32 s5, $0x0;
	s5 =	sld [smem:$0x3FA8]  }
0x2b: {  	s6 =	sld [smem:$0x3FA9]  }
0x2c: {  	s7 =	sld [smem:$0x3FAA]  }
0x2d: {  	s3 =	simm.s32 $0x108;
	s8 =	sld [smem:$0x3FAB]  }
0x2e: {  	s3 =	simm.s32 @!p0 $0x1082;
	s9 =	sld [smem:$0x3FAC]  }
0x2f: {  	lr =	sadd.s32 s0, s3;
	s0 =	sld [smem:$0x3FA3]  }
0x30: {  	s3 =	sld [smem:$0x3FA6]  }
0x31: {  	[smem:$0x3FAF] =	sst s10  }
0x32: {  	s10 =	sld [smem:$0x3FAD];
	_ =	sdelay $0x3  }
0x33: {  	p0 =	seq.s32 s10, $0x1;
	s10 =	sld [smem:$0x3FAF];
	_ =	sdelay $0x3  }
0x34: {  	[smem:$0x3FAF] =	sst s10  }
0x35: {  	s10 =	sld [smem:$0x3FAE];
	_ =	sdelay $0x3  }
0x36: {  	p1 =	seq.s32 s10, $0x1;
	s10 =	sld [smem:$0x3FAF];
	_ =	sdelay $0x3  }
0x37: {  	[smem:$0x3FAF] =	sst s10  }
0x38: {  	s10 =	sld [smem:$0x3FB0]  }
0x39: {  	_ = 	snop;
	(pc) =	sbr.ind lr, $3  }
0x3a: {  	_ = 	snop  }
0x3b: {  	_ = 	snop  }
0x3c: {  	p2 =	seq.s32 s10, $0x1;
	s10 =	sld [smem:$0x3FAF]  }
0x3d: {  	_ =	shalt  }
0x3e: {  	_ =	shalt  }
0x3f: {  	_ =	shalt  }
0x40: {  	_ =	shalt  }
0x41: {  	_ =	shalt  }
0x42: {  	_ =	shalt  }
0x43: {  	_ =	shalt  }
0x44: {  	_ =	shalt  }
0x45: {  	_ =	shalt  }
0x46: {  	_ =	shalt  }
0x47: {  	_ =	shalt  }
0x48: {  	_ =	shalt  }
0x49: {  	_ =	shalt  }
0x4a: {  	_ =	shalt  }
0x4b: {  	_ =	shalt  }
0x4c: {  	_ =	shalt  }
0x4d: {  	_ =	shalt  }
0x4e: {  	_ =	shalt  }
0x4f: {  	_ =	shalt  }
0x50: {  	_ =	shalt  }
0x51: {  	_ =	shalt  }
0x52: {  	_ =	shalt  }
0x53: {  	_ =	shalt  }
0x54: {  	_ =	shalt  }
0x55: {  	_ =	shalt  }
0x56: {  	_ =	shalt  }
0x57: {  	_ =	shalt  }
0x58: {  	_ =	shalt  }
0x59: {  	_ =	shalt  }
0x5a: {  	_ =	shalt  }
0x5b: {  	_ =	shalt  }
0x5c: {  	_ =	shalt  }
0x5d: {  	_ =	shalt  }
0x5e: {  	_ =	shalt  }
0x5f: {  	_ =	shalt  }
0x60: {  	_ =	shalt  }
0x61: {  	_ =	shalt  }
0x62: {  	_ =	shalt  }
0x63: {  	_ =	shalt  }
0x64: {  	_ =	shalt  }
0x65: {  	_ =	shalt  }
0x66: {  	_ =	shalt  }
0x67: {  	_ =	shalt  }
0x68: {  	_ =	shalt  }
0x69: {  	_ =	shalt  }
0x6a: {  	_ =	shalt  }
0x6b: {  	_ =	shalt  }
0x6c: {  	_ =	shalt  }
0x6d: {  	_ =	shalt  }
0x6e: {  	_ =	shalt  }
0x6f: {  	_ =	shalt  }
0x70: {  	_ =	shalt  }
0x71: {  	_ =	shalt  }
0x72: {  	_ =	shalt  }
0x73: {  	_ =	shalt  }
0x74: {  	_ =	shalt  }
0x75: {  	_ =	shalt  }
0x76: {  	_ =	shalt  }
0x77: {  	_ =	shalt  }
0x78: {  	_ =	shalt  }
0x79: {  	_ =	shalt  }
0x7a: {  	_ =	shalt  }
0x7b: {  	_ =	shalt  }
0x7c: {  	_ =	shalt  }
0x7d: {  	_ =	shalt  }
0x7e: {  	_ =	shalt  }
0x7f: {  	_ =	shalt  }
0x80: {  	_ =	shalt  }
0x81: {  	_ =	shalt  }
0x82: {  	_ =	shalt  }
0x83: {  	_ =	shalt  }
0x84: {  	_ =	shalt  }
0x85: {  	_ =	shalt  }
0x86: {  	_ =	shalt  }
0x87: {  	_ =	shalt  }
.Lfunc_end0:
.L_simem_size_0:
called_computation.2_lowered:
.L_overlay_start_0:
0x88: {  	s2 =	sld [smem:$0x3FD9]  }
0x89: {  	s3 =	sld [smem:$0x3FFE];
	_ =	sdelay $0x1  }
0x8a: {  	s1 =	srdreg.scid  }
0x8b: {  	s0 =	sand.u32 $0x1, s1  }
0x8c: {  	s16 =	sshll.u32 s0, $0xA;
	s2 =	sadd.s32 s3, s2  }
0x8d: {  	s2 =	sadd.s32 s2, s16  }
0x8e: {  	[smem:$0x3FBB] =	sst s2  }
0x8f: {  	_ = 	snop  }
0x90: {  	(tm) =	ssettm $0x1  }
0x91: {  	s17 =	sld [smem:$0x3FFB];
	_ =	sdelay $0x3  }
0x92: {  	_ =	strace s17  }
0x93: {  	s2 =	sld [smem:$0x3FFC];
	_ =	sdelay $0x3  }
0x94: {  	_ =	strace s2  }
0x95: {  	s2 =	sld [smem:$0x3FFD];
	_ =	sdelay $0x3  }
0x96: {  	_ =	strace s2  }
0x97: {  	_ =	strace $0x8FFFFFFF  }
0x98: {  	s18 =	sld [smem:$0x3FDB];
	_ =	sdelay $0x1  }
0x99: {  	s19 =	simm.s32 $_scs_section_size  }
0x9a: {  	s4 =	simm.s32 $_size__tile_overlayer_lowered;
	s5 =	simm.s32 $_tile_overlayer_lowered  }
0x9b: {  	s22 =	simm.s32 $0x1BFF;
	s21 =	sshll.u32 s5, $0x1;
	s2 =	sadd.s32 s19, s18  }
0x9c: {  	s6 =	simm.s32 $0x0;
	s20 =	sshll.u32 s4, $0x1;
	s4 =	sadd.s32 s21, s2  }
0x9d: {  	[timem:s6], [sflag:s22] =	dma.local [hbm:s4], s20  }
0x9e: {  	_ =	swait.ge [sflag:s22], s20  }
0x9f: {  	s3 =	ssub.s32 $0x0, s20;
	[sflag:s22] =	ssyncset.done $0x0  }
0xa0: {  	[sflag:s22] =	ssyncadd.s32 s3;
	_ =	sdelay $0x1  }
0xa1: {  	s23 =	simm.s32 $0x1B8B  }
0xa2: {  	_ =	swait.ge [sflag:s23], $0x1  }
0xa3: {  	[sflag:s23] =	ssyncset.done $0x0  }
0xa4: {  	s25 =	simm.s32 $0x1B8E;
	s24 =	sld [smem:$0x3FFE];
	[sflag:s23] =	ssyncadd.s32 $0xFFFFFFFF  }
0xa5: {  	s26 =	simm.s32 $execute0_lowered;
	[smem:$0x3FD2] =	sst s25  }
0xa6: {  	s4 =	sshll.u32 s26, $0x1;
	_ =	strace $0x8000004C;
	[dreg:$0x1] =	wrdreg $0xFFFFFFFF  }
0xa7: {  	s28 =	simm.s32 $_size_execute0_lowered;
	s2 =	sadd.s32 s2, s4;
	[dreg:$0x0] =	wrdreg $0x0  }
0xa8: {  	s4 =	sshll.u32 s28, $0x1;
	[dreg:$0x2] =	wrdreg s2  }
0xa9: {  	[dreg:$0x3] =	wrdreg s4  }
0xaa: {  	[dreg:$0x4] =	wrdreg $0xC0  }
0xab: {  	_ =	task [dreg:s6], $0x5FFFF  }
0xac: {  	[dreg:$0x1] =	wrdreg $0xFFFFFFFF  }
0xad: {  	[dreg:$0x0] =	wrdreg $0x60  }
0xae: {  	[dreg:$0x2] =	wrdreg s24  }
0xaf: {  	[dreg:$0x3] =	wrdreg $0xA4000  }
0xb0: {  	[dreg:$0x4] =	wrdreg $0x9  }
0xb1: {  	_ =	task.clear_ibuf [dreg:s6], $0x5FFFF;
	_ =	strace $0x9000004C  }
0xb2: {  	s29 =	simm.s32 $0x9;
	_ =	strace $0x8000004E  }
0xb3: {  	_ =	swait.ge [sflag:s29], $0x1  }
0xb4: {  	[sflag:s29] =	ssyncadd.s32 $0xFFFFFFFF  }
0xb5: {  	_ =	strace $0x9000004E  }
0xb6: {  	_ =	sfence  }
0xb7: {  	s30 =	sld [smem:$0x0];
	_ =	sdelay $0x2  }
0xb8: {  	s31 =	sshll.u32 s1, $0xD;
	s1 =	sshrl.u32 s1, $0x2  }
0xb9: {  	s3 =	sand.u32 $0x4000, s31;
	s1 =	sadd.s32 s1, s30  }
0xba: {  	s0 =	sor.u32 s3, s0;
	s1 =	sshll.u32 s1, $0x11  }
0xbb: {  	s0 =	sor.u32 s1, s0  }
0xbc: {  	s0 =	sadd.s32 $0x8F2B, s0  }
0xbd: {  	[sflag:s0] =	ssyncadd.remote.s32 $0x1  }
0xbe: {  	_ =	sfence.sel $0xFFFF  }
0xbf: {  	[dreg:$0x0] =	wrdreg $0xFFFFFFFF;
	(pc) =	sbr.abs _section_cstart, $3  }
0xc0: {  	[dreg:$0x1] =	wrdreg $0xFFFFFFFF  }
0xc1: {  	_ =	task.clear_ibuf [dreg:s6], $0x2FFFF;
	_ =	strace $0x9FFFFFFF  }
0xc2: {  	(tm) =	ssettm $0x7FFFFFFF  }
0xc3: {  	_ =	shalt  }
tec
execute0_lowered:
.L_overlay_start_1:
0x0: {  	(tag) =	ssettag $0x1  }
0x1: {  	s0 =	rddreg [dreg:$0x0]  }
0x2: {  	s1 =	rddreg [dreg:$0x1]  }
0x3: {  	s2 =	srdreg.scid;
	s3 =	simm.s32 $0x0;
	s14 =	stileid.u32  }
0x4: {  	s28 =	simm.s32 $0x5;
	s29 =	simm.s32 $0x5400;
	s30 =	simm.s32 $0x3  }
0x5: {  	s31 =	simm.s32 $0x2;
	s2 =	sand.u32 $0x1, s2;
	[smem:$0x7FF] =	sst s3  }
0x6: {  	s8 =	sadd.s32 $0x3C00, s0;
	s10 =	sadd.s32 $0xDA00, s0;
	s18 =	smul.u32 $0x32000, s14  }
0x7: {  	s5 =	sadd.s32 $0x3EA00, s0;
	s13 =	sor.u32 $0x10, s14;
	s25 =	smul.u32 $0x14, s14  }
0x8: {  	s23 =	sshll.u32 s14, $0x6;
	s4 =	sshll.u32 s2, $0x4;
	s6 =	smul.u32 $0x27100, s2  }
0x9: {  	_ =	strace $0x8000004D;
	s11 =	ssub.s32 $0x2, s2;
	s20 =	smul.u32 $0x32000, s13  }
0xa: {  	s24 =	smul.u32 $0x1900, s13;
	p0 =	sgt.u32 s13, $0x18;
	s7 =	sor.u32 s14, s4  }
0xb: {  	p2 =	sne.s32 s2, $0x0;
	s4 =	sadd.s32 $0x17800, s0;
	s9 =	smul.u32 $0x14, s7  }
0xc: {  	s15 =	sshrl.u32 s11, $0x1;
	s12 =	smul.u32 $0xA0, s7;
	s0 =	sadd.s32 s6, s0  }
0xd: {  	s6 =	ssub.s32 s11, s15;
	s7 =	sor.u32 $0x7C0, s7;
	s15 =	smul.u32 $0x140, s2  }
0xe: {  	s2 =	simm.s32 $0x7;
	s0 =	sadd.s32 $0x40400, s0;
	s6 =	smax.u32 s6, $0x1  }
0xf: {  	s22 =	smul.u32 $0x14, s7;
	p1 =	sgt.u32 s7, $0x7CF;
	s7 =	simm.s32 $0x8  }
0x10: {  	s16 =	sadd.s32 s8, s9;
	s17 =	sshrl.u32 s12, $0x3;
	s9 =	sadd.s32 s10, s9  }
0x11: {  	s12 =	sshrl.u32 s18, $0x2;
	[dreg:$0x7] =	wrdreg s6;
	s18 =	simm.s32 $0x9  }
0x12: {  	s24 =	sadd.s32 @!p0 s24, s0;
	[dreg:$0x3] =	wrdreg s16;
	s11 =	sadd.s32 $0x280, s17  }
0x13: {  	[dreg:$0x4] =	wrdreg s9;
	s21 =	sadd.s32 s12, s1;
	s9 =	sshrl.u32 s20, $0x2  }
0x14: {  	s12 =	sor.u32 $0x1C09, s23;
	s26 =	sadd.s32 s8, s22;
	s17 =	sadd.s32 s15, s10  }
0x15: {  	s6 =	sadd.s32 s10, s22;
	s20 =	simm.s32 $0x200;
	[dreg:$0x8] =	wrdreg s21  }
0x16: {  	s22 =	simm.s32 $0x1;
	s19 =	sadd.s32 s8, s11;
	[dreg:$0xa] =	wrdreg s26  }
0x17: {  	s11 =	sadd.s32 s10, s11;
	s9 =	sadd.s32 s9, s1;
	[dreg:$0xb] =	wrdreg s6  }
0x18: {  	s8 =	sadd.s32 s15, s8;
	s17 =	sadd.s32 s25, s17;
	[dreg:$0x5] =	wrdreg s19  }
0x19: {  	s21 =	simm.s32 $0x300;
	s26 =	simm.s32 $0x400;
	[dreg:$0x6] =	wrdreg s11  }
0x1a: {  	s6 =	simm.s32 $0x6;
	s11 =	smul.u32 $0x1900, s14;
	[dreg:$0x9] =	wrdreg s9  }
0x1b: {  	s16 =	sadd.s32 s25, s8;
	s19 =	simm.s32 $0x100;
	s25 =	simm.s32 $0xA0  }
0x1c: {  	s8 =	simm.s32 $0x0;
	s23 =	sadd.s32 s11, s0;
	s0 =	simm.s32 $0x4  }
.LBB2_1:
0x1d: {  	s9 =	rddreg [dreg:$0x8]  }
0x1e: {  	s9 =	sshrl.u32 s9, $0x3  }
0x1f: {  	[spmem:s9], [sflag:s12] =	dma.local [hbm:s5], $0x1900  }
0x20: {  	_ =	swait.ge [sflag:s18], $0x1900  }
0x21: {  	[sflag:s18] =	ssyncset.done $0x0;
	s10 =	rddreg [dreg:$0x9]  }
0x22: {  	s11 =	simm.s32 @!p0 $0x9;
	[sflag:s18] =	ssyncadd.s32 $0xFFFFE700;
	s10 =	sshrl.u32 @!p0 s10, $0x3  }
0x23: {  	[spmem:s10], [sflag:s12] =	dma.local @!p0 [hbm:s5], $0x1900  }
0x24: {  	_ =	swait.ge @!p0 [sflag:s11], $0x1900  }
0x25: {  	[sflag:s11] =	ssyncset.done @!p0 $0x0  }
0x26: {  	[sflag:s11] =	ssyncadd.s32 @!p0 $0xFFFFE700  }
0x27: {  	[bflag:$0x0] =	sbarrier.arrive $0xFFFF  }
0x28: {  	s14 =	rddreg [dreg:$0x3]  }
0x29: {  	[tilespmem:s3], [sflag:$0x1] =	stream.linear.gather [hbm4b:s14+s3], $0xA0, $0x38;
	[tilespmem:$0x1DC80] =	vst v63  }
0x2a: {  	s15 =	rddreg [dreg:$0x4]  }
0x2b: {  	[tilespmem:s19], [sflag:$0x2] =	stream.linear.gather [hbm4b:s15+s3], $0xA0, $0x38;
	[tilespmem:$0x1DC80] =	vst v63  }
0x2c: {  	s13 =	rddreg [dreg:$0x5]  }
0x2d: {  	[tilespmem:s20], [sflag:$0x5] =	stream.linear.gather [hbm4b:s13+s3], $0xA0, $0x38;
	[tilespmem:$0x1DC80] =	vst v63  }
0x2e: {  	s14 =	rddreg [dreg:$0x6]  }
0x2f: {  	[tilespmem:s21], [sflag:$0x6] =	stream.linear.gather [hbm4b:s14+s3], $0xA0, $0x38;
	[tilespmem:$0x1DC80] =	vst v63  }
0x30: {  	_ =	swait.ge [sflag:s22], $0xA0  }
0x31: {  	[sflag:s22] =	ssyncset.done $0x0  }
0x32: {  	[sflag:s22] =	ssyncadd.s32 $0xFFFFFF60  }
0x33: {  	[tilespmem:s26], [sflag:$0x3] =	stream.indirect.gather [hbm4b:s4+s25], $0x80, s3, s25, $0xb8;
	[tilespmem:$0x1DC80] =	vst v63  }
0x34: {  	_ =	swait.ge [sflag:s28], $0xA0  }
0x35: {  	[sflag:s28] =	ssyncset.done $0x0  }
0x36: {  	[sflag:s28] =	ssyncadd.s32 $0xFFFFFF60  }
0x37: {  	[tilespmem:s29], [sflag:$0x7] =	stream.indirect.gather [hbm4b:s4+s25], $0x80, s20, s25, $0xb8;
	[tilespmem:$0x1DC80] =	vst v63  }
0x38: {  	_ =	swait.ge [sflag:s30], $0x5000  }
0x39: {  	[sflag:s30] =	ssyncset.done $0x0  }
0x3a: {  	[sflag:s30] =	ssyncadd.s32 $0xFFFFB000  }
0x3b: {  	_ =	swait.ge [sflag:s31], $0xA0  }
0x3c: {  	[sflag:s31] =	ssyncset.done $0x0  }
0x3d: {  	[sflag:s31] =	ssyncadd.s32 $0xFFFFFF60  }
0x3e: {  	[spmem:s1] =	stream.indirect.scatter.add.f32 [tilespmem:s26], [sflag:$0x4], $0x80, s19, s25, $0xb8;
	[tilespmem:$0x1DC80] =	vst v63  }
0x3f: {  	_ =	swait.ge [sflag:s0], $0x5000  }
0x40: {  	s11 =	sadd.s32 $0x0, s16;
	[sflag:s0] =	ssyncset.done $0x0  }
0x41: {  	s13 =	sadd.s32 $0x500, s11;
	s14 =	sadd.s32 $0x0, s17;
	[sflag:s0] =	ssyncadd.s32 $0xFFFFB000  }
0x42: {  	[tilespmem:s3], [sflag:$0x1] =	stream.linear.gather [hbm4b:s13+s3], $0xA0, $0x38;
	[tilespmem:$0x1DC80] =	vst v63  }
0x43: {  	s15 =	sadd.s32 $0x500, s14  }
0x44: {  	[tilespmem:s19], [sflag:$0x2] =	stream.linear.gather [hbm4b:s15+s3], $0xA0, $0x38;
	[tilespmem:$0x1DC80] =	vst v63  }
0x45: {  	_ =	swait.ge [sflag:s22], $0xA0  }
0x46: {  	[sflag:s22] =	ssyncset.done $0x0  }
0x47: {  	[sflag:s22] =	ssyncadd.s32 $0xFFFFFF60  }
0x48: {  	[tilespmem:s26], [sflag:$0x3] =	stream.indirect.gather [hbm4b:s4+s25], $0x80, s3, s25, $0xb8;
	[tilespmem:$0x1DC80] =	vst v63  }
0x49: {  	_ =	swait.ge [sflag:s2], $0x5000  }
0x4a: {  	[sflag:s2] =	ssyncset.done $0x0  }
0x4b: {  	[sflag:s2] =	ssyncadd.s32 $0xFFFFB000  }
0x4c: {  	_ =	swait.ge [sflag:s6], $0xA0  }
0x4d: {  	[sflag:s6] =	ssyncset.done $0x0  }
0x4e: {  	[sflag:s6] =	ssyncadd.s32 $0xFFFFFF60  }
0x4f: {  	[spmem:s1] =	stream.indirect.scatter.add.f32 [tilespmem:s29], [sflag:$0x8], $0x80, s21, s25, $0xb8;
	[tilespmem:$0x1DC80] =	vst v63  }
0x50: {  	_ =	swait.ge [sflag:s7], $0x5000  }
0x51: {  	[sflag:s7] =	ssyncset.done $0x0  }
0x52: {  	s11 =	sadd.s32 $0x780, s11;
	[sflag:s7] =	ssyncadd.s32 $0xFFFFB000  }
0x53: {  	[tilespmem:s20], [sflag:$0x5] =	stream.linear.gather [hbm4b:s11+s3], $0xA0, $0x38;
	[tilespmem:$0x1DC80] =	vst v63  }
0x54: {  	s13 =	sadd.s32 $0x780, s14;
	s11 =	simm.s32 $0x500  }
.LBB2_2:
0x55: {  	[tilespmem:s21], [sflag:$0x6] =	stream.linear.gather [hbm4b:s13+s3], $0xA0, $0x38;
	[tilespmem:$0x1DC80] =	vst v63  }
0x56: {  	s13 =	smov.u32 s11  }
0x57: {  	p3 =	sne.s32 s11, $0x9100;
	s11 =	sadd.s32 $0x500, s11;
	_ =	swait.ge [sflag:s28], $0xA0  }
0x58: {  	[sflag:s28] =	ssyncset.done $0x0  }
0x59: {  	[sflag:s28] =	ssyncadd.s32 $0xFFFFFF60  }
0x5a: {  	[tilespmem:s29], [sflag:$0x7] =	stream.indirect.gather [hbm4b:s4+s25], $0x80, s20, s25, $0xb8;
	[tilespmem:$0x1DC80] =	vst v63  }
0x5b: {  	_ =	swait.ge [sflag:s30], $0x5000  }
0x5c: {  	[sflag:s30] =	ssyncset.done $0x0  }
0x5d: {  	[sflag:s30] =	ssyncadd.s32 $0xFFFFB000  }
0x5e: {  	_ =	swait.ge [sflag:s31], $0xA0  }
0x5f: {  	[sflag:s31] =	ssyncset.done $0x0  }
0x60: {  	[sflag:s31] =	ssyncadd.s32 $0xFFFFFF60  }
0x61: {  	[spmem:s1] =	stream.indirect.scatter.add.f32 [tilespmem:s26], [sflag:$0x4], $0x80, s19, s25, $0xb8;
	[tilespmem:$0x1DC80] =	vst v63  }
0x62: {  	_ =	swait.ge [sflag:s0], $0x5000  }
0x63: {  	s14 =	sadd.s32 s13, s16;
	[sflag:s0] =	ssyncset.done $0x0  }
0x64: {  	s13 =	sadd.s32 s13, s17;
	s15 =	sadd.s32 $0x500, s14;
	[sflag:s0] =	ssyncadd.s32 $0xFFFFB000  }
0x65: {  	[tilespmem:s3], [sflag:$0x1] =	stream.linear.gather [hbm4b:s15+s3], $0xA0, $0x38;
	[tilespmem:$0x1DC80] =	vst v63  }
0x66: {  	s15 =	sadd.s32 $0x500, s13  }
0x67: {  	[tilespmem:s19], [sflag:$0x2] =	stream.linear.gather [hbm4b:s15+s3], $0xA0, $0x38;
	[tilespmem:$0x1DC80] =	vst v63  }
0x68: {  	_ =	swait.ge [sflag:s22], $0xA0  }
0x69: {  	[sflag:s22] =	ssyncset.done $0x0  }
0x6a: {  	[sflag:s22] =	ssyncadd.s32 $0xFFFFFF60  }
0x6b: {  	[tilespmem:s26], [sflag:$0x3] =	stream.indirect.gather [hbm4b:s4+s25], $0x80, s3, s25, $0xb8;
	[tilespmem:$0x1DC80] =	vst v63  }
0x6c: {  	_ =	swait.ge [sflag:s2], $0x5000  }
0x6d: {  	[sflag:s2] =	ssyncset.done $0x0  }
0x6e: {  	[sflag:s2] =	ssyncadd.s32 $0xFFFFB000  }
0x6f: {  	_ =	swait.ge [sflag:s6], $0xA0  }
0x70: {  	[sflag:s6] =	ssyncset.done $0x0  }
0x71: {  	[sflag:s6] =	ssyncadd.s32 $0xFFFFFF60  }
0x72: {  	[spmem:s1] =	stream.indirect.scatter.add.f32 [tilespmem:s29], [sflag:$0x8], $0x80, s21, s25, $0xb8;
	[tilespmem:$0x1DC80] =	vst v63  }
.Ltmp0:
0x73: {  	_ =	swait.ge [sflag:s7], $0x5000;
	(pc) =	sbr.rel @p3 .LBB2_2-.Ltmp0, $4  }
0x74: {  	[sflag:s7] =	ssyncset.done $0x0  }
0x75: {  	s14 =	sadd.s32 $0x780, s14;
	[sflag:s7] =	ssyncadd.s32 $0xFFFFB000  }
0x76: {  	[tilespmem:s20], [sflag:$0x5] =	stream.linear.gather [hbm4b:s14+s3], $0xA0, $0x38;
	[tilespmem:$0x1DC80] =	vst v63  }
0x77: {  	s13 =	sadd.s32 $0x780, s13  }
0x78: {  	[tilespmem:s21], [sflag:$0x6] =	stream.linear.gather [hbm4b:s13+s3], $0xA0, $0x38;
	[tilespmem:$0x1DC80] =	vst v63  }
0x79: {  	_ =	swait.ge [sflag:s28], $0xA0  }
0x7a: {  	[sflag:s28] =	ssyncset.done $0x0  }
0x7b: {  	[sflag:s28] =	ssyncadd.s32 $0xFFFFFF60  }
0x7c: {  	[tilespmem:s29], [sflag:$0x7] =	stream.indirect.gather [hbm4b:s4+s25], $0x80, s20, s25, $0xb8;
	[tilespmem:$0x1DC80] =	vst v63  }
0x7d: {  	_ =	swait.ge [sflag:s30], $0x5000  }
0x7e: {  	[sflag:s30] =	ssyncset.done $0x0  }
0x7f: {  	[sflag:s30] =	ssyncadd.s32 $0xFFFFB000  }
0x80: {  	_ =	swait.ge [sflag:s31], $0xA0  }
0x81: {  	[sflag:s31] =	ssyncset.done $0x0  }
0x82: {  	[sflag:s31] =	ssyncadd.s32 $0xFFFFFF60  }
0x83: {  	[spmem:s1] =	stream.indirect.scatter.add.f32 [tilespmem:s26], [sflag:$0x4], $0x80, s19, s25, $0xb8;
	[tilespmem:$0x1DC80] =	vst v63  }
0x84: {  	_ =	swait.ge [sflag:s0], $0x5000  }
0x85: {  	[sflag:s0] =	ssyncset.done $0x0  }
0x86: {  	s11 =	simm.s32 @!p1 $0x0;
	s13 =	rddreg [dreg:$0xa];
	[sflag:s0] =	ssyncadd.s32 $0xFFFFB000  }
0x87: {  	[tilespmem:s11], [sflag:$0x1] =	stream.linear.gather @!p1 [hbm4b:s13+s11], $0xA0, $0x38;
	[tilespmem:$0x1DC80] =	vst v63  }
0x88: {  	s14 =	rddreg [dreg:$0xb];
	s13 =	simm.s32 @!p1 $0x100  }
0x89: {  	[tilespmem:s13], [sflag:$0x2] =	stream.linear.gather @!p1 [hbm4b:s14+s11], $0xA0, $0x38;
	[tilespmem:$0x1DC80] =	vst v63  }
0x8a: {  	s13 =	simm.s32 @!p1 $0x1  }
0x8b: {  	_ =	swait.ge @!p1 [sflag:s13], $0xA0  }
0x8c: {  	[sflag:s13] =	ssyncset.done @!p1 $0x0  }
0x8d: {  	s14 =	simm.s32 @!p1 $0x400;
	[sflag:s13] =	ssyncadd.s32 @!p1 $0xFFFFFF60;
	s13 =	simm.s32 @!p1 $0xA0  }
0x8e: {  	[tilespmem:s14], [sflag:$0x3] =	stream.indirect.gather @!p1 [hbm4b:s4+s13], $0x80, s11, s13, $0xb8;
	[tilespmem:$0x1DC80] =	vst v63  }
0x8f: {  	_ =	swait.ge [sflag:s2], $0x5000  }
0x90: {  	[sflag:s2] =	ssyncset.done $0x0  }
0x91: {  	[sflag:s2] =	ssyncadd.s32 $0xFFFFB000  }
0x92: {  	_ =	swait.ge [sflag:s6], $0xA0  }
0x93: {  	[sflag:s6] =	ssyncset.done $0x0  }
0x94: {  	[sflag:s6] =	ssyncadd.s32 $0xFFFFFF60  }
0x95: {  	[spmem:s1] =	stream.indirect.scatter.add.f32 [tilespmem:s29], [sflag:$0x8], $0x80, s21, s25, $0xb8;
	[tilespmem:$0x1DC80] =	vst v63  }
0x96: {  	_ =	swait.ge [sflag:s7], $0x5000  }
0x97: {  	[sflag:s7] =	ssyncset.done $0x0  }
0x98: {  	s11 =	simm.s32 @!p2 $0x3;
	[sflag:s7] =	ssyncadd.s32 $0xFFFFB000  }
0x99: {  	_ =	swait.ge @!p2 [sflag:s11], $0x5000  }
0x9a: {  	[sflag:s11] =	ssyncset.done @!p2 $0x0  }
0x9b: {  	[sflag:s11] =	ssyncadd.s32 @!p2 $0xFFFFB000;
	s11 =	simm.s32 @!p2 $0x2  }
0x9c: {  	_ =	swait.ge @!p2 [sflag:s11], $0xA0  }
0x9d: {  	s13 =	simm.s32 @!p2 $0x100;
	[sflag:s11] =	ssyncset.done @!p2 $0x0  }
0x9e: {  	s14 =	simm.s32 @!p2 $0x400;
	[sflag:s11] =	ssyncadd.s32 @!p2 $0xFFFFFF60;
	s11 =	simm.s32 @!p2 $0xA0  }
0x9f: {  	[spmem:s1] =	stream.indirect.scatter.add.f32 @!p2 [tilespmem:s14], [sflag:$0x4], $0x80, s13, s11, $0xb8;
	[tilespmem:$0x1DC80] =	vst v63  }
0xa0: {  	s11 =	simm.s32 @!p2 $0x4  }
0xa1: {  	_ =	swait.ge @!p2 [sflag:s11], $0x5000  }
0xa2: {  	[sflag:s11] =	ssyncset.done @!p2 $0x0  }
0xa3: {  	[sflag:s11] =	ssyncadd.s32 @!p2 $0xFFFFB000  }
0xa4: {  	[bflag:$0x0] =	sbarrier.arrive $0xFFFF  }
0xa5: {  	[hbm:s23], [sflag:s12] =	dma.local [spmem:s9], $0x1900  }
0xa6: {  	_ =	swait.ge [sflag:s18], $0x1900  }
0xa7: {  	[sflag:s18] =	ssyncset.done $0x0  }
0xa8: {  	s9 =	simm.s32 @!p0 $0x9;
	[sflag:s18] =	ssyncadd.s32 $0xFFFFE700  }
0xa9: {  	[hbm:s24], [sflag:s12] =	dma.local @!p0 [spmem:s10], $0x1900  }
0xaa: {  	_ =	swait.ge @!p0 [sflag:s9], $0x1900  }
0xab: {  	s8 =	sadd.s32 $0x1, s8;
	s15 =	rddreg [dreg:$0x7]  }
0xac: {  	p3 =	sne.s32 s8, s15  }
.Ltmp1:
0xad: {  	_ = 	snop;
	(pc) =	sbr.rel @p3 .LBB2_1-.Ltmp1, $3  }
0xae: {  	_ =	sdelay $0x1  }
0xaf: {  	[sflag:s9] =	ssyncset.done @!p0 $0x0  }
0xb0: {  	[sflag:s9] =	ssyncadd.s32 @!p0 $0xFFFFE700  }
0xb1: {  	_ =	sfence.sel $0x180000  }
0xb2: {  	[bflag:$0x0] =	sbarrier.arrive $0xFFFF  }
0xb3: {  	_ =	strace $0x9000004D  }
0xb4: {  	s0 =	stileid.u32;
	[bflag:$0x2] =	sbarrier.arrive $0xFFFF  }
0xb5: {  	p0 =	sne.s32 s0, $0x0;
	s0 =	rddreg [dreg:$0x2]  }
0xb6: {  	s0 =	sadd.s32 @!p0 $0x100000, s0  }
0xb7: {  	[sflag:s0] =	ssyncadd.tile.s32 @!p0 $0x1;
	_ =	shalt  }
.Lfunc_end2:
_tile_overlayer_lowered:
.L_overlay_start_2:
0xb8: {  	(tag) =	ssettag $0x2  }
0xb9: {  	s0 =	rddreg [dreg:$0x0];
	s2 =	stileid.u32  }
0xba: {  	s1 =	rddreg [dreg:$0x1];
	p0 =	sne.s32 s2, $0x0  }
0xbb: {  	s3 =	rddreg [dreg:$0x2];
	[bflag:$0x3] =	sbarrier.arrive $0xFFFF;
	s2 =	simm.s32 @!p0 $0x1C09  }
0xbc: {  	[timem:s3], [sflag:s2] =	dma.local @!p0 [hbm:s0], s1  }
0xbd: {  	s0 =	simm.s32 @!p0 $0x9  }
0xbe: {  	_ =	swait.ge @!p0 [sflag:s0], s1  }
0xbf: {  	s1 =	ssub.s32 @!p0 $0x0, s1;
	[sflag:s0] =	ssyncset.done @!p0 $0x0  }
0xc0: {  	[sflag:s0] =	ssyncadd.s32 @!p0 s1  }
0xc1: {  	[bflag:$0x3] =	sbarrier.arrive $0xFFFF  }
0xc2: {  	_ =	shalt  }

// kernel: kernel.21.cloned.1.call-start
scs
__scs_entry_jumppad:
0x0: {  	(pc) =	sbr.rel $0x88, $3  }
0x1: {  	(tag) =	ssettag $0x0;
	lr =	simm.s32 $0x1  }
0x2: {  	[smem:$0x3F94] =	sst lr;
	_ =	strace $0xD0000000  }
0x3: {  	_ = 	snop  }
0x4: {  	_ = 	snop  }
0x5: {  	_ = 	snop  }
0x6: {  	_ = 	snop  }
0x7: {  	_ = 	snop  }
__scs_overlays_trampoline_lowered:
0x8: {  	[smem:$0x3FA3] =	sst s0  }
0x9: {  	[smem:$0x3FA4] =	sst s1  }
0xa: {  	[smem:$0x3FA5] =	sst s2  }
0xb: {  	[smem:$0x3FA6] =	sst s3  }
0xc: {  	[smem:$0x3FA7] =	sst s4  }
0xd: {  	[smem:$0x3FA8] =	sst s5  }
0xe: {  	[smem:$0x3FA9] =	sst s6  }
0xf: {  	[smem:$0x3FAA] =	sst s7  }
0x10: {  	[smem:$0x3FAB] =	sst s8  }
0x11: {  	[smem:$0x3FAC] =	sst s9;
	s0 =	simm.s32 @!p0 $0x0  }
0x12: {  	s1 =	sld [smem:$0x3F92];
	s0 =	simm.s32 @p0 $0x1  }
0x13: {  	[smem:$0x3FAD] =	sst s0;
	s0 =	simm.s32 @!p1 $0x0  }
0x14: {  	s2 =	sld [smem:$0x3F91];
	s0 =	simm.s32 @p1 $0x1  }
0x15: {  	[smem:$0x3FAE] =	sst s0;
	s0 =	simm.s32 @!p2 $0x0  }
0x16: {  	s3 =	sld [smem:$0x3FDB];
	s0 =	simm.s32 @p2 $0x1  }
0x17: {  	s4 =	simm.s32 $0x1BF5;
	[smem:$0x3FB0] =	sst s0  }
0x18: {  	s0 =	sld [smem:$0x3F93];
	_ =	swait.ge [sflag:s4], $0x0  }
0x19: {  	s7 =	sld [smem:$0x3F94]  }
0x1a: {  	s8 =	sadd.s32 $0xFFFFE003, lr  }
0x1b: {  	s9 =	sadd.s32 $0xFFFFFEF7, lr;
	s5 =	simm.s32 $0xFFFFFFFF;
	p2 =	slt.u32 s8, $0xFFFFF086  }
0x1c: {  	p1 =	slt.u32 s9, $0xF7A;
	s5 =	simm.s32 @!p2 $0x0  }
0x1d: {  	s5 =	simm.s32 @p1 $0x1;
	p0 =	seq.s32 s7, s2  }
0x1e: {  	s7 =	smul.u32 @!p0 $0xF7A, s2;
	p2 =	seq.s32 @!p0 s5, $0x0  }
0x1f: {  	s9 =	smul.u32 $0xF7A, s1;
	s8 =	simm.s32 @!p0 $0x1BF5;
	p2 =	por !p2, p0  }
0x20: {  	[sflag:s8] =	ssyncset.s32 @!p0 $0xFFFFF086;
	s6 =	sadd.s32 @!p0 s3, s7;
	s7 =	simm.s32 @!p0 $0x108  }
0x21: {  	s3 =	sadd.s32 s3, s9;
	s6 =	sadd.s32 @!p0 $0x88, s6;
	s7 =	simm.s32 @p2 $0x1082  }
0x22: {  	[simem:s7], [sflag:s8] =	dma.local @!p0 [hbm:s6], $0xF7A  }
0x23: {  	s9 =	sor.u32 $0xD0000000, s2;
	s6 =	simm.s32 $0x108;
	_ =	swait.ge @!p0 [sflag:s8], $0x0  }
0x24: {  	s3 =	sadd.s32 $0x88, s3;
	s6 =	simm.s32 @!p1 $0x1082;
	[sflag:s4] =	ssyncset.s32 $0xFFFFF086  }
0x25: {  	[simem:s6], [sflag:s4] =	dma.local [hbm:s3], $0xF7A  }
0x26: {  	[smem:$0x3F94] =	sst s1;
	(tag) =	ssettag s2;
	_ =	strace s9  }
0x27: {  	s1 =	sld [smem:$0x3FA4]  }
0x28: {  	s2 =	sld [smem:$0x3FA5]  }
0x29: {  	s4 =	sld [smem:$0x3FA7]  }
0x2a: {  	p0 =	seq.s32 s5, $0x0;
	s5 =	sld [smem:$0x3FA8]  }
0x2b: {  	s6 =	sld [smem:$0x3FA9]  }
0x2c: {  	s7 =	sld [smem:$0x3FAA]  }
0x2d: {  	s3 =	simm.s32 $0x108;
	s8 =	sld [smem:$0x3FAB]  }
0x2e: {  	s3 =	simm.s32 @!p0 $0x1082;
	s9 =	sld [smem:$0x3FAC]  }
0x2f: {  	lr =	sadd.s32 s0, s3;
	s0 =	sld [smem:$0x3FA3]  }
0x30: {  	s3 =	sld [smem:$0x3FA6]  }
0x31: {  	[smem:$0x3FAF] =	sst s10  }
0x32: {  	s10 =	sld [smem:$0x3FAD];
	_ =	sdelay $0x3  }
0x33: {  	p0 =	seq.s32 s10, $0x1;
	s10 =	sld [smem:$0x3FAF];
	_ =	sdelay $0x3  }
0x34: {  	[smem:$0x3FAF] =	sst s10  }
0x35: {  	s10 =	sld [smem:$0x3FAE];
	_ =	sdelay $0x3  }
0x36: {  	p1 =	seq.s32 s10, $0x1;
	s10 =	sld [smem:$0x3FAF];
	_ =	sdelay $0x3  }
0x37: {  	[smem:$0x3FAF] =	sst s10  }
0x38: {  	s10 =	sld [smem:$0x3FB0]  }
0x39: {  	_ = 	snop;
	(pc) =	sbr.ind lr, $3  }
0x3a: {  	_ = 	snop  }
0x3b: {  	_ = 	snop  }
0x3c: {  	p2 =	seq.s32 s10, $0x1;
	s10 =	sld [smem:$0x3FAF]  }
0x3d: {  	_ =	shalt  }
0x3e: {  	_ =	shalt  }
0x3f: {  	_ =	shalt  }
0x40: {  	_ =	shalt  }
0x41: {  	_ =	shalt  }
0x42: {  	_ =	shalt  }
0x43: {  	_ =	shalt  }
0x44: {  	_ =	shalt  }
0x45: {  	_ =	shalt  }
0x46: {  	_ =	shalt  }
0x47: {  	_ =	shalt  }
0x48: {  	_ =	shalt  }
0x49: {  	_ =	shalt  }
0x4a: {  	_ =	shalt  }
0x4b: {  	_ =	shalt  }
0x4c: {  	_ =	shalt  }
0x4d: {  	_ =	shalt  }
0x4e: {  	_ =	shalt  }
0x4f: {  	_ =	shalt  }
0x50: {  	_ =	shalt  }
0x51: {  	_ =	shalt  }
0x52: {  	_ =	shalt  }
0x53: {  	_ =	shalt  }
0x54: {  	_ =	shalt  }
0x55: {  	_ =	shalt  }
0x56: {  	_ =	shalt  }
0x57: {  	_ =	shalt  }
0x58: {  	_ =	shalt  }
0x59: {  	_ =	shalt  }
0x5a: {  	_ =	shalt  }
0x5b: {  	_ =	shalt  }
0x5c: {  	_ =	shalt  }
0x5d: {  	_ =	shalt  }
0x5e: {  	_ =	shalt  }
0x5f: {  	_ =	shalt  }
0x60: {  	_ =	shalt  }
0x61: {  	_ =	shalt  }
0x62: {  	_ =	shalt  }
0x63: {  	_ =	shalt  }
0x64: {  	_ =	shalt  }
0x65: {  	_ =	shalt  }
0x66: {  	_ =	shalt  }
0x67: {  	_ =	shalt  }
0x68: {  	_ =	shalt  }
0x69: {  	_ =	shalt  }
0x6a: {  	_ =	shalt  }
0x6b: {  	_ =	shalt  }
0x6c: {  	_ =	shalt  }
0x6d: {  	_ =	shalt  }
0x6e: {  	_ =	shalt  }
0x6f: {  	_ =	shalt  }
0x70: {  	_ =	shalt  }
0x71: {  	_ =	shalt  }
0x72: {  	_ =	shalt  }
0x73: {  	_ =	shalt  }
0x74: {  	_ =	shalt  }
0x75: {  	_ =	shalt  }
0x76: {  	_ =	shalt  }
0x77: {  	_ =	shalt  }
0x78: {  	_ =	shalt  }
0x79: {  	_ =	shalt  }
0x7a: {  	_ =	shalt  }
0x7b: {  	_ =	shalt  }
0x7c: {  	_ =	shalt  }
0x7d: {  	_ =	shalt  }
0x7e: {  	_ =	shalt  }
0x7f: {  	_ =	shalt  }
0x80: {  	_ =	shalt  }
0x81: {  	_ =	shalt  }
0x82: {  	_ =	shalt  }
0x83: {  	_ =	shalt  }
0x84: {  	_ =	shalt  }
0x85: {  	_ =	shalt  }
0x86: {  	_ =	shalt  }
0x87: {  	_ =	shalt  }
.Lfunc_end0:
.L_simem_size_0:
called_computation.3_lowered:
.L_overlay_start_0:
0x88: {  	s2 =	sld [smem:$0x3FD9]  }
0x89: {  	s3 =	sld [smem:$0x3FFE];
	_ =	sdelay $0x1  }
0x8a: {  	s1 =	srdreg.scid  }
0x8b: {  	s0 =	sand.u32 $0x1, s1  }
0x8c: {  	s16 =	sshll.u32 s0, $0xA;
	s2 =	sadd.s32 s3, s2  }
0x8d: {  	s2 =	sadd.s32 s2, s16  }
0x8e: {  	[smem:$0x3FBB] =	sst s2  }
0x8f: {  	_ = 	snop  }
0x90: {  	(tm) =	ssettm $0x1  }
0x91: {  	s17 =	sld [smem:$0x3FFB];
	_ =	sdelay $0x3  }
0x92: {  	_ =	strace s17  }
0x93: {  	s2 =	sld [smem:$0x3FFC];
	_ =	sdelay $0x3  }
0x94: {  	_ =	strace s2  }
0x95: {  	s2 =	sld [smem:$0x3FFD];
	_ =	sdelay $0x3  }
0x96: {  	_ =	strace s2  }
0x97: {  	_ =	strace $0x8FFFFFFF  }
0x98: {  	s18 =	sld [smem:$0x3FDB];
	_ =	sdelay $0x1  }
0x99: {  	s19 =	simm.s32 $_scs_section_size  }
0x9a: {  	s4 =	simm.s32 $_size__tile_overlayer_lowered;
	s5 =	simm.s32 $_tile_overlayer_lowered  }
0x9b: {  	s22 =	simm.s32 $0x1BFF;
	s21 =	sshll.u32 s5, $0x1;
	s2 =	sadd.s32 s19, s18  }
0x9c: {  	s6 =	simm.s32 $0x0;
	s20 =	sshll.u32 s4, $0x1;
	s4 =	sadd.s32 s21, s2  }
0x9d: {  	[timem:s6], [sflag:s22] =	dma.local [hbm:s4], s20  }
0x9e: {  	_ =	swait.ge [sflag:s22], s20  }
0x9f: {  	s3 =	ssub.s32 $0x0, s20;
	[sflag:s22] =	ssyncset.done $0x0  }
0xa0: {  	[sflag:s22] =	ssyncadd.s32 s3;
	_ =	sdelay $0x1  }
0xa1: {  	s23 =	simm.s32 $0x1B8B  }
0xa2: {  	_ =	swait.ge [sflag:s23], $0x1  }
0xa3: {  	[sflag:s23] =	ssyncset.done $0x0  }
0xa4: {  	s25 =	simm.s32 $0x1B8E;
	s24 =	sld [smem:$0x3FFE];
	[sflag:s23] =	ssyncadd.s32 $0xFFFFFFFF  }
0xa5: {  	s26 =	simm.s32 $execute0_lowered;
	[smem:$0x3FD2] =	sst s25  }
0xa6: {  	s4 =	sshll.u32 s26, $0x1;
	_ =	strace $0x8000004F;
	[dreg:$0x1] =	wrdreg $0xFFFFFFFF  }
0xa7: {  	s28 =	simm.s32 $_size_execute0_lowered;
	s2 =	sadd.s32 s2, s4;
	[dreg:$0x0] =	wrdreg $0x0  }
0xa8: {  	s4 =	sshll.u32 s28, $0x1;
	[dreg:$0x2] =	wrdreg s2  }
0xa9: {  	[dreg:$0x3] =	wrdreg s4  }
0xaa: {  	[dreg:$0x4] =	wrdreg $0xC0  }
0xab: {  	_ =	task [dreg:s6], $0x5FFFF  }
0xac: {  	[dreg:$0x1] =	wrdreg $0xFFFFFFFF  }
0xad: {  	[dreg:$0x0] =	wrdreg $0x60  }
0xae: {  	[dreg:$0x2] =	wrdreg s24  }
0xaf: {  	[dreg:$0x3] =	wrdreg $0xA4000  }
0xb0: {  	[dreg:$0x4] =	wrdreg $0x9  }
0xb1: {  	_ =	task.clear_ibuf [dreg:s6], $0x5FFFF;
	_ =	strace $0x9000004F  }
0xb2: {  	s29 =	simm.s32 $0x9;
	_ =	strace $0x80000051  }
0xb3: {  	_ =	swait.ge [sflag:s29], $0x1  }
0xb4: {  	[sflag:s29] =	ssyncadd.s32 $0xFFFFFFFF  }
0xb5: {  	_ =	strace $0x90000051  }
0xb6: {  	_ =	sfence  }
0xb7: {  	s30 =	sld [smem:$0x0];
	_ =	sdelay $0x2  }
0xb8: {  	s31 =	sshll.u32 s1, $0xD;
	s1 =	sshrl.u32 s1, $0x2  }
0xb9: {  	s3 =	sand.u32 $0x4000, s31;
	s1 =	sadd.s32 s1, s30  }
0xba: {  	s0 =	sor.u32 s3, s0;
	s1 =	sshll.u32 s1, $0x11  }
0xbb: {  	s0 =	sor.u32 s1, s0  }
0xbc: {  	s0 =	sadd.s32 $0x8F2B, s0  }
0xbd: {  	[sflag:s0] =	ssyncadd.remote.s32 $0x1  }
0xbe: {  	_ =	sfence.sel $0xFFFF  }
0xbf: {  	[dreg:$0x0] =	wrdreg $0xFFFFFFFF;
	(pc) =	sbr.abs _section_cstart, $3  }
0xc0: {  	[dreg:$0x1] =	wrdreg $0xFFFFFFFF  }
0xc1: {  	_ =	task.clear_ibuf [dreg:s6], $0x2FFFF;
	_ =	strace $0x9FFFFFFF  }
0xc2: {  	(tm) =	ssettm $0x7FFFFFFF  }
0xc3: {  	_ =	shalt  }
tec
execute0_lowered:
.L_overlay_start_1:
0x0: {  	(tag) =	ssettag $0x1  }
0x1: {  	s0 =	rddreg [dreg:$0x0]  }
0x2: {  	s1 =	rddreg [dreg:$0x1]  }
0x3: {  	s2 =	srdreg.scid;
	s3 =	simm.s32 $0x0;
	s14 =	stileid.u32  }
0x4: {  	s28 =	simm.s32 $0x5;
	s29 =	simm.s32 $0x5400;
	s30 =	simm.s32 $0x3  }
0x5: {  	s31 =	simm.s32 $0x2;
	s2 =	sand.u32 $0x1, s2;
	[smem:$0x7FF] =	sst s3  }
0x6: {  	s8 =	sadd.s32 $0x3C00, s0;
	s10 =	sadd.s32 $0xDA00, s0;
	s18 =	smul.u32 $0x32000, s14  }
0x7: {  	s5 =	sadd.s32 $0x3EA00, s0;
	s13 =	sor.u32 $0x10, s14;
	s25 =	smul.u32 $0x14, s14  }
0x8: {  	s23 =	sshll.u32 s14, $0x6;
	s4 =	sshll.u32 s2, $0x4;
	s6 =	smul.u32 $0x27100, s2  }
0x9: {  	_ =	strace $0x80000050;
	s11 =	ssub.s32 $0x2, s2;
	s20 =	smul.u32 $0x32000, s13  }
0xa: {  	s24 =	smul.u32 $0x1900, s13;
	p0 =	sgt.u32 s13, $0x18;
	s7 =	sor.u32 s14, s4  }
0xb: {  	p2 =	sne.s32 s2, $0x0;
	s4 =	sadd.s32 $0x17800, s0;
	s9 =	smul.u32 $0x14, s7  }
0xc: {  	s15 =	sshrl.u32 s11, $0x1;
	s12 =	smul.u32 $0xA0, s7;
	s0 =	sadd.s32 s6, s0  }
0xd: {  	s6 =	ssub.s32 s11, s15;
	s7 =	sor.u32 $0x7C0, s7;
	s15 =	smul.u32 $0x140, s2  }
0xe: {  	s2 =	simm.s32 $0x7;
	s0 =	sadd.s32 $0x40400, s0;
	s6 =	smax.u32 s6, $0x1  }
0xf: {  	s22 =	smul.u32 $0x14, s7;
	p1 =	sgt.u32 s7, $0x7CF;
	s7 =	simm.s32 $0x8  }
0x10: {  	s16 =	sadd.s32 s8, s9;
	s17 =	sshrl.u32 s12, $0x3;
	s9 =	sadd.s32 s10, s9  }
0x11: {  	s12 =	sshrl.u32 s18, $0x2;
	[dreg:$0x7] =	wrdreg s6;
	s18 =	simm.s32 $0x9  }
0x12: {  	s24 =	sadd.s32 @!p0 s24, s0;
	[dreg:$0x3] =	wrdreg s16;
	s11 =	sadd.s32 $0x280, s17  }
0x13: {  	[dreg:$0x4] =	wrdreg s9;
	s21 =	sadd.s32 s12, s1;
	s9 =	sshrl.u32 s20, $0x2  }
0x14: {  	s12 =	sor.u32 $0x1C09, s23;
	s26 =	sadd.s32 s8, s22;
	s17 =	sadd.s32 s15, s10  }
0x15: {  	s6 =	sadd.s32 s10, s22;
	s20 =	simm.s32 $0x200;
	[dreg:$0x8] =	wrdreg s21  }
0x16: {  	s22 =	simm.s32 $0x1;
	s19 =	sadd.s32 s8, s11;
	[dreg:$0xa] =	wrdreg s26  }
0x17: {  	s11 =	sadd.s32 s10, s11;
	s9 =	sadd.s32 s9, s1;
	[dreg:$0xb] =	wrdreg s6  }
0x18: {  	s8 =	sadd.s32 s15, s8;
	s17 =	sadd.s32 s25, s17;
	[dreg:$0x5] =	wrdreg s19  }
0x19: {  	s21 =	simm.s32 $0x300;
	s26 =	simm.s32 $0x400;
	[dreg:$0x6] =	wrdreg s11  }
0x1a: {  	s6 =	simm.s32 $0x6;
	s11 =	smul.u32 $0x1900, s14;
	[dreg:$0x9] =	wrdreg s9  }
0x1b: {  	s16 =	sadd.s32 s25, s8;
	s19 =	simm.s32 $0x100;
	s25 =	simm.s32 $0xA0  }
0x1c: {  	s8 =	simm.s32 $0x0;
	s23 =	sadd.s32 s11, s0;
	s0 =	simm.s32 $0x4  }
.LBB2_1:
0x1d: {  	s9 =	rddreg [dreg:$0x8]  }
0x1e: {  	s9 =	sshrl.u32 s9, $0x3  }
0x1f: {  	[spmem:s9], [sflag:s12] =	dma.local [hbm:s5], $0x1900  }
0x20: {  	_ =	swait.ge [sflag:s18], $0x1900  }
0x21: {  	[sflag:s18] =	ssyncset.done $0x0;
	s10 =	rddreg [dreg:$0x9]  }
0x22: {  	s11 =	simm.s32 @!p0 $0x9;
	[sflag:s18] =	ssyncadd.s32 $0xFFFFE700;
	s10 =	sshrl.u32 @!p0 s10, $0x3  }
0x23: {  	[spmem:s10], [sflag:s12] =	dma.local @!p0 [hbm:s5], $0x1900  }
0x24: {  	_ =	swait.ge @!p0 [sflag:s11], $0x1900  }
0x25: {  	[sflag:s11] =	ssyncset.done @!p0 $0x0  }
0x26: {  	[sflag:s11] =	ssyncadd.s32 @!p0 $0xFFFFE700  }
0x27: {  	[bflag:$0x0] =	sbarrier.arrive $0xFFFF  }
0x28: {  	s14 =	rddreg [dreg:$0x3]  }
0x29: {  	[tilespmem:s3], [sflag:$0x1] =	stream.linear.gather [hbm4b:s14+s3], $0xA0, $0x38;
	[tilespmem:$0x1DC80] =	vst v63  }
0x2a: {  	s15 =	rddreg [dreg:$0x4]  }
0x2b: {  	[tilespmem:s19], [sflag:$0x2] =	stream.linear.gather [hbm4b:s15+s3], $0xA0, $0x38;
	[tilespmem:$0x1DC80] =	vst v63  }
0x2c: {  	s13 =	rddreg [dreg:$0x5]  }
0x2d: {  	[tilespmem:s20], [sflag:$0x5] =	stream.linear.gather [hbm4b:s13+s3], $0xA0, $0x38;
	[tilespmem:$0x1DC80] =	vst v63  }
0x2e: {  	s14 =	rddreg [dreg:$0x6]  }
0x2f: {  	[tilespmem:s21], [sflag:$0x6] =	stream.linear.gather [hbm4b:s14+s3], $0xA0, $0x38;
	[tilespmem:$0x1DC80] =	vst v63  }
0x30: {  	_ =	swait.ge [sflag:s22], $0xA0  }
0x31: {  	[sflag:s22] =	ssyncset.done $0x0  }
0x32: {  	[sflag:s22] =	ssyncadd.s32 $0xFFFFFF60  }
0x33: {  	[tilespmem:s26], [sflag:$0x3] =	stream.indirect.gather [hbm4b:s4+s25], $0x80, s3, s25, $0xb8;
	[tilespmem:$0x1DC80] =	vst v63  }
0x34: {  	_ =	swait.ge [sflag:s28], $0xA0  }
0x35: {  	[sflag:s28] =	ssyncset.done $0x0  }
0x36: {  	[sflag:s28] =	ssyncadd.s32 $0xFFFFFF60  }
0x37: {  	[tilespmem:s29], [sflag:$0x7] =	stream.indirect.gather [hbm4b:s4+s25], $0x80, s20, s25, $0xb8;
	[tilespmem:$0x1DC80] =	vst v63  }
0x38: {  	_ =	swait.ge [sflag:s30], $0x5000  }
0x39: {  	[sflag:s30] =	ssyncset.done $0x0  }
0x3a: {  	[sflag:s30] =	ssyncadd.s32 $0xFFFFB000  }
0x3b: {  	_ =	swait.ge [sflag:s31], $0xA0  }
0x3c: {  	[sflag:s31] =	ssyncset.done $0x0  }
0x3d: {  	[sflag:s31] =	ssyncadd.s32 $0xFFFFFF60  }
0x3e: {  	[spmem:s1] =	stream.indirect.scatter.add.f32 [tilespmem:s26], [sflag:$0x4], $0x80, s19, s25, $0xb8;
	[tilespmem:$0x1DC80] =	vst v63  }
0x3f: {  	_ =	swait.ge [sflag:s0], $0x5000  }
0x40: {  	s11 =	sadd.s32 $0x0, s16;
	[sflag:s0] =	ssyncset.done $0x0  }
0x41: {  	s13 =	sadd.s32 $0x500, s11;
	s14 =	sadd.s32 $0x0, s17;
	[sflag:s0] =	ssyncadd.s32 $0xFFFFB000  }
0x42: {  	[tilespmem:s3], [sflag:$0x1] =	stream.linear.gather [hbm4b:s13+s3], $0xA0, $0x38;
	[tilespmem:$0x1DC80] =	vst v63  }
0x43: {  	s15 =	sadd.s32 $0x500, s14  }
0x44: {  	[tilespmem:s19], [sflag:$0x2] =	stream.linear.gather [hbm4b:s15+s3], $0xA0, $0x38;
	[tilespmem:$0x1DC80] =	vst v63  }
0x45: {  	_ =	swait.ge [sflag:s22], $0xA0  }
0x46: {  	[sflag:s22] =	ssyncset.done $0x0  }
0x47: {  	[sflag:s22] =	ssyncadd.s32 $0xFFFFFF60  }
0x48: {  	[tilespmem:s26], [sflag:$0x3] =	stream.indirect.gather [hbm4b:s4+s25], $0x80, s3, s25, $0xb8;
	[tilespmem:$0x1DC80] =	vst v63  }
0x49: {  	_ =	swait.ge [sflag:s2], $0x5000  }
0x4a: {  	[sflag:s2] =	ssyncset.done $0x0  }
0x4b: {  	[sflag:s2] =	ssyncadd.s32 $0xFFFFB000  }
0x4c: {  	_ =	swait.ge [sflag:s6], $0xA0  }
0x4d: {  	[sflag:s6] =	ssyncset.done $0x0  }
0x4e: {  	[sflag:s6] =	ssyncadd.s32 $0xFFFFFF60  }
0x4f: {  	[spmem:s1] =	stream.indirect.scatter.add.f32 [tilespmem:s29], [sflag:$0x8], $0x80, s21, s25, $0xb8;
	[tilespmem:$0x1DC80] =	vst v63  }
0x50: {  	_ =	swait.ge [sflag:s7], $0x5000  }
0x51: {  	[sflag:s7] =	ssyncset.done $0x0  }
0x52: {  	s11 =	sadd.s32 $0x780, s11;
	[sflag:s7] =	ssyncadd.s32 $0xFFFFB000  }
0x53: {  	[tilespmem:s20], [sflag:$0x5] =	stream.linear.gather [hbm4b:s11+s3], $0xA0, $0x38;
	[tilespmem:$0x1DC80] =	vst v63  }
0x54: {  	s13 =	sadd.s32 $0x780, s14;
	s11 =	simm.s32 $0x500  }
.LBB2_2:
0x55: {  	[tilespmem:s21], [sflag:$0x6] =	stream.linear.gather [hbm4b:s13+s3], $0xA0, $0x38;
	[tilespmem:$0x1DC80] =	vst v63  }
0x56: {  	s13 =	smov.u32 s11  }
0x57: {  	p3 =	sne.s32 s11, $0x9100;
	s11 =	sadd.s32 $0x500, s11;
	_ =	swait.ge [sflag:s28], $0xA0  }
0x58: {  	[sflag:s28] =	ssyncset.done $0x0  }
0x59: {  	[sflag:s28] =	ssyncadd.s32 $0xFFFFFF60  }
0x5a: {  	[tilespmem:s29], [sflag:$0x7] =	stream.indirect.gather [hbm4b:s4+s25], $0x80, s20, s25, $0xb8;
	[tilespmem:$0x1DC80] =	vst v63  }
0x5b: {  	_ =	swait.ge [sflag:s30], $0x5000  }
0x5c: {  	[sflag:s30] =	ssyncset.done $0x0  }
0x5d: {  	[sflag:s30] =	ssyncadd.s32 $0xFFFFB000  }
0x5e: {  	_ =	swait.ge [sflag:s31], $0xA0  }
0x5f: {  	[sflag:s31] =	ssyncset.done $0x0  }
0x60: {  	[sflag:s31] =	ssyncadd.s32 $0xFFFFFF60  }
0x61: {  	[spmem:s1] =	stream.indirect.scatter.add.f32 [tilespmem:s26], [sflag:$0x4], $0x80, s19, s25, $0xb8;
	[tilespmem:$0x1DC80] =	vst v63  }
0x62: {  	_ =	swait.ge [sflag:s0], $0x5000  }
0x63: {  	s14 =	sadd.s32 s13, s16;
	[sflag:s0] =	ssyncset.done $0x0  }
0x64: {  	s13 =	sadd.s32 s13, s17;
	s15 =	sadd.s32 $0x500, s14;
	[sflag:s0] =	ssyncadd.s32 $0xFFFFB000  }
0x65: {  	[tilespmem:s3], [sflag:$0x1] =	stream.linear.gather [hbm4b:s15+s3], $0xA0, $0x38;
	[tilespmem:$0x1DC80] =	vst v63  }
0x66: {  	s15 =	sadd.s32 $0x500, s13  }
0x67: {  	[tilespmem:s19], [sflag:$0x2] =	stream.linear.gather [hbm4b:s15+s3], $0xA0, $0x38;
	[tilespmem:$0x1DC80] =	vst v63  }
0x68: {  	_ =	swait.ge [sflag:s22], $0xA0  }
0x69: {  	[sflag:s22] =	ssyncset.done $0x0  }
0x6a: {  	[sflag:s22] =	ssyncadd.s32 $0xFFFFFF60  }
0x6b: {  	[tilespmem:s26], [sflag:$0x3] =	stream.indirect.gather [hbm4b:s4+s25], $0x80, s3, s25, $0xb8;
	[tilespmem:$0x1DC80] =	vst v63  }
0x6c: {  	_ =	swait.ge [sflag:s2], $0x5000  }
0x6d: {  	[sflag:s2] =	ssyncset.done $0x0  }
0x6e: {  	[sflag:s2] =	ssyncadd.s32 $0xFFFFB000  }
0x6f: {  	_ =	swait.ge [sflag:s6], $0xA0  }
0x70: {  	[sflag:s6] =	ssyncset.done $0x0  }
0x71: {  	[sflag:s6] =	ssyncadd.s32 $0xFFFFFF60  }
0x72: {  	[spmem:s1] =	stream.indirect.scatter.add.f32 [tilespmem:s29], [sflag:$0x8], $0x80, s21, s25, $0xb8;
	[tilespmem:$0x1DC80] =	vst v63  }
.Ltmp0:
0x73: {  	_ =	swait.ge [sflag:s7], $0x5000;
	(pc) =	sbr.rel @p3 .LBB2_2-.Ltmp0, $4  }
0x74: {  	[sflag:s7] =	ssyncset.done $0x0  }
0x75: {  	s14 =	sadd.s32 $0x780, s14;
	[sflag:s7] =	ssyncadd.s32 $0xFFFFB000  }
0x76: {  	[tilespmem:s20], [sflag:$0x5] =	stream.linear.gather [hbm4b:s14+s3], $0xA0, $0x38;
	[tilespmem:$0x1DC80] =	vst v63  }
0x77: {  	s13 =	sadd.s32 $0x780, s13  }
0x78: {  	[tilespmem:s21], [sflag:$0x6] =	stream.linear.gather [hbm4b:s13+s3], $0xA0, $0x38;
	[tilespmem:$0x1DC80] =	vst v63  }
0x79: {  	_ =	swait.ge [sflag:s28], $0xA0  }
0x7a: {  	[sflag:s28] =	ssyncset.done $0x0  }
0x7b: {  	[sflag:s28] =	ssyncadd.s32 $0xFFFFFF60  }
0x7c: {  	[tilespmem:s29], [sflag:$0x7] =	stream.indirect.gather [hbm4b:s4+s25], $0x80, s20, s25, $0xb8;
	[tilespmem:$0x1DC80] =	vst v63  }
0x7d: {  	_ =	swait.ge [sflag:s30], $0x5000  }
0x7e: {  	[sflag:s30] =	ssyncset.done $0x0  }
0x7f: {  	[sflag:s30] =	ssyncadd.s32 $0xFFFFB000  }
0x80: {  	_ =	swait.ge [sflag:s31], $0xA0  }
0x81: {  	[sflag:s31] =	ssyncset.done $0x0  }
0x82: {  	[sflag:s31] =	ssyncadd.s32 $0xFFFFFF60  }
0x83: {  	[spmem:s1] =	stream.indirect.scatter.add.f32 [tilespmem:s26], [sflag:$0x4], $0x80, s19, s25, $0xb8;
	[tilespmem:$0x1DC80] =	vst v63  }
0x84: {  	_ =	swait.ge [sflag:s0], $0x5000  }
0x85: {  	[sflag:s0] =	ssyncset.done $0x0  }
0x86: {  	s11 =	simm.s32 @!p1 $0x0;
	s13 =	rddreg [dreg:$0xa];
	[sflag:s0] =	ssyncadd.s32 $0xFFFFB000  }
0x87: {  	[tilespmem:s11], [sflag:$0x1] =	stream.linear.gather @!p1 [hbm4b:s13+s11], $0xA0, $0x38;
	[tilespmem:$0x1DC80] =	vst v63  }
0x88: {  	s14 =	rddreg [dreg:$0xb];
	s13 =	simm.s32 @!p1 $0x100  }
0x89: {  	[tilespmem:s13], [sflag:$0x2] =	stream.linear.gather @!p1 [hbm4b:s14+s11], $0xA0, $0x38;
	[tilespmem:$0x1DC80] =	vst v63  }
0x8a: {  	s13 =	simm.s32 @!p1 $0x1  }
0x8b: {  	_ =	swait.ge @!p1 [sflag:s13], $0xA0  }
0x8c: {  	[sflag:s13] =	ssyncset.done @!p1 $0x0  }
0x8d: {  	s14 =	simm.s32 @!p1 $0x400;
	[sflag:s13] =	ssyncadd.s32 @!p1 $0xFFFFFF60;
	s13 =	simm.s32 @!p1 $0xA0  }
0x8e: {  	[tilespmem:s14], [sflag:$0x3] =	stream.indirect.gather @!p1 [hbm4b:s4+s13], $0x80, s11, s13, $0xb8;
	[tilespmem:$0x1DC80] =	vst v63  }
0x8f: {  	_ =	swait.ge [sflag:s2], $0x5000  }
0x90: {  	[sflag:s2] =	ssyncset.done $0x0  }
0x91: {  	[sflag:s2] =	ssyncadd.s32 $0xFFFFB000  }
0x92: {  	_ =	swait.ge [sflag:s6], $0xA0  }
0x93: {  	[sflag:s6] =	ssyncset.done $0x0  }
0x94: {  	[sflag:s6] =	ssyncadd.s32 $0xFFFFFF60  }
0x95: {  	[spmem:s1] =	stream.indirect.scatter.add.f32 [tilespmem:s29], [sflag:$0x8], $0x80, s21, s25, $0xb8;
	[tilespmem:$0x1DC80] =	vst v63  }
0x96: {  	_ =	swait.ge [sflag:s7], $0x5000  }
0x97: {  	[sflag:s7] =	ssyncset.done $0x0  }
0x98: {  	s11 =	simm.s32 @!p2 $0x3;
	[sflag:s7] =	ssyncadd.s32 $0xFFFFB000  }
0x99: {  	_ =	swait.ge @!p2 [sflag:s11], $0x5000  }
0x9a: {  	[sflag:s11] =	ssyncset.done @!p2 $0x0  }
0x9b: {  	[sflag:s11] =	ssyncadd.s32 @!p2 $0xFFFFB000;
	s11 =	simm.s32 @!p2 $0x2  }
0x9c: {  	_ =	swait.ge @!p2 [sflag:s11], $0xA0  }
0x9d: {  	s13 =	simm.s32 @!p2 $0x100;
	[sflag:s11] =	ssyncset.done @!p2 $0x0  }
0x9e: {  	s14 =	simm.s32 @!p2 $0x400;
	[sflag:s11] =	ssyncadd.s32 @!p2 $0xFFFFFF60;
	s11 =	simm.s32 @!p2 $0xA0  }
0x9f: {  	[spmem:s1] =	stream.indirect.scatter.add.f32 @!p2 [tilespmem:s14], [sflag:$0x4], $0x80, s13, s11, $0xb8;
	[tilespmem:$0x1DC80] =	vst v63  }
0xa0: {  	s11 =	simm.s32 @!p2 $0x4  }
0xa1: {  	_ =	swait.ge @!p2 [sflag:s11], $0x5000  }
0xa2: {  	[sflag:s11] =	ssyncset.done @!p2 $0x0  }
0xa3: {  	[sflag:s11] =	ssyncadd.s32 @!p2 $0xFFFFB000  }
0xa4: {  	[bflag:$0x0] =	sbarrier.arrive $0xFFFF  }
0xa5: {  	[hbm:s23], [sflag:s12] =	dma.local [spmem:s9], $0x1900  }
0xa6: {  	_ =	swait.ge [sflag:s18], $0x1900  }
0xa7: {  	[sflag:s18] =	ssyncset.done $0x0  }
0xa8: {  	s9 =	simm.s32 @!p0 $0x9;
	[sflag:s18] =	ssyncadd.s32 $0xFFFFE700  }
0xa9: {  	[hbm:s24], [sflag:s12] =	dma.local @!p0 [spmem:s10], $0x1900  }
0xaa: {  	_ =	swait.ge @!p0 [sflag:s9], $0x1900  }
0xab: {  	s8 =	sadd.s32 $0x1, s8;
	s15 =	rddreg [dreg:$0x7]  }
0xac: {  	p3 =	sne.s32 s8, s15  }
.Ltmp1:
0xad: {  	_ = 	snop;
	(pc) =	sbr.rel @p3 .LBB2_1-.Ltmp1, $3  }
0xae: {  	_ =	sdelay $0x1  }
0xaf: {  	[sflag:s9] =	ssyncset.done @!p0 $0x0  }
0xb0: {  	[sflag:s9] =	ssyncadd.s32 @!p0 $0xFFFFE700  }
0xb1: {  	_ =	sfence.sel $0x180000  }
0xb2: {  	[bflag:$0x0] =	sbarrier.arrive $0xFFFF  }
0xb3: {  	_ =	strace $0x90000050  }
0xb4: {  	s0 =	stileid.u32;
	[bflag:$0x2] =	sbarrier.arrive $0xFFFF  }
0xb5: {  	p0 =	sne.s32 s0, $0x0;
	s0 =	rddreg [dreg:$0x2]  }
0xb6: {  	s0 =	sadd.s32 @!p0 $0x100000, s0  }
0xb7: {  	[sflag:s0] =	ssyncadd.tile.s32 @!p0 $0x1;
	_ =	shalt  }
.Lfunc_end2:
_tile_overlayer_lowered:
.L_overlay_start_2:
0xb8: {  	(tag) =	ssettag $0x2  }
0xb9: {  	s0 =	rddreg [dreg:$0x0];
	s2 =	stileid.u32  }
0xba: {  	s1 =	rddreg [dreg:$0x1];
	p0 =	sne.s32 s2, $0x0  }
0xbb: {  	s3 =	rddreg [dreg:$0x2];
	[bflag:$0x3] =	sbarrier.arrive $0xFFFF;
	s2 =	simm.s32 @!p0 $0x1C09  }
0xbc: {  	[timem:s3], [sflag:s2] =	dma.local @!p0 [hbm:s0], s1  }
0xbd: {  	s0 =	simm.s32 @!p0 $0x9  }
0xbe: {  	_ =	swait.ge @!p0 [sflag:s0], s1  }
0xbf: {  	s1 =	ssub.s32 @!p0 $0x0, s1;
	[sflag:s0] =	ssyncset.done @!p0 $0x0  }
0xc0: {  	[sflag:s0] =	ssyncadd.s32 @!p0 s1  }
0xc1: {  	[bflag:$0x3] =	sbarrier.arrive $0xFFFF  }
0xc2: {  	_ =	shalt  }

// kernel: kernel.24.cloned.1.call-start
scs
__scs_entry_jumppad:
0x0: {  	(pc) =	sbr.rel $0x88, $3  }
0x1: {  	(tag) =	ssettag $0x0;
	lr =	simm.s32 $0x1  }
0x2: {  	[smem:$0x3F94] =	sst lr;
	_ =	strace $0xD0000000  }
0x3: {  	_ = 	snop  }
0x4: {  	_ = 	snop  }
0x5: {  	_ = 	snop  }
0x6: {  	_ = 	snop  }
0x7: {  	_ = 	snop  }
__scs_overlays_trampoline_lowered:
0x8: {  	[smem:$0x3FA3] =	sst s0  }
0x9: {  	[smem:$0x3FA4] =	sst s1  }
0xa: {  	[smem:$0x3FA5] =	sst s2  }
0xb: {  	[smem:$0x3FA6] =	sst s3  }
0xc: {  	[smem:$0x3FA7] =	sst s4  }
0xd: {  	[smem:$0x3FA8] =	sst s5  }
0xe: {  	[smem:$0x3FA9] =	sst s6  }
0xf: {  	[smem:$0x3FAA] =	sst s7  }
0x10: {  	[smem:$0x3FAB] =	sst s8  }
0x11: {  	[smem:$0x3FAC] =	sst s9;
	s0 =	simm.s32 @!p0 $0x0  }
0x12: {  	s1 =	sld [smem:$0x3F92];
	s0 =	simm.s32 @p0 $0x1  }
0x13: {  	[smem:$0x3FAD] =	sst s0;
	s0 =	simm.s32 @!p1 $0x0  }
0x14: {  	s2 =	sld [smem:$0x3F91];
	s0 =	simm.s32 @p1 $0x1  }
0x15: {  	[smem:$0x3FAE] =	sst s0;
	s0 =	simm.s32 @!p2 $0x0  }
0x16: {  	s3 =	sld [smem:$0x3FDB];
	s0 =	simm.s32 @p2 $0x1  }
0x17: {  	s4 =	simm.s32 $0x1BF5;
	[smem:$0x3FB0] =	sst s0  }
0x18: {  	s0 =	sld [smem:$0x3F93];
	_ =	swait.ge [sflag:s4], $0x0  }
0x19: {  	s7 =	sld [smem:$0x3F94]  }
0x1a: {  	s8 =	sadd.s32 $0xFFFFE003, lr  }
0x1b: {  	s9 =	sadd.s32 $0xFFFFFEF7, lr;
	s5 =	simm.s32 $0xFFFFFFFF;
	p2 =	slt.u32 s8, $0xFFFFF086  }
0x1c: {  	p1 =	slt.u32 s9, $0xF7A;
	s5 =	simm.s32 @!p2 $0x0  }
0x1d: {  	s5 =	simm.s32 @p1 $0x1;
	p0 =	seq.s32 s7, s2  }
0x1e: {  	s7 =	smul.u32 @!p0 $0xF7A, s2;
	p2 =	seq.s32 @!p0 s5, $0x0  }
0x1f: {  	s9 =	smul.u32 $0xF7A, s1;
	s8 =	simm.s32 @!p0 $0x1BF5;
	p2 =	por !p2, p0  }
0x20: {  	[sflag:s8] =	ssyncset.s32 @!p0 $0xFFFFF086;
	s6 =	sadd.s32 @!p0 s3, s7;
	s7 =	simm.s32 @!p0 $0x108  }
0x21: {  	s3 =	sadd.s32 s3, s9;
	s6 =	sadd.s32 @!p0 $0x88, s6;
	s7 =	simm.s32 @p2 $0x1082  }
0x22: {  	[simem:s7], [sflag:s8] =	dma.local @!p0 [hbm:s6], $0xF7A  }
0x23: {  	s9 =	sor.u32 $0xD0000000, s2;
	s6 =	simm.s32 $0x108;
	_ =	swait.ge @!p0 [sflag:s8], $0x0  }
0x24: {  	s3 =	sadd.s32 $0x88, s3;
	s6 =	simm.s32 @!p1 $0x1082;
	[sflag:s4] =	ssyncset.s32 $0xFFFFF086  }
0x25: {  	[simem:s6], [sflag:s4] =	dma.local [hbm:s3], $0xF7A  }
0x26: {  	[smem:$0x3F94] =	sst s1;
	(tag) =	ssettag s2;
	_ =	strace s9  }
0x27: {  	s1 =	sld [smem:$0x3FA4]  }
0x28: {  	s2 =	sld [smem:$0x3FA5]  }
0x29: {  	s4 =	sld [smem:$0x3FA7]  }
0x2a: {  	p0 =	seq.s32 s5, $0x0;
	s5 =	sld [smem:$0x3FA8]  }
0x2b: {  	s6 =	sld [smem:$0x3FA9]  }
0x2c: {  	s7 =	sld [smem:$0x3FAA]  }
0x2d: {  	s3 =	simm.s32 $0x108;
	s8 =	sld [smem:$0x3FAB]  }
0x2e: {  	s3 =	simm.s32 @!p0 $0x1082;
	s9 =	sld [smem:$0x3FAC]  }
0x2f: {  	lr =	sadd.s32 s0, s3;
	s0 =	sld [smem:$0x3FA3]  }
0x30: {  	s3 =	sld [smem:$0x3FA6]  }
0x31: {  	[smem:$0x3FAF] =	sst s10  }
0x32: {  	s10 =	sld [smem:$0x3FAD];
	_ =	sdelay $0x3  }
0x33: {  	p0 =	seq.s32 s10, $0x1;
	s10 =	sld [smem:$0x3FAF];
	_ =	sdelay $0x3  }
0x34: {  	[smem:$0x3FAF] =	sst s10  }
0x35: {  	s10 =	sld [smem:$0x3FAE];
	_ =	sdelay $0x3  }
0x36: {  	p1 =	seq.s32 s10, $0x1;
	s10 =	sld [smem:$0x3FAF];
	_ =	sdelay $0x3  }
0x37: {  	[smem:$0x3FAF] =	sst s10  }
0x38: {  	s10 =	sld [smem:$0x3FB0]  }
0x39: {  	_ = 	snop;
	(pc) =	sbr.ind lr, $3  }
0x3a: {  	_ = 	snop  }
0x3b: {  	_ = 	snop  }
0x3c: {  	p2 =	seq.s32 s10, $0x1;
	s10 =	sld [smem:$0x3FAF]  }
0x3d: {  	_ =	shalt  }
0x3e: {  	_ =	shalt  }
0x3f: {  	_ =	shalt  }
0x40: {  	_ =	shalt  }
0x41: {  	_ =	shalt  }
0x42: {  	_ =	shalt  }
0x43: {  	_ =	shalt  }
0x44: {  	_ =	shalt  }
0x45: {  	_ =	shalt  }
0x46: {  	_ =	shalt  }
0x47: {  	_ =	shalt  }
0x48: {  	_ =	shalt  }
0x49: {  	_ =	shalt  }
0x4a: {  	_ =	shalt  }
0x4b: {  	_ =	shalt  }
0x4c: {  	_ =	shalt  }
0x4d: {  	_ =	shalt  }
0x4e: {  	_ =	shalt  }
0x4f: {  	_ =	shalt  }
0x50: {  	_ =	shalt  }
0x51: {  	_ =	shalt  }
0x52: {  	_ =	shalt  }
0x53: {  	_ =	shalt  }
0x54: {  	_ =	shalt  }
0x55: {  	_ =	shalt  }
0x56: {  	_ =	shalt  }
0x57: {  	_ =	shalt  }
0x58: {  	_ =	shalt  }
0x59: {  	_ =	shalt  }
0x5a: {  	_ =	shalt  }
0x5b: {  	_ =	shalt  }
0x5c: {  	_ =	shalt  }
0x5d: {  	_ =	shalt  }
0x5e: {  	_ =	shalt  }
0x5f: {  	_ =	shalt  }
0x60: {  	_ =	shalt  }
0x61: {  	_ =	shalt  }
0x62: {  	_ =	shalt  }
0x63: {  	_ =	shalt  }
0x64: {  	_ =	shalt  }
0x65: {  	_ =	shalt  }
0x66: {  	_ =	shalt  }
0x67: {  	_ =	shalt  }
0x68: {  	_ =	shalt  }
0x69: {  	_ =	shalt  }
0x6a: {  	_ =	shalt  }
0x6b: {  	_ =	shalt  }
0x6c: {  	_ =	shalt  }
0x6d: {  	_ =	shalt  }
0x6e: {  	_ =	shalt  }
0x6f: {  	_ =	shalt  }
0x70: {  	_ =	shalt  }
0x71: {  	_ =	shalt  }
0x72: {  	_ =	shalt  }
0x73: {  	_ =	shalt  }
0x74: {  	_ =	shalt  }
0x75: {  	_ =	shalt  }
0x76: {  	_ =	shalt  }
0x77: {  	_ =	shalt  }
0x78: {  	_ =	shalt  }
0x79: {  	_ =	shalt  }
0x7a: {  	_ =	shalt  }
0x7b: {  	_ =	shalt  }
0x7c: {  	_ =	shalt  }
0x7d: {  	_ =	shalt  }
0x7e: {  	_ =	shalt  }
0x7f: {  	_ =	shalt  }
0x80: {  	_ =	shalt  }
0x81: {  	_ =	shalt  }
0x82: {  	_ =	shalt  }
0x83: {  	_ =	shalt  }
0x84: {  	_ =	shalt  }
0x85: {  	_ =	shalt  }
0x86: {  	_ =	shalt  }
0x87: {  	_ =	shalt  }
.Lfunc_end0:
.L_simem_size_0:
called_computation.4_lowered:
.L_overlay_start_0:
0x88: {  	s2 =	sld [smem:$0x3FD9]  }
0x89: {  	s3 =	sld [smem:$0x3FFE];
	_ =	sdelay $0x1  }
0x8a: {  	s1 =	srdreg.scid  }
0x8b: {  	s0 =	sand.u32 $0x1, s1  }
0x8c: {  	s16 =	sshll.u32 s0, $0xA;
	s2 =	sadd.s32 s3, s2  }
0x8d: {  	s2 =	sadd.s32 s2, s16  }
0x8e: {  	[smem:$0x3FBB] =	sst s2  }
0x8f: {  	_ = 	snop  }
0x90: {  	(tm) =	ssettm $0x1  }
0x91: {  	s17 =	sld [smem:$0x3FFB];
	_ =	sdelay $0x3  }
0x92: {  	_ =	strace s17  }
0x93: {  	s2 =	sld [smem:$0x3FFC];
	_ =	sdelay $0x3  }
0x94: {  	_ =	strace s2  }
0x95: {  	s2 =	sld [smem:$0x3FFD];
	_ =	sdelay $0x3  }
0x96: {  	_ =	strace s2  }
0x97: {  	_ =	strace $0x8FFFFFFF  }
0x98: {  	s18 =	sld [smem:$0x3FDB];
	_ =	sdelay $0x1  }
0x99: {  	s19 =	simm.s32 $_scs_section_size  }
0x9a: {  	s4 =	simm.s32 $_size__tile_overlayer_lowered;
	s5 =	simm.s32 $_tile_overlayer_lowered  }
0x9b: {  	s22 =	simm.s32 $0x1BFF;
	s21 =	sshll.u32 s5, $0x1;
	s2 =	sadd.s32 s19, s18  }
0x9c: {  	s6 =	simm.s32 $0x0;
	s20 =	sshll.u32 s4, $0x1;
	s4 =	sadd.s32 s21, s2  }
0x9d: {  	[timem:s6], [sflag:s22] =	dma.local [hbm:s4], s20  }
0x9e: {  	_ =	swait.ge [sflag:s22], s20  }
0x9f: {  	s3 =	ssub.s32 $0x0, s20;
	[sflag:s22] =	ssyncset.done $0x0  }
0xa0: {  	[sflag:s22] =	ssyncadd.s32 s3;
	_ =	sdelay $0x1  }
0xa1: {  	s23 =	simm.s32 $0x1B8B  }
0xa2: {  	_ =	swait.ge [sflag:s23], $0x1  }
0xa3: {  	[sflag:s23] =	ssyncset.done $0x0  }
0xa4: {  	s25 =	simm.s32 $0x1B8E;
	s24 =	sld [smem:$0x3FFE];
	[sflag:s23] =	ssyncadd.s32 $0xFFFFFFFF  }
0xa5: {  	s26 =	simm.s32 $execute0_lowered;
	[smem:$0x3FD2] =	sst s25  }
0xa6: {  	s4 =	sshll.u32 s26, $0x1;
	_ =	strace $0x80000052;
	[dreg:$0x1] =	wrdreg $0xFFFFFFFF  }
0xa7: {  	s28 =	simm.s32 $_size_execute0_lowered;
	s2 =	sadd.s32 s2, s4;
	[dreg:$0x0] =	wrdreg $0x0  }
0xa8: {  	s4 =	sshll.u32 s28, $0x1;
	[dreg:$0x2] =	wrdreg s2  }
0xa9: {  	[dreg:$0x3] =	wrdreg s4  }
0xaa: {  	[dreg:$0x4] =	wrdreg $0xC0  }
0xab: {  	_ =	task [dreg:s6], $0x5FFFF  }
0xac: {  	[dreg:$0x1] =	wrdreg $0xFFFFFFFF  }
0xad: {  	[dreg:$0x0] =	wrdreg $0x60  }
0xae: {  	[dreg:$0x2] =	wrdreg s24  }
0xaf: {  	[dreg:$0x3] =	wrdreg $0xA4000  }
0xb0: {  	[dreg:$0x4] =	wrdreg $0x9  }
0xb1: {  	_ =	task.clear_ibuf [dreg:s6], $0x5FFFF;
	_ =	strace $0x90000052  }
0xb2: {  	s29 =	simm.s32 $0x9;
	_ =	strace $0x80000054  }
0xb3: {  	_ =	swait.ge [sflag:s29], $0x1  }
0xb4: {  	[sflag:s29] =	ssyncadd.s32 $0xFFFFFFFF  }
0xb5: {  	_ =	strace $0x90000054  }
0xb6: {  	_ =	sfence  }
0xb7: {  	s30 =	sld [smem:$0x0];
	_ =	sdelay $0x2  }
0xb8: {  	s31 =	sshll.u32 s1, $0xD;
	s1 =	sshrl.u32 s1, $0x2  }
0xb9: {  	s3 =	sand.u32 $0x4000, s31;
	s1 =	sadd.s32 s1, s30  }
0xba: {  	s0 =	sor.u32 s3, s0;
	s1 =	sshll.u32 s1, $0x11  }
0xbb: {  	s0 =	sor.u32 s1, s0  }
0xbc: {  	s0 =	sadd.s32 $0x8F2B, s0  }
0xbd: {  	[sflag:s0] =	ssyncadd.remote.s32 $0x1  }
0xbe: {  	_ =	sfence.sel $0xFFFF  }
0xbf: {  	[dreg:$0x0] =	wrdreg $0xFFFFFFFF;
	(pc) =	sbr.abs _section_cstart, $3  }
0xc0: {  	[dreg:$0x1] =	wrdreg $0xFFFFFFFF  }
0xc1: {  	_ =	task.clear_ibuf [dreg:s6], $0x2FFFF;
	_ =	strace $0x9FFFFFFF  }
0xc2: {  	(tm) =	ssettm $0x7FFFFFFF  }
0xc3: {  	_ =	shalt  }
tec
execute0_lowered:
.L_overlay_start_1:
0x0: {  	(tag) =	ssettag $0x1  }
0x1: {  	s0 =	rddreg [dreg:$0x0]  }
0x2: {  	s1 =	rddreg [dreg:$0x1]  }
0x3: {  	s2 =	srdreg.scid;
	s3 =	simm.s32 $0x0;
	s14 =	stileid.u32  }
0x4: {  	s28 =	simm.s32 $0x5;
	s29 =	simm.s32 $0x5400;
	s30 =	simm.s32 $0x3  }
0x5: {  	s31 =	simm.s32 $0x2;
	s2 =	sand.u32 $0x1, s2;
	[smem:$0x7FF] =	sst s3  }
0x6: {  	s8 =	sadd.s32 $0x3C00, s0;
	s10 =	sadd.s32 $0xDA00, s0;
	s18 =	smul.u32 $0x32000, s14  }
0x7: {  	s5 =	sadd.s32 $0x3EA00, s0;
	s13 =	sor.u32 $0x10, s14;
	s25 =	smul.u32 $0x14, s14  }
0x8: {  	s23 =	sshll.u32 s14, $0x6;
	s4 =	sshll.u32 s2, $0x4;
	s6 =	smul.u32 $0x27100, s2  }
0x9: {  	_ =	strace $0x80000053;
	s11 =	ssub.s32 $0x2, s2;
	s20 =	smul.u32 $0x32000, s13  }
0xa: {  	s24 =	smul.u32 $0x1900, s13;
	p0 =	sgt.u32 s13, $0x18;
	s7 =	sor.u32 s14, s4  }
0xb: {  	p2 =	sne.s32 s2, $0x0;
	s4 =	sadd.s32 $0x17800, s0;
	s9 =	smul.u32 $0x14, s7  }
0xc: {  	s15 =	sshrl.u32 s11, $0x1;
	s12 =	smul.u32 $0xA0, s7;
	s0 =	sadd.s32 s6, s0  }
0xd: {  	s6 =	ssub.s32 s11, s15;
	s7 =	sor.u32 $0x7C0, s7;
	s15 =	smul.u32 $0x140, s2  }
0xe: {  	s2 =	simm.s32 $0x7;
	s0 =	sadd.s32 $0x40400, s0;
	s6 =	smax.u32 s6, $0x1  }
0xf: {  	s22 =	smul.u32 $0x14, s7;
	p1 =	sgt.u32 s7, $0x7CF;
	s7 =	simm.s32 $0x8  }
0x10: {  	s16 =	sadd.s32 s8, s9;
	s17 =	sshrl.u32 s12, $0x3;
	s9 =	sadd.s32 s10, s9  }
0x11: {  	s12 =	sshrl.u32 s18, $0x2;
	[dreg:$0x7] =	wrdreg s6;
	s18 =	simm.s32 $0x9  }
0x12: {  	s24 =	sadd.s32 @!p0 s24, s0;
	[dreg:$0x3] =	wrdreg s16;
	s11 =	sadd.s32 $0x280, s17  }
0x13: {  	[dreg:$0x4] =	wrdreg s9;
	s21 =	sadd.s32 s12, s1;
	s9 =	sshrl.u32 s20, $0x2  }
0x14: {  	s12 =	sor.u32 $0x1C09, s23;
	s26 =	sadd.s32 s8, s22;
	s17 =	sadd.s32 s15, s10  }
0x15: {  	s6 =	sadd.s32 s10, s22;
	s20 =	simm.s32 $0x200;
	[dreg:$0x8] =	wrdreg s21  }
0x16: {  	s22 =	simm.s32 $0x1;
	s19 =	sadd.s32 s8, s11;
	[dreg:$0xa] =	wrdreg s26  }
0x17: {  	s11 =	sadd.s32 s10, s11;
	s9 =	sadd.s32 s9, s1;
	[dreg:$0xb] =	wrdreg s6  }
0x18: {  	s8 =	sadd.s32 s15, s8;
	s17 =	sadd.s32 s25, s17;
	[dreg:$0x5] =	wrdreg s19  }
0x19: {  	s21 =	simm.s32 $0x300;
	s26 =	simm.s32 $0x400;
	[dreg:$0x6] =	wrdreg s11  }
0x1a: {  	s6 =	simm.s32 $0x6;
	s11 =	smul.u32 $0x1900, s14;
	[dreg:$0x9] =	wrdreg s9  }
0x1b: {  	s16 =	sadd.s32 s25, s8;
	s19 =	simm.s32 $0x100;
	s25 =	simm.s32 $0xA0  }
0x1c: {  	s8 =	simm.s32 $0x0;
	s23 =	sadd.s32 s11, s0;
	s0 =	simm.s32 $0x4  }
.LBB2_1:
0x1d: {  	s9 =	rddreg [dreg:$0x8]  }
0x1e: {  	s9 =	sshrl.u32 s9, $0x3  }
0x1f: {  	[spmem:s9], [sflag:s12] =	dma.local [hbm:s5], $0x1900  }
0x20: {  	_ =	swait.ge [sflag:s18], $0x1900  }
0x21: {  	[sflag:s18] =	ssyncset.done $0x0;
	s10 =	rddreg [dreg:$0x9]  }
0x22: {  	s11 =	simm.s32 @!p0 $0x9;
	[sflag:s18] =	ssyncadd.s32 $0xFFFFE700;
	s10 =	sshrl.u32 @!p0 s10, $0x3  }
0x23: {  	[spmem:s10], [sflag:s12] =	dma.local @!p0 [hbm:s5], $0x1900  }
0x24: {  	_ =	swait.ge @!p0 [sflag:s11], $0x1900  }
0x25: {  	[sflag:s11] =	ssyncset.done @!p0 $0x0  }
0x26: {  	[sflag:s11] =	ssyncadd.s32 @!p0 $0xFFFFE700  }
0x27: {  	[bflag:$0x0] =	sbarrier.arrive $0xFFFF  }
0x28: {  	s14 =	rddreg [dreg:$0x3]  }
0x29: {  	[tilespmem:s3], [sflag:$0x1] =	stream.linear.gather [hbm4b:s14+s3], $0xA0, $0x38;
	[tilespmem:$0x1DC80] =	vst v63  }
0x2a: {  	s15 =	rddreg [dreg:$0x4]  }
0x2b: {  	[tilespmem:s19], [sflag:$0x2] =	stream.linear.gather [hbm4b:s15+s3], $0xA0, $0x38;
	[tilespmem:$0x1DC80] =	vst v63  }
0x2c: {  	s13 =	rddreg [dreg:$0x5]  }
0x2d: {  	[tilespmem:s20], [sflag:$0x5] =	stream.linear.gather [hbm4b:s13+s3], $0xA0, $0x38;
	[tilespmem:$0x1DC80] =	vst v63  }
0x2e: {  	s14 =	rddreg [dreg:$0x6]  }
0x2f: {  	[tilespmem:s21], [sflag:$0x6] =	stream.linear.gather [hbm4b:s14+s3], $0xA0, $0x38;
	[tilespmem:$0x1DC80] =	vst v63  }
0x30: {  	_ =	swait.ge [sflag:s22], $0xA0  }
0x31: {  	[sflag:s22] =	ssyncset.done $0x0  }
0x32: {  	[sflag:s22] =	ssyncadd.s32 $0xFFFFFF60  }
0x33: {  	[tilespmem:s26], [sflag:$0x3] =	stream.indirect.gather [hbm4b:s4+s25], $0x80, s3, s25, $0xb8;
	[tilespmem:$0x1DC80] =	vst v63  }
0x34: {  	_ =	swait.ge [sflag:s28], $0xA0  }
0x35: {  	[sflag:s28] =	ssyncset.done $0x0  }
0x36: {  	[sflag:s28] =	ssyncadd.s32 $0xFFFFFF60  }
0x37: {  	[tilespmem:s29], [sflag:$0x7] =	stream.indirect.gather [hbm4b:s4+s25], $0x80, s20, s25, $0xb8;
	[tilespmem:$0x1DC80] =	vst v63  }
0x38: {  	_ =	swait.ge [sflag:s30], $0x5000  }
0x39: {  	[sflag:s30] =	ssyncset.done $0x0  }
0x3a: {  	[sflag:s30] =	ssyncadd.s32 $0xFFFFB000  }
0x3b: {  	_ =	swait.ge [sflag:s31], $0xA0  }
0x3c: {  	[sflag:s31] =	ssyncset.done $0x0  }
0x3d: {  	[sflag:s31] =	ssyncadd.s32 $0xFFFFFF60  }
0x3e: {  	[spmem:s1] =	stream.indirect.scatter.add.f32 [tilespmem:s26], [sflag:$0x4], $0x80, s19, s25, $0xb8;
	[tilespmem:$0x1DC80] =	vst v63  }
0x3f: {  	_ =	swait.ge [sflag:s0], $0x5000  }
0x40: {  	s11 =	sadd.s32 $0x0, s16;
	[sflag:s0] =	ssyncset.done $0x0  }
0x41: {  	s13 =	sadd.s32 $0x500, s11;
	s14 =	sadd.s32 $0x0, s17;
	[sflag:s0] =	ssyncadd.s32 $0xFFFFB000  }
0x42: {  	[tilespmem:s3], [sflag:$0x1] =	stream.linear.gather [hbm4b:s13+s3], $0xA0, $0x38;
	[tilespmem:$0x1DC80] =	vst v63  }
0x43: {  	s15 =	sadd.s32 $0x500, s14  }
0x44: {  	[tilespmem:s19], [sflag:$0x2] =	stream.linear.gather [hbm4b:s15+s3], $0xA0, $0x38;
	[tilespmem:$0x1DC80] =	vst v63  }
0x45: {  	_ =	swait.ge [sflag:s22], $0xA0  }
0x46: {  	[sflag:s22] =	ssyncset.done $0x0  }
0x47: {  	[sflag:s22] =	ssyncadd.s32 $0xFFFFFF60  }
0x48: {  	[tilespmem:s26], [sflag:$0x3] =	stream.indirect.gather [hbm4b:s4+s25], $0x80, s3, s25, $0xb8;
	[tilespmem:$0x1DC80] =	vst v63  }
0x49: {  	_ =	swait.ge [sflag:s2], $0x5000  }
0x4a: {  	[sflag:s2] =	ssyncset.done $0x0  }
0x4b: {  	[sflag:s2] =	ssyncadd.s32 $0xFFFFB000  }
0x4c: {  	_ =	swait.ge [sflag:s6], $0xA0  }
0x4d: {  	[sflag:s6] =	ssyncset.done $0x0  }
0x4e: {  	[sflag:s6] =	ssyncadd.s32 $0xFFFFFF60  }
0x4f: {  	[spmem:s1] =	stream.indirect.scatter.add.f32 [tilespmem:s29], [sflag:$0x8], $0x80, s21, s25, $0xb8;
	[tilespmem:$0x1DC80] =	vst v63  }
0x50: {  	_ =	swait.ge [sflag:s7], $0x5000  }
0x51: {  	[sflag:s7] =	ssyncset.done $0x0  }
0x52: {  	s11 =	sadd.s32 $0x780, s11;
	[sflag:s7] =	ssyncadd.s32 $0xFFFFB000  }
0x53: {  	[tilespmem:s20], [sflag:$0x5] =	stream.linear.gather [hbm4b:s11+s3], $0xA0, $0x38;
	[tilespmem:$0x1DC80] =	vst v63  }
0x54: {  	s13 =	sadd.s32 $0x780, s14;
	s11 =	simm.s32 $0x500  }
.LBB2_2:
0x55: {  	[tilespmem:s21], [sflag:$0x6] =	stream.linear.gather [hbm4b:s13+s3], $0xA0, $0x38;
	[tilespmem:$0x1DC80] =	vst v63  }
0x56: {  	s13 =	smov.u32 s11  }
0x57: {  	p3 =	sne.s32 s11, $0x9100;
	s11 =	sadd.s32 $0x500, s11;
	_ =	swait.ge [sflag:s28], $0xA0  }
0x58: {  	[sflag:s28] =	ssyncset.done $0x0  }
0x59: {  	[sflag:s28] =	ssyncadd.s32 $0xFFFFFF60  }
0x5a: {  	[tilespmem:s29], [sflag:$0x7] =	stream.indirect.gather [hbm4b:s4+s25], $0x80, s20, s25, $0xb8;
	[tilespmem:$0x1DC80] =	vst v63  }
0x5b: {  	_ =	swait.ge [sflag:s30], $0x5000  }
0x5c: {  	[sflag:s30] =	ssyncset.done $0x0  }
0x5d: {  	[sflag:s30] =	ssyncadd.s32 $0xFFFFB000  }
0x5e: {  	_ =	swait.ge [sflag:s31], $0xA0  }
0x5f: {  	[sflag:s31] =	ssyncset.done $0x0  }
0x60: {  	[sflag:s31] =	ssyncadd.s32 $0xFFFFFF60  }
0x61: {  	[spmem:s1] =	stream.indirect.scatter.add.f32 [tilespmem:s26], [sflag:$0x4], $0x80, s19, s25, $0xb8;
	[tilespmem:$0x1DC80] =	vst v63  }
0x62: {  	_ =	swait.ge [sflag:s0], $0x5000  }
0x63: {  	s14 =	sadd.s32 s13, s16;
	[sflag:s0] =	ssyncset.done $0x0  }
0x64: {  	s13 =	sadd.s32 s13, s17;
	s15 =	sadd.s32 $0x500, s14;
	[sflag:s0] =	ssyncadd.s32 $0xFFFFB000  }
0x65: {  	[tilespmem:s3], [sflag:$0x1] =	stream.linear.gather [hbm4b:s15+s3], $0xA0, $0x38;
	[tilespmem:$0x1DC80] =	vst v63  }
0x66: {  	s15 =	sadd.s32 $0x500, s13  }
0x67: {  	[tilespmem:s19], [sflag:$0x2] =	stream.linear.gather [hbm4b:s15+s3], $0xA0, $0x38;
	[tilespmem:$0x1DC80] =	vst v63  }
0x68: {  	_ =	swait.ge [sflag:s22], $0xA0  }
0x69: {  	[sflag:s22] =	ssyncset.done $0x0  }
0x6a: {  	[sflag:s22] =	ssyncadd.s32 $0xFFFFFF60  }
0x6b: {  	[tilespmem:s26], [sflag:$0x3] =	stream.indirect.gather [hbm4b:s4+s25], $0x80, s3, s25, $0xb8;
	[tilespmem:$0x1DC80] =	vst v63  }
0x6c: {  	_ =	swait.ge [sflag:s2], $0x5000  }
0x6d: {  	[sflag:s2] =	ssyncset.done $0x0  }
0x6e: {  	[sflag:s2] =	ssyncadd.s32 $0xFFFFB000  }
0x6f: {  	_ =	swait.ge [sflag:s6], $0xA0  }
0x70: {  	[sflag:s6] =	ssyncset.done $0x0  }
0x71: {  	[sflag:s6] =	ssyncadd.s32 $0xFFFFFF60  }
0x72: {  	[spmem:s1] =	stream.indirect.scatter.add.f32 [tilespmem:s29], [sflag:$0x8], $0x80, s21, s25, $0xb8;
	[tilespmem:$0x1DC80] =	vst v63  }
.Ltmp0:
0x73: {  	_ =	swait.ge [sflag:s7], $0x5000;
	(pc) =	sbr.rel @p3 .LBB2_2-.Ltmp0, $4  }
0x74: {  	[sflag:s7] =	ssyncset.done $0x0  }
0x75: {  	s14 =	sadd.s32 $0x780, s14;
	[sflag:s7] =	ssyncadd.s32 $0xFFFFB000  }
0x76: {  	[tilespmem:s20], [sflag:$0x5] =	stream.linear.gather [hbm4b:s14+s3], $0xA0, $0x38;
	[tilespmem:$0x1DC80] =	vst v63  }
0x77: {  	s13 =	sadd.s32 $0x780, s13  }
0x78: {  	[tilespmem:s21], [sflag:$0x6] =	stream.linear.gather [hbm4b:s13+s3], $0xA0, $0x38;
	[tilespmem:$0x1DC80] =	vst v63  }
0x79: {  	_ =	swait.ge [sflag:s28], $0xA0  }
0x7a: {  	[sflag:s28] =	ssyncset.done $0x0  }
0x7b: {  	[sflag:s28] =	ssyncadd.s32 $0xFFFFFF60  }
0x7c: {  	[tilespmem:s29], [sflag:$0x7] =	stream.indirect.gather [hbm4b:s4+s25], $0x80, s20, s25, $0xb8;
	[tilespmem:$0x1DC80] =	vst v63  }
0x7d: {  	_ =	swait.ge [sflag:s30], $0x5000  }
0x7e: {  	[sflag:s30] =	ssyncset.done $0x0  }
0x7f: {  	[sflag:s30] =	ssyncadd.s32 $0xFFFFB000  }
0x80: {  	_ =	swait.ge [sflag:s31], $0xA0  }
0x81: {  	[sflag:s31] =	ssyncset.done $0x0  }
0x82: {  	[sflag:s31] =	ssyncadd.s32 $0xFFFFFF60  }
0x83: {  	[spmem:s1] =	stream.indirect.scatter.add.f32 [tilespmem:s26], [sflag:$0x4], $0x80, s19, s25, $0xb8;
	[tilespmem:$0x1DC80] =	vst v63  }
0x84: {  	_ =	swait.ge [sflag:s0], $0x5000  }
0x85: {  	[sflag:s0] =	ssyncset.done $0x0  }
0x86: {  	s11 =	simm.s32 @!p1 $0x0;
	s13 =	rddreg [dreg:$0xa];
	[sflag:s0] =	ssyncadd.s32 $0xFFFFB000  }
0x87: {  	[tilespmem:s11], [sflag:$0x1] =	stream.linear.gather @!p1 [hbm4b:s13+s11], $0xA0, $0x38;
	[tilespmem:$0x1DC80] =	vst v63  }
0x88: {  	s14 =	rddreg [dreg:$0xb];
	s13 =	simm.s32 @!p1 $0x100  }
0x89: {  	[tilespmem:s13], [sflag:$0x2] =	stream.linear.gather @!p1 [hbm4b:s14+s11], $0xA0, $0x38;
	[tilespmem:$0x1DC80] =	vst v63  }
0x8a: {  	s13 =	simm.s32 @!p1 $0x1  }
0x8b: {  	_ =	swait.ge @!p1 [sflag:s13], $0xA0  }
0x8c: {  	[sflag:s13] =	ssyncset.done @!p1 $0x0  }
0x8d: {  	s14 =	simm.s32 @!p1 $0x400;
	[sflag:s13] =	ssyncadd.s32 @!p1 $0xFFFFFF60;
	s13 =	simm.s32 @!p1 $0xA0  }
0x8e: {  	[tilespmem:s14], [sflag:$0x3] =	stream.indirect.gather @!p1 [hbm4b:s4+s13], $0x80, s11, s13, $0xb8;
	[tilespmem:$0x1DC80] =	vst v63  }
0x8f: {  	_ =	swait.ge [sflag:s2], $0x5000  }
0x90: {  	[sflag:s2] =	ssyncset.done $0x0  }
0x91: {  	[sflag:s2] =	ssyncadd.s32 $0xFFFFB000  }
0x92: {  	_ =	swait.ge [sflag:s6], $0xA0  }
0x93: {  	[sflag:s6] =	ssyncset.done $0x0  }
0x94: {  	[sflag:s6] =	ssyncadd.s32 $0xFFFFFF60  }
0x95: {  	[spmem:s1] =	stream.indirect.scatter.add.f32 [tilespmem:s29], [sflag:$0x8], $0x80, s21, s25, $0xb8;
	[tilespmem:$0x1DC80] =	vst v63  }
0x96: {  	_ =	swait.ge [sflag:s7], $0x5000  }
0x97: {  	[sflag:s7] =	ssyncset.done $0x0  }
0x98: {  	s11 =	simm.s32 @!p2 $0x3;
	[sflag:s7] =	ssyncadd.s32 $0xFFFFB000  }
0x99: {  	_ =	swait.ge @!p2 [sflag:s11], $0x5000  }
0x9a: {  	[sflag:s11] =	ssyncset.done @!p2 $0x0  }
0x9b: {  	[sflag:s11] =	ssyncadd.s32 @!p2 $0xFFFFB000;
	s11 =	simm.s32 @!p2 $0x2  }
0x9c: {  	_ =	swait.ge @!p2 [sflag:s11], $0xA0  }
0x9d: {  	s13 =	simm.s32 @!p2 $0x100;
	[sflag:s11] =	ssyncset.done @!p2 $0x0  }
0x9e: {  	s14 =	simm.s32 @!p2 $0x400;
	[sflag:s11] =	ssyncadd.s32 @!p2 $0xFFFFFF60;
	s11 =	simm.s32 @!p2 $0xA0  }
0x9f: {  	[spmem:s1] =	stream.indirect.scatter.add.f32 @!p2 [tilespmem:s14], [sflag:$0x4], $0x80, s13, s11, $0xb8;
	[tilespmem:$0x1DC80] =	vst v63  }
0xa0: {  	s11 =	simm.s32 @!p2 $0x4  }
0xa1: {  	_ =	swait.ge @!p2 [sflag:s11], $0x5000  }
0xa2: {  	[sflag:s11] =	ssyncset.done @!p2 $0x0  }
0xa3: {  	[sflag:s11] =	ssyncadd.s32 @!p2 $0xFFFFB000  }
0xa4: {  	[bflag:$0x0] =	sbarrier.arrive $0xFFFF  }
0xa5: {  	[hbm:s23], [sflag:s12] =	dma.local [spmem:s9], $0x1900  }
0xa6: {  	_ =	swait.ge [sflag:s18], $0x1900  }
0xa7: {  	[sflag:s18] =	ssyncset.done $0x0  }
0xa8: {  	s9 =	simm.s32 @!p0 $0x9;
	[sflag:s18] =	ssyncadd.s32 $0xFFFFE700  }
0xa9: {  	[hbm:s24], [sflag:s12] =	dma.local @!p0 [spmem:s10], $0x1900  }
0xaa: {  	_ =	swait.ge @!p0 [sflag:s9], $0x1900  }
0xab: {  	s8 =	sadd.s32 $0x1, s8;
	s15 =	rddreg [dreg:$0x7]  }
0xac: {  	p3 =	sne.s32 s8, s15  }
.Ltmp1:
0xad: {  	_ = 	snop;
	(pc) =	sbr.rel @p3 .LBB2_1-.Ltmp1, $3  }
0xae: {  	_ =	sdelay $0x1  }
0xaf: {  	[sflag:s9] =	ssyncset.done @!p0 $0x0  }
0xb0: {  	[sflag:s9] =	ssyncadd.s32 @!p0 $0xFFFFE700  }
0xb1: {  	_ =	sfence.sel $0x180000  }
0xb2: {  	[bflag:$0x0] =	sbarrier.arrive $0xFFFF  }
0xb3: {  	_ =	strace $0x90000053  }
0xb4: {  	s0 =	stileid.u32;
	[bflag:$0x2] =	sbarrier.arrive $0xFFFF  }
0xb5: {  	p0 =	sne.s32 s0, $0x0;
	s0 =	rddreg [dreg:$0x2]  }
0xb6: {  	s0 =	sadd.s32 @!p0 $0x100000, s0  }
0xb7: {  	[sflag:s0] =	ssyncadd.tile.s32 @!p0 $0x1;
	_ =	shalt  }
.Lfunc_end2:
_tile_overlayer_lowered:
.L_overlay_start_2:
0xb8: {  	(tag) =	ssettag $0x2  }
0xb9: {  	s0 =	rddreg [dreg:$0x0];
	s2 =	stileid.u32  }
0xba: {  	s1 =	rddreg [dreg:$0x1];
	p0 =	sne.s32 s2, $0x0  }
0xbb: {  	s3 =	rddreg [dreg:$0x2];
	[bflag:$0x3] =	sbarrier.arrive $0xFFFF;
	s2 =	simm.s32 @!p0 $0x1C09  }
0xbc: {  	[timem:s3], [sflag:s2] =	dma.local @!p0 [hbm:s0], s1  }
0xbd: {  	s0 =	simm.s32 @!p0 $0x9  }
0xbe: {  	_ =	swait.ge @!p0 [sflag:s0], s1  }
0xbf: {  	s1 =	ssub.s32 @!p0 $0x0, s1;
	[sflag:s0] =	ssyncset.done @!p0 $0x0  }
0xc0: {  	[sflag:s0] =	ssyncadd.s32 @!p0 s1  }
0xc1: {  	[bflag:$0x3] =	sbarrier.arrive $0xFFFF  }
0xc2: {  	_ =	shalt  }

</sc_bundles>
